<compile_context>
chip_gen: v7x
topology: tpu7x:2x2x1
jax: 0.10.2.dev20260603
libtpu: 0.0.44.dev20260713+nightly
codegen_flags: <defaults>
</compile_context>

<pallas_src>
import functools

import jax
import jax.numpy as jnp
from jax import lax
from jax.experimental import pallas as pl
from jax.experimental.pallas import tpu as pltpu
from jax.experimental.pallas import tpu_sc as plsc

_NW = 32
_NC = 2
_L = 128
_R = 2
_IB = 8


def kernel(x, table):
    B, H = x.shape
    V, D = table.shape
    N = B * H
    n_rows = N // _L
    rows_pw = n_rows // _NW
    chunks = rows_pw // _R
    G = _R * _L
    blocks = chunks // _IB
    groups = chunks // (2 * _IB)

    idx2d = x.reshape(n_rows, _L).astype(jnp.int32)

    mesh = plsc.VectorSubcoreMesh(core_axis_name="c", subcore_axis_name="s")

    @functools.partial(
        pl.kernel,
        mesh=mesh,
        out_type=jax.ShapeDtypeStruct((N, D), jnp.float32),
        scratch_types=[
            pltpu.VMEM((2, _IB * _R, _L), jnp.int32),
            pltpu.VMEM((2, G, D), jnp.float32),
            pltpu.VMEM_SHARED((V, D), jnp.float32),
        ] + [pltpu.SemaphoreType.DMA] * 6,
    )
    def sc_gather(idx_hbm, tab_hbm, out_hbm, idx_v, rows_v, tab_sh, *sems):
        wid = lax.axis_index("s") * _NC + lax.axis_index("c")
        r0 = wid * rows_pw
        sem_i = sems[0:2]
        sem_g = sems[2:4]
        sem_s = sems[4:6]

        @pl.when(lax.axis_index("s") == 0)
        def _():
            pltpu.sync_copy(tab_hbm, tab_sh)
        plsc.subcore_barrier()

        def idx_block_copy(kb, slot):
            return pltpu.make_async_copy(
                idx_hbm.at[pl.ds(r0 + kb * _IB * _R, _IB * _R)],
                idx_v.at[slot], sem_i[slot])

        def gather_starts(c, sb, s):
            for j in range(_R):
                pltpu.make_async_copy(
                    tab_sh.at[idx_v.at[sb, c * _R + j]],
                    rows_v.at[s, pl.ds(j * _L, _L)],
                    sem_g[s]).start()

        def gather_drain(s):
            pltpu.make_async_copy(
                out_hbm.at[pl.ds(0, G)], rows_v.at[s], sem_g[s]).wait()

        def store_copy(i, s):
            return pltpu.make_async_copy(
                rows_v.at[s], out_hbm.at[pl.ds((r0 + i * _R) * _L, G)],
                sem_s[s])

        idx_block_copy(0, 0).start()
        idx_block_copy(0, 0).wait()
        gather_starts(0, 0, 0)

        def body(g, carry):
            for cc in range(2 * _IB):
                i = g * (2 * _IB) + cc
                kb2 = cc // _IB
                c = cc % _IB
                sb = kb2
                s = cc % 2
                s1 = 1 - s

                @pl.when(i < chunks - 1)
                def _():
                    @pl.when(i >= 1)
                    def _():
                        store_copy(i - 1, s1).wait()
                    if c == _IB - 1:
                        idx_block_copy(i // _IB + 1, 1 - sb).wait()
                        gather_starts(0, 1 - sb, s1)
                    else:
                        gather_starts(c + 1, sb, s1)
                gather_drain(s)
                if c == 0:
                    kb_next = (i // _IB) + 1

                    @pl.when(kb_next < blocks)
                    def _():
                        idx_block_copy(kb_next, 1 - sb).start()
                store_copy(i, s).start()
            return carry

        lax.fori_loop(0, groups, body, 0)

        store_copy(chunks - 2, 0).wait()
        store_copy(chunks - 1, 1).wait()

    out = sc_gather(idx2d, table)
    return out.reshape(B, H, D)

# --- scband reference (transcript-rebuilt; emitter-appended) ---
"""Pipeline reference for scband-source-encoding-20203526160812 (READ-ONLY COPY).

The authoritative reference and input builder live on the scoring server;
editing this copy changes nothing except your own understanding.
"""

import jax, jax.numpy as jnp
import numpy as np

SOURCES = 1000
FC_DIM = 128
BATCH = 16384
HIST = 200

def setup_inputs(seed: int = 0) -> dict:
    key = jax.random.key(seed)
    k_idx, k_tab = jax.random.split(key)
    x = jax.random.randint(k_idx, (BATCH, HIST), 0, SOURCES, dtype=jnp.int64 if jax.config.jax_enable_x64 else jnp.int32)
    table = jax.random.normal(k_tab, (SOURCES, FC_DIM), dtype=jnp.float32)
    return {"x": x, "table": table}

def reference(x, table):
    # nn.Embedding lookup: gather rows of the table by index
    return jnp.take(table, x, axis=0)

if __name__ == "__main__":
    import jax
    _d = setup_inputs()
    print(jax.jit(kernel)(*tuple(_d.values())))

</pallas_src>

<mosaic_0001>
#map = affine_map<(d0, d1) -> (0, 0)>
module attributes {stable_mosaic.version = 14 : i64} {
  func.func @sc_gather(%arg0: i32, %arg1: i32, %arg2: memref<25600x128xi32, #tpu.memory_space<hbm>>, %arg3: memref<1000x128xf32, #tpu.memory_space<hbm>>, %arg4: memref<3276800x128xf32, #tpu.memory_space<hbm>>, %arg5: memref<2x16x128xi32, #tpu.memory_space<vmem>>, %arg6: memref<2x256x128xf32, #tpu.memory_space<vmem>>, %arg7: memref<1000x128xf32, #tpu.memory_space<vmem_shared>>, %arg8: memref<!tpu.dma_semaphore, #tpu.memory_space<semaphore_mem>>, %arg9: memref<!tpu.dma_semaphore, #tpu.memory_space<semaphore_mem>>, %arg10: memref<!tpu.dma_semaphore, #tpu.memory_space<semaphore_mem>>, %arg11: memref<!tpu.dma_semaphore, #tpu.memory_space<semaphore_mem>>, %arg12: memref<!tpu.dma_semaphore, #tpu.memory_space<semaphore_mem>>, %arg13: memref<!tpu.dma_semaphore, #tpu.memory_space<semaphore_mem>>) attributes {dimension_semantics = [#tpu.dimension_semantics<core_parallel>, #tpu.dimension_semantics<subcore_parallel>], iteration_bounds = array<i64: 2, 16>, scalar_prefetch = 0 : i64, scratch_operands = 9 : i64, tpu.core_type = #tpu.core_type<sc_vector_subcore>, window_params = [{transform_indices = #map}, {transform_indices = #map}, {transform_indices = #map}]} {
    %mul3A = arith.constant 2 : i32
    %mul3A_0 = arith.muli %arg1, %mul3A : i32
    %add3A = arith.addi %mul3A_0, %arg0 : i32
    %mul3A_1 = arith.constant 800 : i32
    %mul3A_2 = arith.muli %add3A, %mul3A_1 : i32
    %eq3A = arith.constant 0 : i32
    %eq3A_3 = arith.cmpi eq, %arg1, %eq3A : i32
    %convert_element_type3A = arith.extui %eq3A_3 : i1 to i32
    %cond3A = arith.constant 0 : i32
    %cond3A_4 = arith.cmpi ne, %convert_element_type3A, %cond3A : i32
    scf.if %cond3A_4 {
      "tpu.region"() ({
        %run_scoped3A = tpu.sem_alloc : memref<!tpu.dma_semaphore, #tpu.memory_space<semaphore_mem>>
        tpu.enqueue_dma source(%arg3 : memref<1000x128xf32, #tpu.memory_space<hbm>>) target(%arg7 : memref<1000x128xf32, #tpu.memory_space<vmem_shared>>) target_semaphore(%run_scoped3A : memref<!tpu.dma_semaphore, #tpu.memory_space<semaphore_mem>>)
        tpu.wait_dma2 semaphore(%run_scoped3A : memref<!tpu.dma_semaphore, #tpu.memory_space<semaphore_mem>>) src(%arg3 : memref<1000x128xf32, #tpu.memory_space<hbm>>) dst(%arg7 : memref<1000x128xf32, #tpu.memory_space<vmem_shared>>)
        tpu.yield
      }) : () -> ()
    } else {
    }
    %barrier3A = arith.constant 0 : index
    tpu.barrier barrier_id(%barrier3A)
    %add3A_5 = arith.constant 0 : i32
    %add3A_6 = arith.addi %mul3A_2, %add3A_5 : i32
    %dma_start3A = arith.constant 0 : i32
    %dma_start3A_7 = arith.constant 0 : i32
    %dma_start3A_8 = arith.constant 0 : i32
    %dma_start3A_9 = tpu.memref_slice %arg5[%dma_start3A, %dma_start3A_7, %dma_start3A_8] : memref<2x16x128xi32, #tpu.memory_space<vmem>> -> memref<1x16x128xi32, #tpu.memory_space<vmem>>
    %dma_start3A_10 = tpu.memref_squeeze %dma_start3A_9 : memref<1x16x128xi32, #tpu.memory_space<vmem>> -> memref<16x128xi32, #tpu.memory_space<vmem>>
    %dma_start3A_11 = arith.constant 0 : i32
    %dma_start3A_12 = tpu.memref_slice %arg2[%add3A_6, %dma_start3A_11] : memref<25600x128xi32, #tpu.memory_space<hbm>> -> memref<16x128xi32, #tpu.memory_space<hbm>>
    %dma_start3A_13 = arith.constant 0 : i32
    %dma_start3A_14 = arith.constant 0 : i32
    %dma_start3A_15 = tpu.memref_slice %arg5[%dma_start3A, %dma_start3A_13, %dma_start3A_14] : memref<2x16x128xi32, #tpu.memory_space<vmem>> -> memref<1x16x128xi32, #tpu.memory_space<vmem>>
    %dma_start3A_16 = tpu.memref_squeeze %dma_start3A_15 : memref<1x16x128xi32, #tpu.memory_space<vmem>> -> memref<16x128xi32, #tpu.memory_space<vmem>>
    %dma_start3A_17 = arith.constant 0 : i32
    %dma_start3A_18 = tpu.memref_slice %arg2[%add3A_6, %dma_start3A_17] : memref<25600x128xi32, #tpu.memory_space<hbm>> -> memref<16x128xi32, #tpu.memory_space<hbm>>
    tpu.enqueue_dma source(%dma_start3A_18 : memref<16x128xi32, #tpu.memory_space<hbm>>) target(%dma_start3A_16 : memref<16x128xi32, #tpu.memory_space<vmem>>) target_semaphore(%arg8 : memref<!tpu.dma_semaphore, #tpu.memory_space<semaphore_mem>>)
    %add3A_19 = arith.constant 0 : i32
    %add3A_20 = arith.addi %mul3A_2, %add3A_19 : i32
    %dma_wait3A = arith.constant 0 : i32
    %dma_wait3A_21 = arith.constant 0 : i32
    %dma_wait3A_22 = arith.constant 0 : i32
    %dma_wait3A_23 = tpu.memref_slice %arg5[%dma_wait3A, %dma_wait3A_21, %dma_wait3A_22] : memref<2x16x128xi32, #tpu.memory_space<vmem>> -> memref<1x16x128xi32, #tpu.memory_space<vmem>>
    %dma_wait3A_24 = tpu.memref_squeeze %dma_wait3A_23 : memref<1x16x128xi32, #tpu.memory_space<vmem>> -> memref<16x128xi32, #tpu.memory_space<vmem>>
    %dma_wait3A_25 = arith.constant 0 : i32
    %dma_wait3A_26 = tpu.memref_slice %arg2[%add3A_20, %dma_wait3A_25] : memref<25600x128xi32, #tpu.memory_space<hbm>> -> memref<16x128xi32, #tpu.memory_space<hbm>>
    %dma_wait3A_27 = arith.constant 0 : i32
    %dma_wait3A_28 = arith.constant 0 : i32
    %dma_wait3A_29 = tpu.memref_slice %arg5[%dma_wait3A, %dma_wait3A_27, %dma_wait3A_28] : memref<2x16x128xi32, #tpu.memory_space<vmem>> -> memref<1x16x128xi32, #tpu.memory_space<vmem>>
    %dma_wait3A_30 = tpu.memref_squeeze %dma_wait3A_29 : memref<1x16x128xi32, #tpu.memory_space<vmem>> -> memref<16x128xi32, #tpu.memory_space<vmem>>
    %dma_wait3A_31 = arith.constant 0 : i32
    %dma_wait3A_32 = tpu.memref_slice %arg2[%add3A_20, %dma_wait3A_31] : memref<25600x128xi32, #tpu.memory_space<hbm>> -> memref<16x128xi32, #tpu.memory_space<hbm>>
    tpu.wait_dma2 semaphore(%arg8 : memref<!tpu.dma_semaphore, #tpu.memory_space<semaphore_mem>>) src(%dma_wait3A_32 : memref<16x128xi32, #tpu.memory_space<hbm>>) dst(%dma_wait3A_30 : memref<16x128xi32, #tpu.memory_space<vmem>>)
    %dma_start3A_33 = arith.constant 0 : i32
    %dma_start3A_34 = arith.constant 0 : i32
    %dma_start3A_35 = arith.constant 0 : i32
    %dma_start3A_36 = arith.constant 0 : i32
    %dma_start3A_37 = arith.constant 0 : i32
    %dma_start3A_38 = tpu.memref_slice %arg6[%dma_start3A_35, %dma_start3A_36, %dma_start3A_37] : memref<2x256x128xf32, #tpu.memory_space<vmem>> -> memref<1x128x128xf32, #tpu.memory_space<vmem>>
    %dma_start3A_39 = tpu.memref_squeeze %dma_start3A_38 : memref<1x128x128xf32, #tpu.memory_space<vmem>> -> memref<128x128xf32, #tpu.memory_space<vmem>>
    %dma_start3A_40 = arith.constant 0 : i32
    %dma_start3A_41 = tpu.memref_slice %arg5[%dma_start3A_33, %dma_start3A_34, %dma_start3A_40] : memref<2x16x128xi32, #tpu.memory_space<vmem>> -> memref<1x1x128xi32, #tpu.memory_space<vmem>>
    %dma_start3A_42 = tpu.memref_squeeze %dma_start3A_41 : memref<1x1x128xi32, #tpu.memory_space<vmem>> -> memref<128xi32, #tpu.memory_space<vmem>>
    %dma_start3A_43 = arith.constant 0 : i32
    %dma_start3A_44 = arith.constant 0 : i32
    %dma_start3A_45 = tpu.memref_slice %arg7[%dma_start3A_43, %dma_start3A_44] : memref<1000x128xf32, #tpu.memory_space<vmem_shared>> -> memref<1000x128xf32, #tpu.memory_space<vmem_shared>>
    tpu.enqueue_indirect_dma source(%dma_start3A_45 : memref<1000x128xf32, #tpu.memory_space<vmem_shared>>) target(%dma_start3A_39 : memref<128x128xf32, #tpu.memory_space<vmem>>) offsets(%dma_start3A_42 : memref<128xi32, #tpu.memory_space<vmem>>) semaphore(%arg10 : memref<!tpu.dma_semaphore, #tpu.memory_space<semaphore_mem>>)
    %dma_start3A_46 = arith.constant 0 : i32
    %dma_start3A_47 = arith.constant 1 : i32
    %dma_start3A_48 = arith.constant 0 : i32
    %dma_start3A_49 = arith.constant 128 : i32
    %dma_start3A_50 = arith.constant 0 : i32
    %dma_start3A_51 = tpu.memref_slice %arg6[%dma_start3A_48, %dma_start3A_49, %dma_start3A_50] : memref<2x256x128xf32, #tpu.memory_space<vmem>> -> memref<1x128x128xf32, #tpu.memory_space<vmem>>
    %dma_start3A_52 = tpu.memref_squeeze %dma_start3A_51 : memref<1x128x128xf32, #tpu.memory_space<vmem>> -> memref<128x128xf32, #tpu.memory_space<vmem>>
    %dma_start3A_53 = arith.constant 0 : i32
    %dma_start3A_54 = tpu.memref_slice %arg5[%dma_start3A_46, %dma_start3A_47, %dma_start3A_53] : memref<2x16x128xi32, #tpu.memory_space<vmem>> -> memref<1x1x128xi32, #tpu.memory_space<vmem>>
    %dma_start3A_55 = tpu.memref_squeeze %dma_start3A_54 : memref<1x1x128xi32, #tpu.memory_space<vmem>> -> memref<128xi32, #tpu.memory_space<vmem>>
    %dma_start3A_56 = arith.constant 0 : i32
    %dma_start3A_57 = arith.constant 0 : i32
    %dma_start3A_58 = tpu.memref_slice %arg7[%dma_start3A_56, %dma_start3A_57] : memref<1000x128xf32, #tpu.memory_space<vmem_shared>> -> memref<1000x128xf32, #tpu.memory_space<vmem_shared>>
    tpu.enqueue_indirect_dma source(%dma_start3A_58 : memref<1000x128xf32, #tpu.memory_space<vmem_shared>>) target(%dma_start3A_52 : memref<128x128xf32, #tpu.memory_space<vmem>>) offsets(%dma_start3A_55 : memref<128xi32, #tpu.memory_space<vmem>>) semaphore(%arg10 : memref<!tpu.dma_semaphore, #tpu.memory_space<semaphore_mem>>)
    %scan3A = arith.constant 0 : i32
    %scan3A_59 = arith.constant 0 : i32
    %scan3A_60 = arith.constant 25 : i32
    %scan3A_61 = arith.addi %scan3A_59, %scan3A_60 : i32
    %scan3A_62 = arith.constant 1 : i32
    scf.for %scan3A_98 = %scan3A_59 to %scan3A_61 step %scan3A_62  : i32 {
      %mul3A_99 = arith.constant 16 : i32
      %mul3A_100 = arith.muli %scan3A_98, %mul3A_99 : i32
      %add3A_101 = arith.constant 0 : i32
      %add3A_102 = arith.addi %mul3A_100, %add3A_101 : i32
      %lt3A = arith.constant 399 : i32
      %lt3A_103 = arith.cmpi slt, %add3A_102, %lt3A : i32
      %convert_element_type3A_104 = arith.extui %lt3A_103 : i1 to i32
      %cond3A_105 = arith.constant 0 : i32
      %cond3A_106 = arith.cmpi ne, %convert_element_type3A_104, %cond3A_105 : i32
      scf.if %cond3A_106 {
        %ge3A = arith.constant 1 : i32
        %ge3A_824 = arith.cmpi sge, %add3A_102, %ge3A : i32
        %convert_element_type3A_825 = arith.extui %ge3A_824 : i1 to i32
        %cond3A_826 = arith.constant 0 : i32
        %cond3A_827 = arith.cmpi ne, %convert_element_type3A_825, %cond3A_826 : i32
        scf.if %cond3A_827 {
          %sub3A_854 = arith.constant 1 : i32
          %sub3A_855 = arith.subi %add3A_102, %sub3A_854 : i32
          %mul3A_856 = arith.constant 2 : i32
          %mul3A_857 = arith.muli %sub3A_855, %mul3A_856 : i32
          %add3A_858 = arith.addi %mul3A_2, %mul3A_857 : i32
          %mul3A_859 = arith.constant 128 : i32
          %mul3A_860 = arith.muli %add3A_858, %mul3A_859 : i32
          %dma_wait3A_861 = arith.constant 1 : i32
          %dma_wait3A_862 = arith.constant 0 : i32
          %dma_wait3A_863 = arith.constant 0 : i32
          %dma_wait3A_864 = tpu.memref_slice %arg6[%dma_wait3A_861, %dma_wait3A_862, %dma_wait3A_863] : memref<2x256x128xf32, #tpu.memory_space<vmem>> -> memref<1x256x128xf32, #tpu.memory_space<vmem>>
          %dma_wait3A_865 = tpu.memref_squeeze %dma_wait3A_864 : memref<1x256x128xf32, #tpu.memory_space<vmem>> -> memref<256x128xf32, #tpu.memory_space<vmem>>
          %dma_wait3A_866 = arith.constant 0 : i32
          %dma_wait3A_867 = tpu.memref_slice %arg4[%mul3A_860, %dma_wait3A_866] : memref<3276800x128xf32, #tpu.memory_space<hbm>> -> memref<256x128xf32, #tpu.memory_space<hbm>>
          %dma_wait3A_868 = arith.constant 0 : i32
          %dma_wait3A_869 = tpu.memref_slice %arg4[%mul3A_860, %dma_wait3A_868] : memref<3276800x128xf32, #tpu.memory_space<hbm>> -> memref<256x128xf32, #tpu.memory_space<hbm>>
          %dma_wait3A_870 = arith.constant 0 : i32
          %dma_wait3A_871 = arith.constant 0 : i32
          %dma_wait3A_872 = tpu.memref_slice %arg6[%dma_wait3A_861, %dma_wait3A_870, %dma_wait3A_871] : memref<2x256x128xf32, #tpu.memory_space<vmem>> -> memref<1x256x128xf32, #tpu.memory_space<vmem>>
          %dma_wait3A_873 = tpu.memref_squeeze %dma_wait3A_872 : memref<1x256x128xf32, #tpu.memory_space<vmem>> -> memref<256x128xf32, #tpu.memory_space<vmem>>
          tpu.wait_dma2 semaphore(%arg13 : memref<!tpu.dma_semaphore, #tpu.memory_space<semaphore_mem>>) src(%dma_wait3A_873 : memref<256x128xf32, #tpu.memory_space<vmem>>) dst(%dma_wait3A_869 : memref<256x128xf32, #tpu.memory_space<hbm>>)
        } else {
        }
        %dma_start3A_828 = arith.constant 0 : i32
        %dma_start3A_829 = arith.constant 2 : i32
        %dma_start3A_830 = arith.constant 1 : i32
        %dma_start3A_831 = arith.constant 0 : i32
        %dma_start3A_832 = arith.constant 0 : i32
        %dma_start3A_833 = tpu.memref_slice %arg6[%dma_start3A_830, %dma_start3A_831, %dma_start3A_832] : memref<2x256x128xf32, #tpu.memory_space<vmem>> -> memref<1x128x128xf32, #tpu.memory_space<vmem>>
        %dma_start3A_834 = tpu.memref_squeeze %dma_start3A_833 : memref<1x128x128xf32, #tpu.memory_space<vmem>> -> memref<128x128xf32, #tpu.memory_space<vmem>>
        %dma_start3A_835 = arith.constant 0 : i32
        %dma_start3A_836 = tpu.memref_slice %arg5[%dma_start3A_828, %dma_start3A_829, %dma_start3A_835] : memref<2x16x128xi32, #tpu.memory_space<vmem>> -> memref<1x1x128xi32, #tpu.memory_space<vmem>>
        %dma_start3A_837 = tpu.memref_squeeze %dma_start3A_836 : memref<1x1x128xi32, #tpu.memory_space<vmem>> -> memref<128xi32, #tpu.memory_space<vmem>>
        %dma_start3A_838 = arith.constant 0 : i32
        %dma_start3A_839 = arith.constant 0 : i32
        %dma_start3A_840 = tpu.memref_slice %arg7[%dma_start3A_838, %dma_start3A_839] : memref<1000x128xf32, #tpu.memory_space<vmem_shared>> -> memref<1000x128xf32, #tpu.memory_space<vmem_shared>>
        tpu.enqueue_indirect_dma source(%dma_start3A_840 : memref<1000x128xf32, #tpu.memory_space<vmem_shared>>) target(%dma_start3A_834 : memref<128x128xf32, #tpu.memory_space<vmem>>) offsets(%dma_start3A_837 : memref<128xi32, #tpu.memory_space<vmem>>) semaphore(%arg11 : memref<!tpu.dma_semaphore, #tpu.memory_space<semaphore_mem>>)
        %dma_start3A_841 = arith.constant 0 : i32
        %dma_start3A_842 = arith.constant 3 : i32
        %dma_start3A_843 = arith.constant 1 : i32
        %dma_start3A_844 = arith.constant 128 : i32
        %dma_start3A_845 = arith.constant 0 : i32
        %dma_start3A_846 = tpu.memref_slice %arg6[%dma_start3A_843, %dma_start3A_844, %dma_start3A_845] : memref<2x256x128xf32, #tpu.memory_space<vmem>> -> memref<1x128x128xf32, #tpu.memory_space<vmem>>
        %dma_start3A_847 = tpu.memref_squeeze %dma_start3A_846 : memref<1x128x128xf32, #tpu.memory_space<vmem>> -> memref<128x128xf32, #tpu.memory_space<vmem>>
        %dma_start3A_848 = arith.constant 0 : i32
        %dma_start3A_849 = tpu.memref_slice %arg5[%dma_start3A_841, %dma_start3A_842, %dma_start3A_848] : memref<2x16x128xi32, #tpu.memory_space<vmem>> -> memref<1x1x128xi32, #tpu.memory_space<vmem>>
        %dma_start3A_850 = tpu.memref_squeeze %dma_start3A_849 : memref<1x1x128xi32, #tpu.memory_space<vmem>> -> memref<128xi32, #tpu.memory_space<vmem>>
        %dma_start3A_851 = arith.constant 0 : i32
        %dma_start3A_852 = arith.constant 0 : i32
        %dma_start3A_853 = tpu.memref_slice %arg7[%dma_start3A_851, %dma_start3A_852] : memref<1000x128xf32, #tpu.memory_space<vmem_shared>> -> memref<1000x128xf32, #tpu.memory_space<vmem_shared>>
        tpu.enqueue_indirect_dma source(%dma_start3A_853 : memref<1000x128xf32, #tpu.memory_space<vmem_shared>>) target(%dma_start3A_847 : memref<128x128xf32, #tpu.memory_space<vmem>>) offsets(%dma_start3A_850 : memref<128xi32, #tpu.memory_space<vmem>>) semaphore(%arg11 : memref<!tpu.dma_semaphore, #tpu.memory_space<semaphore_mem>>)
      } else {
      }
      %dma_wait3A_107 = arith.constant 0 : i32
      %dma_wait3A_108 = arith.constant 0 : i32
      %dma_wait3A_109 = arith.constant 0 : i32
      %dma_wait3A_110 = tpu.memref_slice %arg6[%dma_wait3A_107, %dma_wait3A_108, %dma_wait3A_109] : memref<2x256x128xf32, #tpu.memory_space<vmem>> -> memref<1x256x128xf32, #tpu.memory_space<vmem>>
      %dma_wait3A_111 = tpu.memref_squeeze %dma_wait3A_110 : memref<1x256x128xf32, #tpu.memory_space<vmem>> -> memref<256x128xf32, #tpu.memory_space<vmem>>
      %dma_wait3A_112 = arith.constant 0 : i32
      %dma_wait3A_113 = arith.constant 0 : i32
      %dma_wait3A_114 = tpu.memref_slice %arg4[%dma_wait3A_112, %dma_wait3A_113] : memref<3276800x128xf32, #tpu.memory_space<hbm>> -> memref<256x128xf32, #tpu.memory_space<hbm>>
      %dma_wait3A_115 = arith.constant 0 : i32
      %dma_wait3A_116 = arith.constant 0 : i32
      %dma_wait3A_117 = tpu.memref_slice %arg6[%dma_wait3A_107, %dma_wait3A_115, %dma_wait3A_116] : memref<2x256x128xf32, #tpu.memory_space<vmem>> -> memref<1x256x128xf32, #tpu.memory_space<vmem>>
      %dma_wait3A_118 = tpu.memref_squeeze %dma_wait3A_117 : memref<1x256x128xf32, #tpu.memory_space<vmem>> -> memref<256x128xf32, #tpu.memory_space<vmem>>
      %dma_wait3A_119 = arith.constant 0 : i32
      %dma_wait3A_120 = arith.constant 0 : i32
      %dma_wait3A_121 = tpu.memref_slice %arg4[%dma_wait3A_119, %dma_wait3A_120] : memref<3276800x128xf32, #tpu.memory_space<hbm>> -> memref<256x128xf32, #tpu.memory_space<hbm>>
      tpu.wait_dma2 semaphore(%arg10 : memref<!tpu.dma_semaphore, #tpu.memory_space<semaphore_mem>>) src(%dma_wait3A_121 : memref<256x128xf32, #tpu.memory_space<hbm>>) dst(%dma_wait3A_118 : memref<256x128xf32, #tpu.memory_space<vmem>>)
      %jit3A = arith.constant 8 : i32
      %div3A = arith.divsi %add3A_102, %jit3A : i32
      %sign3A = arith.constant 0 : i32
      %sign3A_122 = arith.cmpi sgt, %add3A_102, %sign3A : i32
      %sign3A_123 = arith.extui %sign3A_122 : i1 to i32
      %sign3A_124 = arith.constant 0 : i32
      %sign3A_125 = arith.cmpi slt, %add3A_102, %sign3A_124 : i32
      %sign3A_126 = arith.extui %sign3A_125 : i1 to i32
      %sign3A_127 = arith.subi %sign3A_123, %sign3A_126 : i32
      %sign3A_128 = arith.constant 0 : i32
      %sign3A_129 = arith.cmpi sgt, %jit3A, %sign3A_128 : i32
      %sign3A_130 = arith.extui %sign3A_129 : i1 to i32
      %sign3A_131 = arith.constant 0 : i32
      %sign3A_132 = arith.cmpi slt, %jit3A, %sign3A_131 : i32
      %sign3A_133 = arith.extui %sign3A_132 : i1 to i32
      %sign3A_134 = arith.subi %sign3A_130, %sign3A_133 : i32
      %ne3A = arith.cmpi ne, %sign3A_127, %sign3A_134 : i32
      %rem3A = arith.remsi %add3A_102, %jit3A : i32
      %ne3A_135 = arith.constant 0 : i32
      %ne3A_136 = arith.cmpi ne, %rem3A, %ne3A_135 : i32
      %and3A = arith.andi %ne3A, %ne3A_136 : i1
      %sub3A = arith.constant 1 : i32
      %sub3A_137 = arith.subi %div3A, %sub3A : i32
      %select_n3A = arith.select %and3A, %sub3A_137, %div3A : i32
      %add3A_138 = arith.constant 1 : i32
      %add3A_139 = arith.addi %select_n3A, %add3A_138 : i32
      %lt3A_140 = arith.constant 50 : i32
      %lt3A_141 = arith.cmpi slt, %add3A_139, %lt3A_140 : i32
      %convert_element_type3A_142 = arith.extui %lt3A_141 : i1 to i32
      %cond3A_143 = arith.constant 0 : i32
      %cond3A_144 = arith.cmpi ne, %convert_element_type3A_142, %cond3A_143 : i32
      scf.if %cond3A_144 {
        %mul3A_824 = arith.constant 8 : i32
        %mul3A_825 = arith.muli %add3A_139, %mul3A_824 : i32
        %mul3A_826 = arith.constant 2 : i32
        %mul3A_827 = arith.muli %mul3A_825, %mul3A_826 : i32
        %add3A_828 = arith.addi %mul3A_2, %mul3A_827 : i32
        %dma_start3A_829 = arith.constant 1 : i32
        %dma_start3A_830 = arith.constant 0 : i32
        %dma_start3A_831 = arith.constant 0 : i32
        %dma_start3A_832 = tpu.memref_slice %arg5[%dma_start3A_829, %dma_start3A_830, %dma_start3A_831] : memref<2x16x128xi32, #tpu.memory_space<vmem>> -> memref<1x16x128xi32, #tpu.memory_space<vmem>>
        %dma_start3A_833 = tpu.memref_squeeze %dma_start3A_832 : memref<1x16x128xi32, #tpu.memory_space<vmem>> -> memref<16x128xi32, #tpu.memory_space<vmem>>
        %dma_start3A_834 = arith.constant 0 : i32
        %dma_start3A_835 = tpu.memref_slice %arg2[%add3A_828, %dma_start3A_834] : memref<25600x128xi32, #tpu.memory_space<hbm>> -> memref<16x128xi32, #tpu.memory_space<hbm>>
        %dma_start3A_836 = arith.constant 0 : i32
        %dma_start3A_837 = arith.constant 0 : i32
        %dma_start3A_838 = tpu.memref_slice %arg5[%dma_start3A_829, %dma_start3A_836, %dma_start3A_837] : memref<2x16x128xi32, #tpu.memory_space<vmem>> -> memref<1x16x128xi32, #tpu.memory_space<vmem>>
        %dma_start3A_839 = tpu.memref_squeeze %dma_start3A_838 : memref<1x16x128xi32, #tpu.memory_space<vmem>> -> memref<16x128xi32, #tpu.memory_space<vmem>>
        %dma_start3A_840 = arith.constant 0 : i32
        %dma_start3A_841 = tpu.memref_slice %arg2[%add3A_828, %dma_start3A_840] : memref<25600x128xi32, #tpu.memory_space<hbm>> -> memref<16x128xi32, #tpu.memory_space<hbm>>
        tpu.enqueue_dma source(%dma_start3A_841 : memref<16x128xi32, #tpu.memory_space<hbm>>) target(%dma_start3A_839 : memref<16x128xi32, #tpu.memory_space<vmem>>) target_semaphore(%arg9 : memref<!tpu.dma_semaphore, #tpu.memory_space<semaphore_mem>>)
      } else {
      }
      %mul3A_145 = arith.constant 2 : i32
      %mul3A_146 = arith.muli %add3A_102, %mul3A_145 : i32
      %add3A_147 = arith.addi %mul3A_2, %mul3A_146 : i32
      %mul3A_148 = arith.constant 128 : i32
      %mul3A_149 = arith.muli %add3A_147, %mul3A_148 : i32
      %dma_start3A_150 = arith.constant 0 : i32
      %dma_start3A_151 = arith.constant 0 : i32
      %dma_start3A_152 = arith.constant 0 : i32
      %dma_start3A_153 = tpu.memref_slice %arg6[%dma_start3A_150, %dma_start3A_151, %dma_start3A_152] : memref<2x256x128xf32, #tpu.memory_space<vmem>> -> memref<1x256x128xf32, #tpu.memory_space<vmem>>
      %dma_start3A_154 = tpu.memref_squeeze %dma_start3A_153 : memref<1x256x128xf32, #tpu.memory_space<vmem>> -> memref<256x128xf32, #tpu.memory_space<vmem>>
      %dma_start3A_155 = arith.constant 0 : i32
      %dma_start3A_156 = tpu.memref_slice %arg4[%mul3A_149, %dma_start3A_155] : memref<3276800x128xf32, #tpu.memory_space<hbm>> -> memref<256x128xf32, #tpu.memory_space<hbm>>
      %dma_start3A_157 = arith.constant 0 : i32
      %dma_start3A_158 = tpu.memref_slice %arg4[%mul3A_149, %dma_start3A_157] : memref<3276800x128xf32, #tpu.memory_space<hbm>> -> memref<256x128xf32, #tpu.memory_space<hbm>>
      %dma_start3A_159 = arith.constant 0 : i32
      %dma_start3A_160 = arith.constant 0 : i32
      %dma_start3A_161 = tpu.memref_slice %arg6[%dma_start3A_150, %dma_start3A_159, %dma_start3A_160] : memref<2x256x128xf32, #tpu.memory_space<vmem>> -> memref<1x256x128xf32, #tpu.memory_space<vmem>>
      %dma_start3A_162 = tpu.memref_squeeze %dma_start3A_161 : memref<1x256x128xf32, #tpu.memory_space<vmem>> -> memref<256x128xf32, #tpu.memory_space<vmem>>
      tpu.enqueue_dma source(%dma_start3A_162 : memref<256x128xf32, #tpu.memory_space<vmem>>) target(%dma_start3A_158 : memref<256x128xf32, #tpu.memory_space<hbm>>) target_semaphore(%arg12 : memref<!tpu.dma_semaphore, #tpu.memory_space<semaphore_mem>>)
      %mul3A_163 = arith.constant 16 : i32
      %mul3A_164 = arith.muli %scan3A_98, %mul3A_163 : i32
      %add3A_165 = arith.constant 1 : i32
      %add3A_166 = arith.addi %mul3A_164, %add3A_165 : i32
      %lt3A_167 = arith.constant 399 : i32
      %lt3A_168 = arith.cmpi slt, %add3A_166, %lt3A_167 : i32
      %convert_element_type3A_169 = arith.extui %lt3A_168 : i1 to i32
      %cond3A_170 = arith.constant 0 : i32
      %cond3A_171 = arith.cmpi ne, %convert_element_type3A_169, %cond3A_170 : i32
      scf.if %cond3A_171 {
        %ge3A = arith.constant 1 : i32
        %ge3A_824 = arith.cmpi sge, %add3A_166, %ge3A : i32
        %convert_element_type3A_825 = arith.extui %ge3A_824 : i1 to i32
        %cond3A_826 = arith.constant 0 : i32
        %cond3A_827 = arith.cmpi ne, %convert_element_type3A_825, %cond3A_826 : i32
        scf.if %cond3A_827 {
          %sub3A_854 = arith.constant 1 : i32
          %sub3A_855 = arith.subi %add3A_166, %sub3A_854 : i32
          %mul3A_856 = arith.constant 2 : i32
          %mul3A_857 = arith.muli %sub3A_855, %mul3A_856 : i32
          %add3A_858 = arith.addi %mul3A_2, %mul3A_857 : i32
          %mul3A_859 = arith.constant 128 : i32
          %mul3A_860 = arith.muli %add3A_858, %mul3A_859 : i32
          %dma_wait3A_861 = arith.constant 0 : i32
          %dma_wait3A_862 = arith.constant 0 : i32
          %dma_wait3A_863 = arith.constant 0 : i32
          %dma_wait3A_864 = tpu.memref_slice %arg6[%dma_wait3A_861, %dma_wait3A_862, %dma_wait3A_863] : memref<2x256x128xf32, #tpu.memory_space<vmem>> -> memref<1x256x128xf32, #tpu.memory_space<vmem>>
          %dma_wait3A_865 = tpu.memref_squeeze %dma_wait3A_864 : memref<1x256x128xf32, #tpu.memory_space<vmem>> -> memref<256x128xf32, #tpu.memory_space<vmem>>
          %dma_wait3A_866 = arith.constant 0 : i32
          %dma_wait3A_867 = tpu.memref_slice %arg4[%mul3A_860, %dma_wait3A_866] : memref<3276800x128xf32, #tpu.memory_space<hbm>> -> memref<256x128xf32, #tpu.memory_space<hbm>>
          %dma_wait3A_868 = arith.constant 0 : i32
          %dma_wait3A_869 = tpu.memref_slice %arg4[%mul3A_860, %dma_wait3A_868] : memref<3276800x128xf32, #tpu.memory_space<hbm>> -> memref<256x128xf32, #tpu.memory_space<hbm>>
          %dma_wait3A_870 = arith.constant 0 : i32
          %dma_wait3A_871 = arith.constant 0 : i32
          %dma_wait3A_872 = tpu.memref_slice %arg6[%dma_wait3A_861, %dma_wait3A_870, %dma_wait3A_871] : memref<2x256x128xf32, #tpu.memory_space<vmem>> -> memref<1x256x128xf32, #tpu.memory_space<vmem>>
          %dma_wait3A_873 = tpu.memref_squeeze %dma_wait3A_872 : memref<1x256x128xf32, #tpu.memory_space<vmem>> -> memref<256x128xf32, #tpu.memory_space<vmem>>
          tpu.wait_dma2 semaphore(%arg12 : memref<!tpu.dma_semaphore, #tpu.memory_space<semaphore_mem>>) src(%dma_wait3A_873 : memref<256x128xf32, #tpu.memory_space<vmem>>) dst(%dma_wait3A_869 : memref<256x128xf32, #tpu.memory_space<hbm>>)
        } else {
        }
        %dma_start3A_828 = arith.constant 0 : i32
        %dma_start3A_829 = arith.constant 4 : i32
        %dma_start3A_830 = arith.constant 0 : i32
        %dma_start3A_831 = arith.constant 0 : i32
        %dma_start3A_832 = arith.constant 0 : i32
        %dma_start3A_833 = tpu.memref_slice %arg6[%dma_start3A_830, %dma_start3A_831, %dma_start3A_832] : memref<2x256x128xf32, #tpu.memory_space<vmem>> -> memref<1x128x128xf32, #tpu.memory_space<vmem>>
        %dma_start3A_834 = tpu.memref_squeeze %dma_start3A_833 : memref<1x128x128xf32, #tpu.memory_space<vmem>> -> memref<128x128xf32, #tpu.memory_space<vmem>>
        %dma_start3A_835 = arith.constant 0 : i32
        %dma_start3A_836 = tpu.memref_slice %arg5[%dma_start3A_828, %dma_start3A_829, %dma_start3A_835] : memref<2x16x128xi32, #tpu.memory_space<vmem>> -> memref<1x1x128xi32, #tpu.memory_space<vmem>>
        %dma_start3A_837 = tpu.memref_squeeze %dma_start3A_836 : memref<1x1x128xi32, #tpu.memory_space<vmem>> -> memref<128xi32, #tpu.memory_space<vmem>>
        %dma_start3A_838 = arith.constant 0 : i32
        %dma_start3A_839 = arith.constant 0 : i32
        %dma_start3A_840 = tpu.memref_slice %arg7[%dma_start3A_838, %dma_start3A_839] : memref<1000x128xf32, #tpu.memory_space<vmem_shared>> -> memref<1000x128xf32, #tpu.memory_space<vmem_shared>>
        tpu.enqueue_indirect_dma source(%dma_start3A_840 : memref<1000x128xf32, #tpu.memory_space<vmem_shared>>) target(%dma_start3A_834 : memref<128x128xf32, #tpu.memory_space<vmem>>) offsets(%dma_start3A_837 : memref<128xi32, #tpu.memory_space<vmem>>) semaphore(%arg10 : memref<!tpu.dma_semaphore, #tpu.memory_space<semaphore_mem>>)
        %dma_start3A_841 = arith.constant 0 : i32
        %dma_start3A_842 = arith.constant 5 : i32
        %dma_start3A_843 = arith.constant 0 : i32
        %dma_start3A_844 = arith.constant 128 : i32
        %dma_start3A_845 = arith.constant 0 : i32
        %dma_start3A_846 = tpu.memref_slice %arg6[%dma_start3A_843, %dma_start3A_844, %dma_start3A_845] : memref<2x256x128xf32, #tpu.memory_space<vmem>> -> memref<1x128x128xf32, #tpu.memory_space<vmem>>
        %dma_start3A_847 = tpu.memref_squeeze %dma_start3A_846 : memref<1x128x128xf32, #tpu.memory_space<vmem>> -> memref<128x128xf32, #tpu.memory_space<vmem>>
        %dma_start3A_848 = arith.constant 0 : i32
        %dma_start3A_849 = tpu.memref_slice %arg5[%dma_start3A_841, %dma_start3A_842, %dma_start3A_848] : memref<2x16x128xi32, #tpu.memory_space<vmem>> -> memref<1x1x128xi32, #tpu.memory_space<vmem>>
        %dma_start3A_850 = tpu.memref_squeeze %dma_start3A_849 : memref<1x1x128xi32, #tpu.memory_space<vmem>> -> memref<128xi32, #tpu.memory_space<vmem>>
        %dma_start3A_851 = arith.constant 0 : i32
        %dma_start3A_852 = arith.constant 0 : i32
        %dma_start3A_853 = tpu.memref_slice %arg7[%dma_start3A_851, %dma_start3A_852] : memref<1000x128xf32, #tpu.memory_space<vmem_shared>> -> memref<1000x128xf32, #tpu.memory_space<vmem_shared>>
        tpu.enqueue_indirect_dma source(%dma_start3A_853 : memref<1000x128xf32, #tpu.memory_space<vmem_shared>>) target(%dma_start3A_847 : memref<128x128xf32, #tpu.memory_space<vmem>>) offsets(%dma_start3A_850 : memref<128xi32, #tpu.memory_space<vmem>>) semaphore(%arg10 : memref<!tpu.dma_semaphore, #tpu.memory_space<semaphore_mem>>)
      } else {
      }
      %dma_wait3A_172 = arith.constant 1 : i32
      %dma_wait3A_173 = arith.constant 0 : i32
      %dma_wait3A_174 = arith.constant 0 : i32
      %dma_wait3A_175 = tpu.memref_slice %arg6[%dma_wait3A_172, %dma_wait3A_173, %dma_wait3A_174] : memref<2x256x128xf32, #tpu.memory_space<vmem>> -> memref<1x256x128xf32, #tpu.memory_space<vmem>>
      %dma_wait3A_176 = tpu.memref_squeeze %dma_wait3A_175 : memref<1x256x128xf32, #tpu.memory_space<vmem>> -> memref<256x128xf32, #tpu.memory_space<vmem>>
      %dma_wait3A_177 = arith.constant 0 : i32
      %dma_wait3A_178 = arith.constant 0 : i32
      %dma_wait3A_179 = tpu.memref_slice %arg4[%dma_wait3A_177, %dma_wait3A_178] : memref<3276800x128xf32, #tpu.memory_space<hbm>> -> memref<256x128xf32, #tpu.memory_space<hbm>>
      %dma_wait3A_180 = arith.constant 0 : i32
      %dma_wait3A_181 = arith.constant 0 : i32
      %dma_wait3A_182 = tpu.memref_slice %arg6[%dma_wait3A_172, %dma_wait3A_180, %dma_wait3A_181] : memref<2x256x128xf32, #tpu.memory_space<vmem>> -> memref<1x256x128xf32, #tpu.memory_space<vmem>>
      %dma_wait3A_183 = tpu.memref_squeeze %dma_wait3A_182 : memref<1x256x128xf32, #tpu.memory_space<vmem>> -> memref<256x128xf32, #tpu.memory_space<vmem>>
      %dma_wait3A_184 = arith.constant 0 : i32
      %dma_wait3A_185 = arith.constant 0 : i32
      %dma_wait3A_186 = tpu.memref_slice %arg4[%dma_wait3A_184, %dma_wait3A_185] : memref<3276800x128xf32, #tpu.memory_space<hbm>> -> memref<256x128xf32, #tpu.memory_space<hbm>>
      tpu.wait_dma2 semaphore(%arg11 : memref<!tpu.dma_semaphore, #tpu.memory_space<semaphore_mem>>) src(%dma_wait3A_186 : memref<256x128xf32, #tpu.memory_space<hbm>>) dst(%dma_wait3A_183 : memref<256x128xf32, #tpu.memory_space<vmem>>)
      %mul3A_187 = arith.constant 2 : i32
      %mul3A_188 = arith.muli %add3A_166, %mul3A_187 : i32
      %add3A_189 = arith.addi %mul3A_2, %mul3A_188 : i32
      %mul3A_190 = arith.constant 128 : i32
      %mul3A_191 = arith.muli %add3A_189, %mul3A_190 : i32
      %dma_start3A_192 = arith.constant 1 : i32
      %dma_start3A_193 = arith.constant 0 : i32
      %dma_start3A_194 = arith.constant 0 : i32
      %dma_start3A_195 = tpu.memref_slice %arg6[%dma_start3A_192, %dma_start3A_193, %dma_start3A_194] : memref<2x256x128xf32, #tpu.memory_space<vmem>> -> memref<1x256x128xf32, #tpu.memory_space<vmem>>
      %dma_start3A_196 = tpu.memref_squeeze %dma_start3A_195 : memref<1x256x128xf32, #tpu.memory_space<vmem>> -> memref<256x128xf32, #tpu.memory_space<vmem>>
      %dma_start3A_197 = arith.constant 0 : i32
      %dma_start3A_198 = tpu.memref_slice %arg4[%mul3A_191, %dma_start3A_197] : memref<3276800x128xf32, #tpu.memory_space<hbm>> -> memref<256x128xf32, #tpu.memory_space<hbm>>
      %dma_start3A_199 = arith.constant 0 : i32
      %dma_start3A_200 = tpu.memref_slice %arg4[%mul3A_191, %dma_start3A_199] : memref<3276800x128xf32, #tpu.memory_space<hbm>> -> memref<256x128xf32, #tpu.memory_space<hbm>>
      %dma_start3A_201 = arith.constant 0 : i32
      %dma_start3A_202 = arith.constant 0 : i32
      %dma_start3A_203 = tpu.memref_slice %arg6[%dma_start3A_192, %dma_start3A_201, %dma_start3A_202] : memref<2x256x128xf32, #tpu.memory_space<vmem>> -> memref<1x256x128xf32, #tpu.memory_space<vmem>>
      %dma_start3A_204 = tpu.memref_squeeze %dma_start3A_203 : memref<1x256x128xf32, #tpu.memory_space<vmem>> -> memref<256x128xf32, #tpu.memory_space<vmem>>
      tpu.enqueue_dma source(%dma_start3A_204 : memref<256x128xf32, #tpu.memory_space<vmem>>) target(%dma_start3A_200 : memref<256x128xf32, #tpu.memory_space<hbm>>) target_semaphore(%arg13 : memref<!tpu.dma_semaphore, #tpu.memory_space<semaphore_mem>>)
      %mul3A_205 = arith.constant 16 : i32
      %mul3A_206 = arith.muli %scan3A_98, %mul3A_205 : i32
      %add3A_207 = arith.constant 2 : i32
      %add3A_208 = arith.addi %mul3A_206, %add3A_207 : i32
      %lt3A_209 = arith.constant 399 : i32
      %lt3A_210 = arith.cmpi slt, %add3A_208, %lt3A_209 : i32
      %convert_element_type3A_211 = arith.extui %lt3A_210 : i1 to i32
      %cond3A_212 = arith.constant 0 : i32
      %cond3A_213 = arith.cmpi ne, %convert_element_type3A_211, %cond3A_212 : i32
      scf.if %cond3A_213 {
        %ge3A = arith.constant 1 : i32
        %ge3A_824 = arith.cmpi sge, %add3A_208, %ge3A : i32
        %convert_element_type3A_825 = arith.extui %ge3A_824 : i1 to i32
        %cond3A_826 = arith.constant 0 : i32
        %cond3A_827 = arith.cmpi ne, %convert_element_type3A_825, %cond3A_826 : i32
        scf.if %cond3A_827 {
          %sub3A_854 = arith.constant 1 : i32
          %sub3A_855 = arith.subi %add3A_208, %sub3A_854 : i32
          %mul3A_856 = arith.constant 2 : i32
          %mul3A_857 = arith.muli %sub3A_855, %mul3A_856 : i32
          %add3A_858 = arith.addi %mul3A_2, %mul3A_857 : i32
          %mul3A_859 = arith.constant 128 : i32
          %mul3A_860 = arith.muli %add3A_858, %mul3A_859 : i32
          %dma_wait3A_861 = arith.constant 1 : i32
          %dma_wait3A_862 = arith.constant 0 : i32
          %dma_wait3A_863 = arith.constant 0 : i32
          %dma_wait3A_864 = tpu.memref_slice %arg6[%dma_wait3A_861, %dma_wait3A_862, %dma_wait3A_863] : memref<2x256x128xf32, #tpu.memory_space<vmem>> -> memref<1x256x128xf32, #tpu.memory_space<vmem>>
          %dma_wait3A_865 = tpu.memref_squeeze %dma_wait3A_864 : memref<1x256x128xf32, #tpu.memory_space<vmem>> -> memref<256x128xf32, #tpu.memory_space<vmem>>
          %dma_wait3A_866 = arith.constant 0 : i32
          %dma_wait3A_867 = tpu.memref_slice %arg4[%mul3A_860, %dma_wait3A_866] : memref<3276800x128xf32, #tpu.memory_space<hbm>> -> memref<256x128xf32, #tpu.memory_space<hbm>>
          %dma_wait3A_868 = arith.constant 0 : i32
          %dma_wait3A_869 = tpu.memref_slice %arg4[%mul3A_860, %dma_wait3A_868] : memref<3276800x128xf32, #tpu.memory_space<hbm>> -> memref<256x128xf32, #tpu.memory_space<hbm>>
          %dma_wait3A_870 = arith.constant 0 : i32
          %dma_wait3A_871 = arith.constant 0 : i32
          %dma_wait3A_872 = tpu.memref_slice %arg6[%dma_wait3A_861, %dma_wait3A_870, %dma_wait3A_871] : memref<2x256x128xf32, #tpu.memory_space<vmem>> -> memref<1x256x128xf32, #tpu.memory_space<vmem>>
          %dma_wait3A_873 = tpu.memref_squeeze %dma_wait3A_872 : memref<1x256x128xf32, #tpu.memory_space<vmem>> -> memref<256x128xf32, #tpu.memory_space<vmem>>
          tpu.wait_dma2 semaphore(%arg13 : memref<!tpu.dma_semaphore, #tpu.memory_space<semaphore_mem>>) src(%dma_wait3A_873 : memref<256x128xf32, #tpu.memory_space<vmem>>) dst(%dma_wait3A_869 : memref<256x128xf32, #tpu.memory_space<hbm>>)
        } else {
        }
        %dma_start3A_828 = arith.constant 0 : i32
        %dma_start3A_829 = arith.constant 6 : i32
        %dma_start3A_830 = arith.constant 1 : i32
        %dma_start3A_831 = arith.constant 0 : i32
        %dma_start3A_832 = arith.constant 0 : i32
        %dma_start3A_833 = tpu.memref_slice %arg6[%dma_start3A_830, %dma_start3A_831, %dma_start3A_832] : memref<2x256x128xf32, #tpu.memory_space<vmem>> -> memref<1x128x128xf32, #tpu.memory_space<vmem>>
        %dma_start3A_834 = tpu.memref_squeeze %dma_start3A_833 : memref<1x128x128xf32, #tpu.memory_space<vmem>> -> memref<128x128xf32, #tpu.memory_space<vmem>>
        %dma_start3A_835 = arith.constant 0 : i32
        %dma_start3A_836 = tpu.memref_slice %arg5[%dma_start3A_828, %dma_start3A_829, %dma_start3A_835] : memref<2x16x128xi32, #tpu.memory_space<vmem>> -> memref<1x1x128xi32, #tpu.memory_space<vmem>>
        %dma_start3A_837 = tpu.memref_squeeze %dma_start3A_836 : memref<1x1x128xi32, #tpu.memory_space<vmem>> -> memref<128xi32, #tpu.memory_space<vmem>>
        %dma_start3A_838 = arith.constant 0 : i32
        %dma_start3A_839 = arith.constant 0 : i32
        %dma_start3A_840 = tpu.memref_slice %arg7[%dma_start3A_838, %dma_start3A_839] : memref<1000x128xf32, #tpu.memory_space<vmem_shared>> -> memref<1000x128xf32, #tpu.memory_space<vmem_shared>>
        tpu.enqueue_indirect_dma source(%dma_start3A_840 : memref<1000x128xf32, #tpu.memory_space<vmem_shared>>) target(%dma_start3A_834 : memref<128x128xf32, #tpu.memory_space<vmem>>) offsets(%dma_start3A_837 : memref<128xi32, #tpu.memory_space<vmem>>) semaphore(%arg11 : memref<!tpu.dma_semaphore, #tpu.memory_space<semaphore_mem>>)
        %dma_start3A_841 = arith.constant 0 : i32
        %dma_start3A_842 = arith.constant 7 : i32
        %dma_start3A_843 = arith.constant 1 : i32
        %dma_start3A_844 = arith.constant 128 : i32
        %dma_start3A_845 = arith.constant 0 : i32
        %dma_start3A_846 = tpu.memref_slice %arg6[%dma_start3A_843, %dma_start3A_844, %dma_start3A_845] : memref<2x256x128xf32, #tpu.memory_space<vmem>> -> memref<1x128x128xf32, #tpu.memory_space<vmem>>
        %dma_start3A_847 = tpu.memref_squeeze %dma_start3A_846 : memref<1x128x128xf32, #tpu.memory_space<vmem>> -> memref<128x128xf32, #tpu.memory_space<vmem>>
        %dma_start3A_848 = arith.constant 0 : i32
        %dma_start3A_849 = tpu.memref_slice %arg5[%dma_start3A_841, %dma_start3A_842, %dma_start3A_848] : memref<2x16x128xi32, #tpu.memory_space<vmem>> -> memref<1x1x128xi32, #tpu.memory_space<vmem>>
        %dma_start3A_850 = tpu.memref_squeeze %dma_start3A_849 : memref<1x1x128xi32, #tpu.memory_space<vmem>> -> memref<128xi32, #tpu.memory_space<vmem>>
        %dma_start3A_851 = arith.constant 0 : i32
        %dma_start3A_852 = arith.constant 0 : i32
        %dma_start3A_853 = tpu.memref_slice %arg7[%dma_start3A_851, %dma_start3A_852] : memref<1000x128xf32, #tpu.memory_space<vmem_shared>> -> memref<1000x128xf32, #tpu.memory_space<vmem_shared>>
        tpu.enqueue_indirect_dma source(%dma_start3A_853 : memref<1000x128xf32, #tpu.memory_space<vmem_shared>>) target(%dma_start3A_847 : memref<128x128xf32, #tpu.memory_space<vmem>>) offsets(%dma_start3A_850 : memref<128xi32, #tpu.memory_space<vmem>>) semaphore(%arg11 : memref<!tpu.dma_semaphore, #tpu.memory_space<semaphore_mem>>)
      } else {
      }
      %dma_wait3A_214 = arith.constant 0 : i32
      %dma_wait3A_215 = arith.constant 0 : i32
      %dma_wait3A_216 = arith.constant 0 : i32
      %dma_wait3A_217 = tpu.memref_slice %arg6[%dma_wait3A_214, %dma_wait3A_215, %dma_wait3A_216] : memref<2x256x128xf32, #tpu.memory_space<vmem>> -> memref<1x256x128xf32, #tpu.memory_space<vmem>>
      %dma_wait3A_218 = tpu.memref_squeeze %dma_wait3A_217 : memref<1x256x128xf32, #tpu.memory_space<vmem>> -> memref<256x128xf32, #tpu.memory_space<vmem>>
      %dma_wait3A_219 = arith.constant 0 : i32
      %dma_wait3A_220 = arith.constant 0 : i32
      %dma_wait3A_221 = tpu.memref_slice %arg4[%dma_wait3A_219, %dma_wait3A_220] : memref<3276800x128xf32, #tpu.memory_space<hbm>> -> memref<256x128xf32, #tpu.memory_space<hbm>>
      %dma_wait3A_222 = arith.constant 0 : i32
      %dma_wait3A_223 = arith.constant 0 : i32
      %dma_wait3A_224 = tpu.memref_slice %arg6[%dma_wait3A_214, %dma_wait3A_222, %dma_wait3A_223] : memref<2x256x128xf32, #tpu.memory_space<vmem>> -> memref<1x256x128xf32, #tpu.memory_space<vmem>>
      %dma_wait3A_225 = tpu.memref_squeeze %dma_wait3A_224 : memref<1x256x128xf32, #tpu.memory_space<vmem>> -> memref<256x128xf32, #tpu.memory_space<vmem>>
      %dma_wait3A_226 = arith.constant 0 : i32
      %dma_wait3A_227 = arith.constant 0 : i32
      %dma_wait3A_228 = tpu.memref_slice %arg4[%dma_wait3A_226, %dma_wait3A_227] : memref<3276800x128xf32, #tpu.memory_space<hbm>> -> memref<256x128xf32, #tpu.memory_space<hbm>>
      tpu.wait_dma2 semaphore(%arg10 : memref<!tpu.dma_semaphore, #tpu.memory_space<semaphore_mem>>) src(%dma_wait3A_228 : memref<256x128xf32, #tpu.memory_space<hbm>>) dst(%dma_wait3A_225 : memref<256x128xf32, #tpu.memory_space<vmem>>)
      %mul3A_229 = arith.constant 2 : i32
      %mul3A_230 = arith.muli %add3A_208, %mul3A_229 : i32
      %add3A_231 = arith.addi %mul3A_2, %mul3A_230 : i32
      %mul3A_232 = arith.constant 128 : i32
      %mul3A_233 = arith.muli %add3A_231, %mul3A_232 : i32
      %dma_start3A_234 = arith.constant 0 : i32
      %dma_start3A_235 = arith.constant 0 : i32
      %dma_start3A_236 = arith.constant 0 : i32
      %dma_start3A_237 = tpu.memref_slice %arg6[%dma_start3A_234, %dma_start3A_235, %dma_start3A_236] : memref<2x256x128xf32, #tpu.memory_space<vmem>> -> memref<1x256x128xf32, #tpu.memory_space<vmem>>
      %dma_start3A_238 = tpu.memref_squeeze %dma_start3A_237 : memref<1x256x128xf32, #tpu.memory_space<vmem>> -> memref<256x128xf32, #tpu.memory_space<vmem>>
      %dma_start3A_239 = arith.constant 0 : i32
      %dma_start3A_240 = tpu.memref_slice %arg4[%mul3A_233, %dma_start3A_239] : memref<3276800x128xf32, #tpu.memory_space<hbm>> -> memref<256x128xf32, #tpu.memory_space<hbm>>
      %dma_start3A_241 = arith.constant 0 : i32
      %dma_start3A_242 = tpu.memref_slice %arg4[%mul3A_233, %dma_start3A_241] : memref<3276800x128xf32, #tpu.memory_space<hbm>> -> memref<256x128xf32, #tpu.memory_space<hbm>>
      %dma_start3A_243 = arith.constant 0 : i32
      %dma_start3A_244 = arith.constant 0 : i32
      %dma_start3A_245 = tpu.memref_slice %arg6[%dma_start3A_234, %dma_start3A_243, %dma_start3A_244] : memref<2x256x128xf32, #tpu.memory_space<vmem>> -> memref<1x256x128xf32, #tpu.memory_space<vmem>>
      %dma_start3A_246 = tpu.memref_squeeze %dma_start3A_245 : memref<1x256x128xf32, #tpu.memory_space<vmem>> -> memref<256x128xf32, #tpu.memory_space<vmem>>
      tpu.enqueue_dma source(%dma_start3A_246 : memref<256x128xf32, #tpu.memory_space<vmem>>) target(%dma_start3A_242 : memref<256x128xf32, #tpu.memory_space<hbm>>) target_semaphore(%arg12 : memref<!tpu.dma_semaphore, #tpu.memory_space<semaphore_mem>>)
      %mul3A_247 = arith.constant 16 : i32
      %mul3A_248 = arith.muli %scan3A_98, %mul3A_247 : i32
      %add3A_249 = arith.constant 3 : i32
      %add3A_250 = arith.addi %mul3A_248, %add3A_249 : i32
      %lt3A_251 = arith.constant 399 : i32
      %lt3A_252 = arith.cmpi slt, %add3A_250, %lt3A_251 : i32
      %convert_element_type3A_253 = arith.extui %lt3A_252 : i1 to i32
      %cond3A_254 = arith.constant 0 : i32
      %cond3A_255 = arith.cmpi ne, %convert_element_type3A_253, %cond3A_254 : i32
      scf.if %cond3A_255 {
        %ge3A = arith.constant 1 : i32
        %ge3A_824 = arith.cmpi sge, %add3A_250, %ge3A : i32
        %convert_element_type3A_825 = arith.extui %ge3A_824 : i1 to i32
        %cond3A_826 = arith.constant 0 : i32
        %cond3A_827 = arith.cmpi ne, %convert_element_type3A_825, %cond3A_826 : i32
        scf.if %cond3A_827 {
          %sub3A_854 = arith.constant 1 : i32
          %sub3A_855 = arith.subi %add3A_250, %sub3A_854 : i32
          %mul3A_856 = arith.constant 2 : i32
          %mul3A_857 = arith.muli %sub3A_855, %mul3A_856 : i32
          %add3A_858 = arith.addi %mul3A_2, %mul3A_857 : i32
          %mul3A_859 = arith.constant 128 : i32
          %mul3A_860 = arith.muli %add3A_858, %mul3A_859 : i32
          %dma_wait3A_861 = arith.constant 0 : i32
          %dma_wait3A_862 = arith.constant 0 : i32
          %dma_wait3A_863 = arith.constant 0 : i32
          %dma_wait3A_864 = tpu.memref_slice %arg6[%dma_wait3A_861, %dma_wait3A_862, %dma_wait3A_863] : memref<2x256x128xf32, #tpu.memory_space<vmem>> -> memref<1x256x128xf32, #tpu.memory_space<vmem>>
          %dma_wait3A_865 = tpu.memref_squeeze %dma_wait3A_864 : memref<1x256x128xf32, #tpu.memory_space<vmem>> -> memref<256x128xf32, #tpu.memory_space<vmem>>
          %dma_wait3A_866 = arith.constant 0 : i32
          %dma_wait3A_867 = tpu.memref_slice %arg4[%mul3A_860, %dma_wait3A_866] : memref<3276800x128xf32, #tpu.memory_space<hbm>> -> memref<256x128xf32, #tpu.memory_space<hbm>>
          %dma_wait3A_868 = arith.constant 0 : i32
          %dma_wait3A_869 = tpu.memref_slice %arg4[%mul3A_860, %dma_wait3A_868] : memref<3276800x128xf32, #tpu.memory_space<hbm>> -> memref<256x128xf32, #tpu.memory_space<hbm>>
          %dma_wait3A_870 = arith.constant 0 : i32
          %dma_wait3A_871 = arith.constant 0 : i32
          %dma_wait3A_872 = tpu.memref_slice %arg6[%dma_wait3A_861, %dma_wait3A_870, %dma_wait3A_871] : memref<2x256x128xf32, #tpu.memory_space<vmem>> -> memref<1x256x128xf32, #tpu.memory_space<vmem>>
          %dma_wait3A_873 = tpu.memref_squeeze %dma_wait3A_872 : memref<1x256x128xf32, #tpu.memory_space<vmem>> -> memref<256x128xf32, #tpu.memory_space<vmem>>
          tpu.wait_dma2 semaphore(%arg12 : memref<!tpu.dma_semaphore, #tpu.memory_space<semaphore_mem>>) src(%dma_wait3A_873 : memref<256x128xf32, #tpu.memory_space<vmem>>) dst(%dma_wait3A_869 : memref<256x128xf32, #tpu.memory_space<hbm>>)
        } else {
        }
        %dma_start3A_828 = arith.constant 0 : i32
        %dma_start3A_829 = arith.constant 8 : i32
        %dma_start3A_830 = arith.constant 0 : i32
        %dma_start3A_831 = arith.constant 0 : i32
        %dma_start3A_832 = arith.constant 0 : i32
        %dma_start3A_833 = tpu.memref_slice %arg6[%dma_start3A_830, %dma_start3A_831, %dma_start3A_832] : memref<2x256x128xf32, #tpu.memory_space<vmem>> -> memref<1x128x128xf32, #tpu.memory_space<vmem>>
        %dma_start3A_834 = tpu.memref_squeeze %dma_start3A_833 : memref<1x128x128xf32, #tpu.memory_space<vmem>> -> memref<128x128xf32, #tpu.memory_space<vmem>>
        %dma_start3A_835 = arith.constant 0 : i32
        %dma_start3A_836 = tpu.memref_slice %arg5[%dma_start3A_828, %dma_start3A_829, %dma_start3A_835] : memref<2x16x128xi32, #tpu.memory_space<vmem>> -> memref<1x1x128xi32, #tpu.memory_space<vmem>>
        %dma_start3A_837 = tpu.memref_squeeze %dma_start3A_836 : memref<1x1x128xi32, #tpu.memory_space<vmem>> -> memref<128xi32, #tpu.memory_space<vmem>>
        %dma_start3A_838 = arith.constant 0 : i32
        %dma_start3A_839 = arith.constant 0 : i32
        %dma_start3A_840 = tpu.memref_slice %arg7[%dma_start3A_838, %dma_start3A_839] : memref<1000x128xf32, #tpu.memory_space<vmem_shared>> -> memref<1000x128xf32, #tpu.memory_space<vmem_shared>>
        tpu.enqueue_indirect_dma source(%dma_start3A_840 : memref<1000x128xf32, #tpu.memory_space<vmem_shared>>) target(%dma_start3A_834 : memref<128x128xf32, #tpu.memory_space<vmem>>) offsets(%dma_start3A_837 : memref<128xi32, #tpu.memory_space<vmem>>) semaphore(%arg10 : memref<!tpu.dma_semaphore, #tpu.memory_space<semaphore_mem>>)
        %dma_start3A_841 = arith.constant 0 : i32
        %dma_start3A_842 = arith.constant 9 : i32
        %dma_start3A_843 = arith.constant 0 : i32
        %dma_start3A_844 = arith.constant 128 : i32
        %dma_start3A_845 = arith.constant 0 : i32
        %dma_start3A_846 = tpu.memref_slice %arg6[%dma_start3A_843, %dma_start3A_844, %dma_start3A_845] : memref<2x256x128xf32, #tpu.memory_space<vmem>> -> memref<1x128x128xf32, #tpu.memory_space<vmem>>
        %dma_start3A_847 = tpu.memref_squeeze %dma_start3A_846 : memref<1x128x128xf32, #tpu.memory_space<vmem>> -> memref<128x128xf32, #tpu.memory_space<vmem>>
        %dma_start3A_848 = arith.constant 0 : i32
        %dma_start3A_849 = tpu.memref_slice %arg5[%dma_start3A_841, %dma_start3A_842, %dma_start3A_848] : memref<2x16x128xi32, #tpu.memory_space<vmem>> -> memref<1x1x128xi32, #tpu.memory_space<vmem>>
        %dma_start3A_850 = tpu.memref_squeeze %dma_start3A_849 : memref<1x1x128xi32, #tpu.memory_space<vmem>> -> memref<128xi32, #tpu.memory_space<vmem>>
        %dma_start3A_851 = arith.constant 0 : i32
        %dma_start3A_852 = arith.constant 0 : i32
        %dma_start3A_853 = tpu.memref_slice %arg7[%dma_start3A_851, %dma_start3A_852] : memref<1000x128xf32, #tpu.memory_space<vmem_shared>> -> memref<1000x128xf32, #tpu.memory_space<vmem_shared>>
        tpu.enqueue_indirect_dma source(%dma_start3A_853 : memref<1000x128xf32, #tpu.memory_space<vmem_shared>>) target(%dma_start3A_847 : memref<128x128xf32, #tpu.memory_space<vmem>>) offsets(%dma_start3A_850 : memref<128xi32, #tpu.memory_space<vmem>>) semaphore(%arg10 : memref<!tpu.dma_semaphore, #tpu.memory_space<semaphore_mem>>)
      } else {
      }
      %dma_wait3A_256 = arith.constant 1 : i32
      %dma_wait3A_257 = arith.constant 0 : i32
      %dma_wait3A_258 = arith.constant 0 : i32
      %dma_wait3A_259 = tpu.memref_slice %arg6[%dma_wait3A_256, %dma_wait3A_257, %dma_wait3A_258] : memref<2x256x128xf32, #tpu.memory_space<vmem>> -> memref<1x256x128xf32, #tpu.memory_space<vmem>>
      %dma_wait3A_260 = tpu.memref_squeeze %dma_wait3A_259 : memref<1x256x128xf32, #tpu.memory_space<vmem>> -> memref<256x128xf32, #tpu.memory_space<vmem>>
      %dma_wait3A_261 = arith.constant 0 : i32
      %dma_wait3A_262 = arith.constant 0 : i32
      %dma_wait3A_263 = tpu.memref_slice %arg4[%dma_wait3A_261, %dma_wait3A_262] : memref<3276800x128xf32, #tpu.memory_space<hbm>> -> memref<256x128xf32, #tpu.memory_space<hbm>>
      %dma_wait3A_264 = arith.constant 0 : i32
      %dma_wait3A_265 = arith.constant 0 : i32
      %dma_wait3A_266 = tpu.memref_slice %arg6[%dma_wait3A_256, %dma_wait3A_264, %dma_wait3A_265] : memref<2x256x128xf32, #tpu.memory_space<vmem>> -> memref<1x256x128xf32, #tpu.memory_space<vmem>>
      %dma_wait3A_267 = tpu.memref_squeeze %dma_wait3A_266 : memref<1x256x128xf32, #tpu.memory_space<vmem>> -> memref<256x128xf32, #tpu.memory_space<vmem>>
      %dma_wait3A_268 = arith.constant 0 : i32
      %dma_wait3A_269 = arith.constant 0 : i32
      %dma_wait3A_270 = tpu.memref_slice %arg4[%dma_wait3A_268, %dma_wait3A_269] : memref<3276800x128xf32, #tpu.memory_space<hbm>> -> memref<256x128xf32, #tpu.memory_space<hbm>>
      tpu.wait_dma2 semaphore(%arg11 : memref<!tpu.dma_semaphore, #tpu.memory_space<semaphore_mem>>) src(%dma_wait3A_270 : memref<256x128xf32, #tpu.memory_space<hbm>>) dst(%dma_wait3A_267 : memref<256x128xf32, #tpu.memory_space<vmem>>)
      %mul3A_271 = arith.constant 2 : i32
      %mul3A_272 = arith.muli %add3A_250, %mul3A_271 : i32
      %add3A_273 = arith.addi %mul3A_2, %mul3A_272 : i32
      %mul3A_274 = arith.constant 128 : i32
      %mul3A_275 = arith.muli %add3A_273, %mul3A_274 : i32
      %dma_start3A_276 = arith.constant 1 : i32
      %dma_start3A_277 = arith.constant 0 : i32
      %dma_start3A_278 = arith.constant 0 : i32
      %dma_start3A_279 = tpu.memref_slice %arg6[%dma_start3A_276, %dma_start3A_277, %dma_start3A_278] : memref<2x256x128xf32, #tpu.memory_space<vmem>> -> memref<1x256x128xf32, #tpu.memory_space<vmem>>
      %dma_start3A_280 = tpu.memref_squeeze %dma_start3A_279 : memref<1x256x128xf32, #tpu.memory_space<vmem>> -> memref<256x128xf32, #tpu.memory_space<vmem>>
      %dma_start3A_281 = arith.constant 0 : i32
      %dma_start3A_282 = tpu.memref_slice %arg4[%mul3A_275, %dma_start3A_281] : memref<3276800x128xf32, #tpu.memory_space<hbm>> -> memref<256x128xf32, #tpu.memory_space<hbm>>
      %dma_start3A_283 = arith.constant 0 : i32
      %dma_start3A_284 = tpu.memref_slice %arg4[%mul3A_275, %dma_start3A_283] : memref<3276800x128xf32, #tpu.memory_space<hbm>> -> memref<256x128xf32, #tpu.memory_space<hbm>>
      %dma_start3A_285 = arith.constant 0 : i32
      %dma_start3A_286 = arith.constant 0 : i32
      %dma_start3A_287 = tpu.memref_slice %arg6[%dma_start3A_276, %dma_start3A_285, %dma_start3A_286] : memref<2x256x128xf32, #tpu.memory_space<vmem>> -> memref<1x256x128xf32, #tpu.memory_space<vmem>>
      %dma_start3A_288 = tpu.memref_squeeze %dma_start3A_287 : memref<1x256x128xf32, #tpu.memory_space<vmem>> -> memref<256x128xf32, #tpu.memory_space<vmem>>
      tpu.enqueue_dma source(%dma_start3A_288 : memref<256x128xf32, #tpu.memory_space<vmem>>) target(%dma_start3A_284 : memref<256x128xf32, #tpu.memory_space<hbm>>) target_semaphore(%arg13 : memref<!tpu.dma_semaphore, #tpu.memory_space<semaphore_mem>>)
      %mul3A_289 = arith.constant 16 : i32
      %mul3A_290 = arith.muli %scan3A_98, %mul3A_289 : i32
      %add3A_291 = arith.constant 4 : i32
      %add3A_292 = arith.addi %mul3A_290, %add3A_291 : i32
      %lt3A_293 = arith.constant 399 : i32
      %lt3A_294 = arith.cmpi slt, %add3A_292, %lt3A_293 : i32
      %convert_element_type3A_295 = arith.extui %lt3A_294 : i1 to i32
      %cond3A_296 = arith.constant 0 : i32
      %cond3A_297 = arith.cmpi ne, %convert_element_type3A_295, %cond3A_296 : i32
      scf.if %cond3A_297 {
        %ge3A = arith.constant 1 : i32
        %ge3A_824 = arith.cmpi sge, %add3A_292, %ge3A : i32
        %convert_element_type3A_825 = arith.extui %ge3A_824 : i1 to i32
        %cond3A_826 = arith.constant 0 : i32
        %cond3A_827 = arith.cmpi ne, %convert_element_type3A_825, %cond3A_826 : i32
        scf.if %cond3A_827 {
          %sub3A_854 = arith.constant 1 : i32
          %sub3A_855 = arith.subi %add3A_292, %sub3A_854 : i32
          %mul3A_856 = arith.constant 2 : i32
          %mul3A_857 = arith.muli %sub3A_855, %mul3A_856 : i32
          %add3A_858 = arith.addi %mul3A_2, %mul3A_857 : i32
          %mul3A_859 = arith.constant 128 : i32
          %mul3A_860 = arith.muli %add3A_858, %mul3A_859 : i32
          %dma_wait3A_861 = arith.constant 1 : i32
          %dma_wait3A_862 = arith.constant 0 : i32
          %dma_wait3A_863 = arith.constant 0 : i32
          %dma_wait3A_864 = tpu.memref_slice %arg6[%dma_wait3A_861, %dma_wait3A_862, %dma_wait3A_863] : memref<2x256x128xf32, #tpu.memory_space<vmem>> -> memref<1x256x128xf32, #tpu.memory_space<vmem>>
          %dma_wait3A_865 = tpu.memref_squeeze %dma_wait3A_864 : memref<1x256x128xf32, #tpu.memory_space<vmem>> -> memref<256x128xf32, #tpu.memory_space<vmem>>
          %dma_wait3A_866 = arith.constant 0 : i32
          %dma_wait3A_867 = tpu.memref_slice %arg4[%mul3A_860, %dma_wait3A_866] : memref<3276800x128xf32, #tpu.memory_space<hbm>> -> memref<256x128xf32, #tpu.memory_space<hbm>>
          %dma_wait3A_868 = arith.constant 0 : i32
          %dma_wait3A_869 = tpu.memref_slice %arg4[%mul3A_860, %dma_wait3A_868] : memref<3276800x128xf32, #tpu.memory_space<hbm>> -> memref<256x128xf32, #tpu.memory_space<hbm>>
          %dma_wait3A_870 = arith.constant 0 : i32
          %dma_wait3A_871 = arith.constant 0 : i32
          %dma_wait3A_872 = tpu.memref_slice %arg6[%dma_wait3A_861, %dma_wait3A_870, %dma_wait3A_871] : memref<2x256x128xf32, #tpu.memory_space<vmem>> -> memref<1x256x128xf32, #tpu.memory_space<vmem>>
          %dma_wait3A_873 = tpu.memref_squeeze %dma_wait3A_872 : memref<1x256x128xf32, #tpu.memory_space<vmem>> -> memref<256x128xf32, #tpu.memory_space<vmem>>
          tpu.wait_dma2 semaphore(%arg13 : memref<!tpu.dma_semaphore, #tpu.memory_space<semaphore_mem>>) src(%dma_wait3A_873 : memref<256x128xf32, #tpu.memory_space<vmem>>) dst(%dma_wait3A_869 : memref<256x128xf32, #tpu.memory_space<hbm>>)
        } else {
        }
        %dma_start3A_828 = arith.constant 0 : i32
        %dma_start3A_829 = arith.constant 10 : i32
        %dma_start3A_830 = arith.constant 1 : i32
        %dma_start3A_831 = arith.constant 0 : i32
        %dma_start3A_832 = arith.constant 0 : i32
        %dma_start3A_833 = tpu.memref_slice %arg6[%dma_start3A_830, %dma_start3A_831, %dma_start3A_832] : memref<2x256x128xf32, #tpu.memory_space<vmem>> -> memref<1x128x128xf32, #tpu.memory_space<vmem>>
        %dma_start3A_834 = tpu.memref_squeeze %dma_start3A_833 : memref<1x128x128xf32, #tpu.memory_space<vmem>> -> memref<128x128xf32, #tpu.memory_space<vmem>>
        %dma_start3A_835 = arith.constant 0 : i32
        %dma_start3A_836 = tpu.memref_slice %arg5[%dma_start3A_828, %dma_start3A_829, %dma_start3A_835] : memref<2x16x128xi32, #tpu.memory_space<vmem>> -> memref<1x1x128xi32, #tpu.memory_space<vmem>>
        %dma_start3A_837 = tpu.memref_squeeze %dma_start3A_836 : memref<1x1x128xi32, #tpu.memory_space<vmem>> -> memref<128xi32, #tpu.memory_space<vmem>>
        %dma_start3A_838 = arith.constant 0 : i32
        %dma_start3A_839 = arith.constant 0 : i32
        %dma_start3A_840 = tpu.memref_slice %arg7[%dma_start3A_838, %dma_start3A_839] : memref<1000x128xf32, #tpu.memory_space<vmem_shared>> -> memref<1000x128xf32, #tpu.memory_space<vmem_shared>>
        tpu.enqueue_indirect_dma source(%dma_start3A_840 : memref<1000x128xf32, #tpu.memory_space<vmem_shared>>) target(%dma_start3A_834 : memref<128x128xf32, #tpu.memory_space<vmem>>) offsets(%dma_start3A_837 : memref<128xi32, #tpu.memory_space<vmem>>) semaphore(%arg11 : memref<!tpu.dma_semaphore, #tpu.memory_space<semaphore_mem>>)
        %dma_start3A_841 = arith.constant 0 : i32
        %dma_start3A_842 = arith.constant 11 : i32
        %dma_start3A_843 = arith.constant 1 : i32
        %dma_start3A_844 = arith.constant 128 : i32
        %dma_start3A_845 = arith.constant 0 : i32
        %dma_start3A_846 = tpu.memref_slice %arg6[%dma_start3A_843, %dma_start3A_844, %dma_start3A_845] : memref<2x256x128xf32, #tpu.memory_space<vmem>> -> memref<1x128x128xf32, #tpu.memory_space<vmem>>
        %dma_start3A_847 = tpu.memref_squeeze %dma_start3A_846 : memref<1x128x128xf32, #tpu.memory_space<vmem>> -> memref<128x128xf32, #tpu.memory_space<vmem>>
        %dma_start3A_848 = arith.constant 0 : i32
        %dma_start3A_849 = tpu.memref_slice %arg5[%dma_start3A_841, %dma_start3A_842, %dma_start3A_848] : memref<2x16x128xi32, #tpu.memory_space<vmem>> -> memref<1x1x128xi32, #tpu.memory_space<vmem>>
        %dma_start3A_850 = tpu.memref_squeeze %dma_start3A_849 : memref<1x1x128xi32, #tpu.memory_space<vmem>> -> memref<128xi32, #tpu.memory_space<vmem>>
        %dma_start3A_851 = arith.constant 0 : i32
        %dma_start3A_852 = arith.constant 0 : i32
        %dma_start3A_853 = tpu.memref_slice %arg7[%dma_start3A_851, %dma_start3A_852] : memref<1000x128xf32, #tpu.memory_space<vmem_shared>> -> memref<1000x128xf32, #tpu.memory_space<vmem_shared>>
        tpu.enqueue_indirect_dma source(%dma_start3A_853 : memref<1000x128xf32, #tpu.memory_space<vmem_shared>>) target(%dma_start3A_847 : memref<128x128xf32, #tpu.memory_space<vmem>>) offsets(%dma_start3A_850 : memref<128xi32, #tpu.memory_space<vmem>>) semaphore(%arg11 : memref<!tpu.dma_semaphore, #tpu.memory_space<semaphore_mem>>)
      } else {
      }
      %dma_wait3A_298 = arith.constant 0 : i32
      %dma_wait3A_299 = arith.constant 0 : i32
      %dma_wait3A_300 = arith.constant 0 : i32
      %dma_wait3A_301 = tpu.memref_slice %arg6[%dma_wait3A_298, %dma_wait3A_299, %dma_wait3A_300] : memref<2x256x128xf32, #tpu.memory_space<vmem>> -> memref<1x256x128xf32, #tpu.memory_space<vmem>>
      %dma_wait3A_302 = tpu.memref_squeeze %dma_wait3A_301 : memref<1x256x128xf32, #tpu.memory_space<vmem>> -> memref<256x128xf32, #tpu.memory_space<vmem>>
      %dma_wait3A_303 = arith.constant 0 : i32
      %dma_wait3A_304 = arith.constant 0 : i32
      %dma_wait3A_305 = tpu.memref_slice %arg4[%dma_wait3A_303, %dma_wait3A_304] : memref<3276800x128xf32, #tpu.memory_space<hbm>> -> memref<256x128xf32, #tpu.memory_space<hbm>>
      %dma_wait3A_306 = arith.constant 0 : i32
      %dma_wait3A_307 = arith.constant 0 : i32
      %dma_wait3A_308 = tpu.memref_slice %arg6[%dma_wait3A_298, %dma_wait3A_306, %dma_wait3A_307] : memref<2x256x128xf32, #tpu.memory_space<vmem>> -> memref<1x256x128xf32, #tpu.memory_space<vmem>>
      %dma_wait3A_309 = tpu.memref_squeeze %dma_wait3A_308 : memref<1x256x128xf32, #tpu.memory_space<vmem>> -> memref<256x128xf32, #tpu.memory_space<vmem>>
      %dma_wait3A_310 = arith.constant 0 : i32
      %dma_wait3A_311 = arith.constant 0 : i32
      %dma_wait3A_312 = tpu.memref_slice %arg4[%dma_wait3A_310, %dma_wait3A_311] : memref<3276800x128xf32, #tpu.memory_space<hbm>> -> memref<256x128xf32, #tpu.memory_space<hbm>>
      tpu.wait_dma2 semaphore(%arg10 : memref<!tpu.dma_semaphore, #tpu.memory_space<semaphore_mem>>) src(%dma_wait3A_312 : memref<256x128xf32, #tpu.memory_space<hbm>>) dst(%dma_wait3A_309 : memref<256x128xf32, #tpu.memory_space<vmem>>)
      %mul3A_313 = arith.constant 2 : i32
      %mul3A_314 = arith.muli %add3A_292, %mul3A_313 : i32
      %add3A_315 = arith.addi %mul3A_2, %mul3A_314 : i32
      %mul3A_316 = arith.constant 128 : i32
      %mul3A_317 = arith.muli %add3A_315, %mul3A_316 : i32
      %dma_start3A_318 = arith.constant 0 : i32
      %dma_start3A_319 = arith.constant 0 : i32
      %dma_start3A_320 = arith.constant 0 : i32
      %dma_start3A_321 = tpu.memref_slice %arg6[%dma_start3A_318, %dma_start3A_319, %dma_start3A_320] : memref<2x256x128xf32, #tpu.memory_space<vmem>> -> memref<1x256x128xf32, #tpu.memory_space<vmem>>
      %dma_start3A_322 = tpu.memref_squeeze %dma_start3A_321 : memref<1x256x128xf32, #tpu.memory_space<vmem>> -> memref<256x128xf32, #tpu.memory_space<vmem>>
      %dma_start3A_323 = arith.constant 0 : i32
      %dma_start3A_324 = tpu.memref_slice %arg4[%mul3A_317, %dma_start3A_323] : memref<3276800x128xf32, #tpu.memory_space<hbm>> -> memref<256x128xf32, #tpu.memory_space<hbm>>
      %dma_start3A_325 = arith.constant 0 : i32
      %dma_start3A_326 = tpu.memref_slice %arg4[%mul3A_317, %dma_start3A_325] : memref<3276800x128xf32, #tpu.memory_space<hbm>> -> memref<256x128xf32, #tpu.memory_space<hbm>>
      %dma_start3A_327 = arith.constant 0 : i32
      %dma_start3A_328 = arith.constant 0 : i32
      %dma_start3A_329 = tpu.memref_slice %arg6[%dma_start3A_318, %dma_start3A_327, %dma_start3A_328] : memref<2x256x128xf32, #tpu.memory_space<vmem>> -> memref<1x256x128xf32, #tpu.memory_space<vmem>>
      %dma_start3A_330 = tpu.memref_squeeze %dma_start3A_329 : memref<1x256x128xf32, #tpu.memory_space<vmem>> -> memref<256x128xf32, #tpu.memory_space<vmem>>
      tpu.enqueue_dma source(%dma_start3A_330 : memref<256x128xf32, #tpu.memory_space<vmem>>) target(%dma_start3A_326 : memref<256x128xf32, #tpu.memory_space<hbm>>) target_semaphore(%arg12 : memref<!tpu.dma_semaphore, #tpu.memory_space<semaphore_mem>>)
      %mul3A_331 = arith.constant 16 : i32
      %mul3A_332 = arith.muli %scan3A_98, %mul3A_331 : i32
      %add3A_333 = arith.constant 5 : i32
      %add3A_334 = arith.addi %mul3A_332, %add3A_333 : i32
      %lt3A_335 = arith.constant 399 : i32
      %lt3A_336 = arith.cmpi slt, %add3A_334, %lt3A_335 : i32
      %convert_element_type3A_337 = arith.extui %lt3A_336 : i1 to i32
      %cond3A_338 = arith.constant 0 : i32
      %cond3A_339 = arith.cmpi ne, %convert_element_type3A_337, %cond3A_338 : i32
      scf.if %cond3A_339 {
        %ge3A = arith.constant 1 : i32
        %ge3A_824 = arith.cmpi sge, %add3A_334, %ge3A : i32
        %convert_element_type3A_825 = arith.extui %ge3A_824 : i1 to i32
        %cond3A_826 = arith.constant 0 : i32
        %cond3A_827 = arith.cmpi ne, %convert_element_type3A_825, %cond3A_826 : i32
        scf.if %cond3A_827 {
          %sub3A_854 = arith.constant 1 : i32
          %sub3A_855 = arith.subi %add3A_334, %sub3A_854 : i32
          %mul3A_856 = arith.constant 2 : i32
          %mul3A_857 = arith.muli %sub3A_855, %mul3A_856 : i32
          %add3A_858 = arith.addi %mul3A_2, %mul3A_857 : i32
          %mul3A_859 = arith.constant 128 : i32
          %mul3A_860 = arith.muli %add3A_858, %mul3A_859 : i32
          %dma_wait3A_861 = arith.constant 0 : i32
          %dma_wait3A_862 = arith.constant 0 : i32
          %dma_wait3A_863 = arith.constant 0 : i32
          %dma_wait3A_864 = tpu.memref_slice %arg6[%dma_wait3A_861, %dma_wait3A_862, %dma_wait3A_863] : memref<2x256x128xf32, #tpu.memory_space<vmem>> -> memref<1x256x128xf32, #tpu.memory_space<vmem>>
          %dma_wait3A_865 = tpu.memref_squeeze %dma_wait3A_864 : memref<1x256x128xf32, #tpu.memory_space<vmem>> -> memref<256x128xf32, #tpu.memory_space<vmem>>
          %dma_wait3A_866 = arith.constant 0 : i32
          %dma_wait3A_867 = tpu.memref_slice %arg4[%mul3A_860, %dma_wait3A_866] : memref<3276800x128xf32, #tpu.memory_space<hbm>> -> memref<256x128xf32, #tpu.memory_space<hbm>>
          %dma_wait3A_868 = arith.constant 0 : i32
          %dma_wait3A_869 = tpu.memref_slice %arg4[%mul3A_860, %dma_wait3A_868] : memref<3276800x128xf32, #tpu.memory_space<hbm>> -> memref<256x128xf32, #tpu.memory_space<hbm>>
          %dma_wait3A_870 = arith.constant 0 : i32
          %dma_wait3A_871 = arith.constant 0 : i32
          %dma_wait3A_872 = tpu.memref_slice %arg6[%dma_wait3A_861, %dma_wait3A_870, %dma_wait3A_871] : memref<2x256x128xf32, #tpu.memory_space<vmem>> -> memref<1x256x128xf32, #tpu.memory_space<vmem>>
          %dma_wait3A_873 = tpu.memref_squeeze %dma_wait3A_872 : memref<1x256x128xf32, #tpu.memory_space<vmem>> -> memref<256x128xf32, #tpu.memory_space<vmem>>
          tpu.wait_dma2 semaphore(%arg12 : memref<!tpu.dma_semaphore, #tpu.memory_space<semaphore_mem>>) src(%dma_wait3A_873 : memref<256x128xf32, #tpu.memory_space<vmem>>) dst(%dma_wait3A_869 : memref<256x128xf32, #tpu.memory_space<hbm>>)
        } else {
        }
        %dma_start3A_828 = arith.constant 0 : i32
        %dma_start3A_829 = arith.constant 12 : i32
        %dma_start3A_830 = arith.constant 0 : i32
        %dma_start3A_831 = arith.constant 0 : i32
        %dma_start3A_832 = arith.constant 0 : i32
        %dma_start3A_833 = tpu.memref_slice %arg6[%dma_start3A_830, %dma_start3A_831, %dma_start3A_832] : memref<2x256x128xf32, #tpu.memory_space<vmem>> -> memref<1x128x128xf32, #tpu.memory_space<vmem>>
        %dma_start3A_834 = tpu.memref_squeeze %dma_start3A_833 : memref<1x128x128xf32, #tpu.memory_space<vmem>> -> memref<128x128xf32, #tpu.memory_space<vmem>>
        %dma_start3A_835 = arith.constant 0 : i32
        %dma_start3A_836 = tpu.memref_slice %arg5[%dma_start3A_828, %dma_start3A_829, %dma_start3A_835] : memref<2x16x128xi32, #tpu.memory_space<vmem>> -> memref<1x1x128xi32, #tpu.memory_space<vmem>>
        %dma_start3A_837 = tpu.memref_squeeze %dma_start3A_836 : memref<1x1x128xi32, #tpu.memory_space<vmem>> -> memref<128xi32, #tpu.memory_space<vmem>>
        %dma_start3A_838 = arith.constant 0 : i32
        %dma_start3A_839 = arith.constant 0 : i32
        %dma_start3A_840 = tpu.memref_slice %arg7[%dma_start3A_838, %dma_start3A_839] : memref<1000x128xf32, #tpu.memory_space<vmem_shared>> -> memref<1000x128xf32, #tpu.memory_space<vmem_shared>>
        tpu.enqueue_indirect_dma source(%dma_start3A_840 : memref<1000x128xf32, #tpu.memory_space<vmem_shared>>) target(%dma_start3A_834 : memref<128x128xf32, #tpu.memory_space<vmem>>) offsets(%dma_start3A_837 : memref<128xi32, #tpu.memory_space<vmem>>) semaphore(%arg10 : memref<!tpu.dma_semaphore, #tpu.memory_space<semaphore_mem>>)
        %dma_start3A_841 = arith.constant 0 : i32
        %dma_start3A_842 = arith.constant 13 : i32
        %dma_start3A_843 = arith.constant 0 : i32
        %dma_start3A_844 = arith.constant 128 : i32
        %dma_start3A_845 = arith.constant 0 : i32
        %dma_start3A_846 = tpu.memref_slice %arg6[%dma_start3A_843, %dma_start3A_844, %dma_start3A_845] : memref<2x256x128xf32, #tpu.memory_space<vmem>> -> memref<1x128x128xf32, #tpu.memory_space<vmem>>
        %dma_start3A_847 = tpu.memref_squeeze %dma_start3A_846 : memref<1x128x128xf32, #tpu.memory_space<vmem>> -> memref<128x128xf32, #tpu.memory_space<vmem>>
        %dma_start3A_848 = arith.constant 0 : i32
        %dma_start3A_849 = tpu.memref_slice %arg5[%dma_start3A_841, %dma_start3A_842, %dma_start3A_848] : memref<2x16x128xi32, #tpu.memory_space<vmem>> -> memref<1x1x128xi32, #tpu.memory_space<vmem>>
        %dma_start3A_850 = tpu.memref_squeeze %dma_start3A_849 : memref<1x1x128xi32, #tpu.memory_space<vmem>> -> memref<128xi32, #tpu.memory_space<vmem>>
        %dma_start3A_851 = arith.constant 0 : i32
        %dma_start3A_852 = arith.constant 0 : i32
        %dma_start3A_853 = tpu.memref_slice %arg7[%dma_start3A_851, %dma_start3A_852] : memref<1000x128xf32, #tpu.memory_space<vmem_shared>> -> memref<1000x128xf32, #tpu.memory_space<vmem_shared>>
        tpu.enqueue_indirect_dma source(%dma_start3A_853 : memref<1000x128xf32, #tpu.memory_space<vmem_shared>>) target(%dma_start3A_847 : memref<128x128xf32, #tpu.memory_space<vmem>>) offsets(%dma_start3A_850 : memref<128xi32, #tpu.memory_space<vmem>>) semaphore(%arg10 : memref<!tpu.dma_semaphore, #tpu.memory_space<semaphore_mem>>)
      } else {
      }
      %dma_wait3A_340 = arith.constant 1 : i32
      %dma_wait3A_341 = arith.constant 0 : i32
      %dma_wait3A_342 = arith.constant 0 : i32
      %dma_wait3A_343 = tpu.memref_slice %arg6[%dma_wait3A_340, %dma_wait3A_341, %dma_wait3A_342] : memref<2x256x128xf32, #tpu.memory_space<vmem>> -> memref<1x256x128xf32, #tpu.memory_space<vmem>>
      %dma_wait3A_344 = tpu.memref_squeeze %dma_wait3A_343 : memref<1x256x128xf32, #tpu.memory_space<vmem>> -> memref<256x128xf32, #tpu.memory_space<vmem>>
      %dma_wait3A_345 = arith.constant 0 : i32
      %dma_wait3A_346 = arith.constant 0 : i32
      %dma_wait3A_347 = tpu.memref_slice %arg4[%dma_wait3A_345, %dma_wait3A_346] : memref<3276800x128xf32, #tpu.memory_space<hbm>> -> memref<256x128xf32, #tpu.memory_space<hbm>>
      %dma_wait3A_348 = arith.constant 0 : i32
      %dma_wait3A_349 = arith.constant 0 : i32
      %dma_wait3A_350 = tpu.memref_slice %arg6[%dma_wait3A_340, %dma_wait3A_348, %dma_wait3A_349] : memref<2x256x128xf32, #tpu.memory_space<vmem>> -> memref<1x256x128xf32, #tpu.memory_space<vmem>>
      %dma_wait3A_351 = tpu.memref_squeeze %dma_wait3A_350 : memref<1x256x128xf32, #tpu.memory_space<vmem>> -> memref<256x128xf32, #tpu.memory_space<vmem>>
      %dma_wait3A_352 = arith.constant 0 : i32
      %dma_wait3A_353 = arith.constant 0 : i32
      %dma_wait3A_354 = tpu.memref_slice %arg4[%dma_wait3A_352, %dma_wait3A_353] : memref<3276800x128xf32, #tpu.memory_space<hbm>> -> memref<256x128xf32, #tpu.memory_space<hbm>>
      tpu.wait_dma2 semaphore(%arg11 : memref<!tpu.dma_semaphore, #tpu.memory_space<semaphore_mem>>) src(%dma_wait3A_354 : memref<256x128xf32, #tpu.memory_space<hbm>>) dst(%dma_wait3A_351 : memref<256x128xf32, #tpu.memory_space<vmem>>)
      %mul3A_355 = arith.constant 2 : i32
      %mul3A_356 = arith.muli %add3A_334, %mul3A_355 : i32
      %add3A_357 = arith.addi %mul3A_2, %mul3A_356 : i32
      %mul3A_358 = arith.constant 128 : i32
      %mul3A_359 = arith.muli %add3A_357, %mul3A_358 : i32
      %dma_start3A_360 = arith.constant 1 : i32
      %dma_start3A_361 = arith.constant 0 : i32
      %dma_start3A_362 = arith.constant 0 : i32
      %dma_start3A_363 = tpu.memref_slice %arg6[%dma_start3A_360, %dma_start3A_361, %dma_start3A_362] : memref<2x256x128xf32, #tpu.memory_space<vmem>> -> memref<1x256x128xf32, #tpu.memory_space<vmem>>
      %dma_start3A_364 = tpu.memref_squeeze %dma_start3A_363 : memref<1x256x128xf32, #tpu.memory_space<vmem>> -> memref<256x128xf32, #tpu.memory_space<vmem>>
      %dma_start3A_365 = arith.constant 0 : i32
      %dma_start3A_366 = tpu.memref_slice %arg4[%mul3A_359, %dma_start3A_365] : memref<3276800x128xf32, #tpu.memory_space<hbm>> -> memref<256x128xf32, #tpu.memory_space<hbm>>
      %dma_start3A_367 = arith.constant 0 : i32
      %dma_start3A_368 = tpu.memref_slice %arg4[%mul3A_359, %dma_start3A_367] : memref<3276800x128xf32, #tpu.memory_space<hbm>> -> memref<256x128xf32, #tpu.memory_space<hbm>>
      %dma_start3A_369 = arith.constant 0 : i32
      %dma_start3A_370 = arith.constant 0 : i32
      %dma_start3A_371 = tpu.memref_slice %arg6[%dma_start3A_360, %dma_start3A_369, %dma_start3A_370] : memref<2x256x128xf32, #tpu.memory_space<vmem>> -> memref<1x256x128xf32, #tpu.memory_space<vmem>>
      %dma_start3A_372 = tpu.memref_squeeze %dma_start3A_371 : memref<1x256x128xf32, #tpu.memory_space<vmem>> -> memref<256x128xf32, #tpu.memory_space<vmem>>
      tpu.enqueue_dma source(%dma_start3A_372 : memref<256x128xf32, #tpu.memory_space<vmem>>) target(%dma_start3A_368 : memref<256x128xf32, #tpu.memory_space<hbm>>) target_semaphore(%arg13 : memref<!tpu.dma_semaphore, #tpu.memory_space<semaphore_mem>>)
      %mul3A_373 = arith.constant 16 : i32
      %mul3A_374 = arith.muli %scan3A_98, %mul3A_373 : i32
      %add3A_375 = arith.constant 6 : i32
      %add3A_376 = arith.addi %mul3A_374, %add3A_375 : i32
      %lt3A_377 = arith.constant 399 : i32
      %lt3A_378 = arith.cmpi slt, %add3A_376, %lt3A_377 : i32
      %convert_element_type3A_379 = arith.extui %lt3A_378 : i1 to i32
      %cond3A_380 = arith.constant 0 : i32
      %cond3A_381 = arith.cmpi ne, %convert_element_type3A_379, %cond3A_380 : i32
      scf.if %cond3A_381 {
        %ge3A = arith.constant 1 : i32
        %ge3A_824 = arith.cmpi sge, %add3A_376, %ge3A : i32
        %convert_element_type3A_825 = arith.extui %ge3A_824 : i1 to i32
        %cond3A_826 = arith.constant 0 : i32
        %cond3A_827 = arith.cmpi ne, %convert_element_type3A_825, %cond3A_826 : i32
        scf.if %cond3A_827 {
          %sub3A_854 = arith.constant 1 : i32
          %sub3A_855 = arith.subi %add3A_376, %sub3A_854 : i32
          %mul3A_856 = arith.constant 2 : i32
          %mul3A_857 = arith.muli %sub3A_855, %mul3A_856 : i32
          %add3A_858 = arith.addi %mul3A_2, %mul3A_857 : i32
          %mul3A_859 = arith.constant 128 : i32
          %mul3A_860 = arith.muli %add3A_858, %mul3A_859 : i32
          %dma_wait3A_861 = arith.constant 1 : i32
          %dma_wait3A_862 = arith.constant 0 : i32
          %dma_wait3A_863 = arith.constant 0 : i32
          %dma_wait3A_864 = tpu.memref_slice %arg6[%dma_wait3A_861, %dma_wait3A_862, %dma_wait3A_863] : memref<2x256x128xf32, #tpu.memory_space<vmem>> -> memref<1x256x128xf32, #tpu.memory_space<vmem>>
          %dma_wait3A_865 = tpu.memref_squeeze %dma_wait3A_864 : memref<1x256x128xf32, #tpu.memory_space<vmem>> -> memref<256x128xf32, #tpu.memory_space<vmem>>
          %dma_wait3A_866 = arith.constant 0 : i32
          %dma_wait3A_867 = tpu.memref_slice %arg4[%mul3A_860, %dma_wait3A_866] : memref<3276800x128xf32, #tpu.memory_space<hbm>> -> memref<256x128xf32, #tpu.memory_space<hbm>>
          %dma_wait3A_868 = arith.constant 0 : i32
          %dma_wait3A_869 = tpu.memref_slice %arg4[%mul3A_860, %dma_wait3A_868] : memref<3276800x128xf32, #tpu.memory_space<hbm>> -> memref<256x128xf32, #tpu.memory_space<hbm>>
          %dma_wait3A_870 = arith.constant 0 : i32
          %dma_wait3A_871 = arith.constant 0 : i32
          %dma_wait3A_872 = tpu.memref_slice %arg6[%dma_wait3A_861, %dma_wait3A_870, %dma_wait3A_871] : memref<2x256x128xf32, #tpu.memory_space<vmem>> -> memref<1x256x128xf32, #tpu.memory_space<vmem>>
          %dma_wait3A_873 = tpu.memref_squeeze %dma_wait3A_872 : memref<1x256x128xf32, #tpu.memory_space<vmem>> -> memref<256x128xf32, #tpu.memory_space<vmem>>
          tpu.wait_dma2 semaphore(%arg13 : memref<!tpu.dma_semaphore, #tpu.memory_space<semaphore_mem>>) src(%dma_wait3A_873 : memref<256x128xf32, #tpu.memory_space<vmem>>) dst(%dma_wait3A_869 : memref<256x128xf32, #tpu.memory_space<hbm>>)
        } else {
        }
        %dma_start3A_828 = arith.constant 0 : i32
        %dma_start3A_829 = arith.constant 14 : i32
        %dma_start3A_830 = arith.constant 1 : i32
        %dma_start3A_831 = arith.constant 0 : i32
        %dma_start3A_832 = arith.constant 0 : i32
        %dma_start3A_833 = tpu.memref_slice %arg6[%dma_start3A_830, %dma_start3A_831, %dma_start3A_832] : memref<2x256x128xf32, #tpu.memory_space<vmem>> -> memref<1x128x128xf32, #tpu.memory_space<vmem>>
        %dma_start3A_834 = tpu.memref_squeeze %dma_start3A_833 : memref<1x128x128xf32, #tpu.memory_space<vmem>> -> memref<128x128xf32, #tpu.memory_space<vmem>>
        %dma_start3A_835 = arith.constant 0 : i32
        %dma_start3A_836 = tpu.memref_slice %arg5[%dma_start3A_828, %dma_start3A_829, %dma_start3A_835] : memref<2x16x128xi32, #tpu.memory_space<vmem>> -> memref<1x1x128xi32, #tpu.memory_space<vmem>>
        %dma_start3A_837 = tpu.memref_squeeze %dma_start3A_836 : memref<1x1x128xi32, #tpu.memory_space<vmem>> -> memref<128xi32, #tpu.memory_space<vmem>>
        %dma_start3A_838 = arith.constant 0 : i32
        %dma_start3A_839 = arith.constant 0 : i32
        %dma_start3A_840 = tpu.memref_slice %arg7[%dma_start3A_838, %dma_start3A_839] : memref<1000x128xf32, #tpu.memory_space<vmem_shared>> -> memref<1000x128xf32, #tpu.memory_space<vmem_shared>>
        tpu.enqueue_indirect_dma source(%dma_start3A_840 : memref<1000x128xf32, #tpu.memory_space<vmem_shared>>) target(%dma_start3A_834 : memref<128x128xf32, #tpu.memory_space<vmem>>) offsets(%dma_start3A_837 : memref<128xi32, #tpu.memory_space<vmem>>) semaphore(%arg11 : memref<!tpu.dma_semaphore, #tpu.memory_space<semaphore_mem>>)
        %dma_start3A_841 = arith.constant 0 : i32
        %dma_start3A_842 = arith.constant 15 : i32
        %dma_start3A_843 = arith.constant 1 : i32
        %dma_start3A_844 = arith.constant 128 : i32
        %dma_start3A_845 = arith.constant 0 : i32
        %dma_start3A_846 = tpu.memref_slice %arg6[%dma_start3A_843, %dma_start3A_844, %dma_start3A_845] : memref<2x256x128xf32, #tpu.memory_space<vmem>> -> memref<1x128x128xf32, #tpu.memory_space<vmem>>
        %dma_start3A_847 = tpu.memref_squeeze %dma_start3A_846 : memref<1x128x128xf32, #tpu.memory_space<vmem>> -> memref<128x128xf32, #tpu.memory_space<vmem>>
        %dma_start3A_848 = arith.constant 0 : i32
        %dma_start3A_849 = tpu.memref_slice %arg5[%dma_start3A_841, %dma_start3A_842, %dma_start3A_848] : memref<2x16x128xi32, #tpu.memory_space<vmem>> -> memref<1x1x128xi32, #tpu.memory_space<vmem>>
        %dma_start3A_850 = tpu.memref_squeeze %dma_start3A_849 : memref<1x1x128xi32, #tpu.memory_space<vmem>> -> memref<128xi32, #tpu.memory_space<vmem>>
        %dma_start3A_851 = arith.constant 0 : i32
        %dma_start3A_852 = arith.constant 0 : i32
        %dma_start3A_853 = tpu.memref_slice %arg7[%dma_start3A_851, %dma_start3A_852] : memref<1000x128xf32, #tpu.memory_space<vmem_shared>> -> memref<1000x128xf32, #tpu.memory_space<vmem_shared>>
        tpu.enqueue_indirect_dma source(%dma_start3A_853 : memref<1000x128xf32, #tpu.memory_space<vmem_shared>>) target(%dma_start3A_847 : memref<128x128xf32, #tpu.memory_space<vmem>>) offsets(%dma_start3A_850 : memref<128xi32, #tpu.memory_space<vmem>>) semaphore(%arg11 : memref<!tpu.dma_semaphore, #tpu.memory_space<semaphore_mem>>)
      } else {
      }
      %dma_wait3A_382 = arith.constant 0 : i32
      %dma_wait3A_383 = arith.constant 0 : i32
      %dma_wait3A_384 = arith.constant 0 : i32
      %dma_wait3A_385 = tpu.memref_slice %arg6[%dma_wait3A_382, %dma_wait3A_383, %dma_wait3A_384] : memref<2x256x128xf32, #tpu.memory_space<vmem>> -> memref<1x256x128xf32, #tpu.memory_space<vmem>>
      %dma_wait3A_386 = tpu.memref_squeeze %dma_wait3A_385 : memref<1x256x128xf32, #tpu.memory_space<vmem>> -> memref<256x128xf32, #tpu.memory_space<vmem>>
      %dma_wait3A_387 = arith.constant 0 : i32
      %dma_wait3A_388 = arith.constant 0 : i32
      %dma_wait3A_389 = tpu.memref_slice %arg4[%dma_wait3A_387, %dma_wait3A_388] : memref<3276800x128xf32, #tpu.memory_space<hbm>> -> memref<256x128xf32, #tpu.memory_space<hbm>>
      %dma_wait3A_390 = arith.constant 0 : i32
      %dma_wait3A_391 = arith.constant 0 : i32
      %dma_wait3A_392 = tpu.memref_slice %arg6[%dma_wait3A_382, %dma_wait3A_390, %dma_wait3A_391] : memref<2x256x128xf32, #tpu.memory_space<vmem>> -> memref<1x256x128xf32, #tpu.memory_space<vmem>>
      %dma_wait3A_393 = tpu.memref_squeeze %dma_wait3A_392 : memref<1x256x128xf32, #tpu.memory_space<vmem>> -> memref<256x128xf32, #tpu.memory_space<vmem>>
      %dma_wait3A_394 = arith.constant 0 : i32
      %dma_wait3A_395 = arith.constant 0 : i32
      %dma_wait3A_396 = tpu.memref_slice %arg4[%dma_wait3A_394, %dma_wait3A_395] : memref<3276800x128xf32, #tpu.memory_space<hbm>> -> memref<256x128xf32, #tpu.memory_space<hbm>>
      tpu.wait_dma2 semaphore(%arg10 : memref<!tpu.dma_semaphore, #tpu.memory_space<semaphore_mem>>) src(%dma_wait3A_396 : memref<256x128xf32, #tpu.memory_space<hbm>>) dst(%dma_wait3A_393 : memref<256x128xf32, #tpu.memory_space<vmem>>)
      %mul3A_397 = arith.constant 2 : i32
      %mul3A_398 = arith.muli %add3A_376, %mul3A_397 : i32
      %add3A_399 = arith.addi %mul3A_2, %mul3A_398 : i32
      %mul3A_400 = arith.constant 128 : i32
      %mul3A_401 = arith.muli %add3A_399, %mul3A_400 : i32
      %dma_start3A_402 = arith.constant 0 : i32
      %dma_start3A_403 = arith.constant 0 : i32
      %dma_start3A_404 = arith.constant 0 : i32
      %dma_start3A_405 = tpu.memref_slice %arg6[%dma_start3A_402, %dma_start3A_403, %dma_start3A_404] : memref<2x256x128xf32, #tpu.memory_space<vmem>> -> memref<1x256x128xf32, #tpu.memory_space<vmem>>
      %dma_start3A_406 = tpu.memref_squeeze %dma_start3A_405 : memref<1x256x128xf32, #tpu.memory_space<vmem>> -> memref<256x128xf32, #tpu.memory_space<vmem>>
      %dma_start3A_407 = arith.constant 0 : i32
      %dma_start3A_408 = tpu.memref_slice %arg4[%mul3A_401, %dma_start3A_407] : memref<3276800x128xf32, #tpu.memory_space<hbm>> -> memref<256x128xf32, #tpu.memory_space<hbm>>
      %dma_start3A_409 = arith.constant 0 : i32
      %dma_start3A_410 = tpu.memref_slice %arg4[%mul3A_401, %dma_start3A_409] : memref<3276800x128xf32, #tpu.memory_space<hbm>> -> memref<256x128xf32, #tpu.memory_space<hbm>>
      %dma_start3A_411 = arith.constant 0 : i32
      %dma_start3A_412 = arith.constant 0 : i32
      %dma_start3A_413 = tpu.memref_slice %arg6[%dma_start3A_402, %dma_start3A_411, %dma_start3A_412] : memref<2x256x128xf32, #tpu.memory_space<vmem>> -> memref<1x256x128xf32, #tpu.memory_space<vmem>>
      %dma_start3A_414 = tpu.memref_squeeze %dma_start3A_413 : memref<1x256x128xf32, #tpu.memory_space<vmem>> -> memref<256x128xf32, #tpu.memory_space<vmem>>
      tpu.enqueue_dma source(%dma_start3A_414 : memref<256x128xf32, #tpu.memory_space<vmem>>) target(%dma_start3A_410 : memref<256x128xf32, #tpu.memory_space<hbm>>) target_semaphore(%arg12 : memref<!tpu.dma_semaphore, #tpu.memory_space<semaphore_mem>>)
      %mul3A_415 = arith.constant 16 : i32
      %mul3A_416 = arith.muli %scan3A_98, %mul3A_415 : i32
      %add3A_417 = arith.constant 7 : i32
      %add3A_418 = arith.addi %mul3A_416, %add3A_417 : i32
      %lt3A_419 = arith.constant 399 : i32
      %lt3A_420 = arith.cmpi slt, %add3A_418, %lt3A_419 : i32
      %convert_element_type3A_421 = arith.extui %lt3A_420 : i1 to i32
      %cond3A_422 = arith.constant 0 : i32
      %cond3A_423 = arith.cmpi ne, %convert_element_type3A_421, %cond3A_422 : i32
      scf.if %cond3A_423 {
        %ge3A = arith.constant 1 : i32
        %ge3A_824 = arith.cmpi sge, %add3A_418, %ge3A : i32
        %convert_element_type3A_825 = arith.extui %ge3A_824 : i1 to i32
        %cond3A_826 = arith.constant 0 : i32
        %cond3A_827 = arith.cmpi ne, %convert_element_type3A_825, %cond3A_826 : i32
        scf.if %cond3A_827 {
          %sub3A_898 = arith.constant 1 : i32
          %sub3A_899 = arith.subi %add3A_418, %sub3A_898 : i32
          %mul3A_900 = arith.constant 2 : i32
          %mul3A_901 = arith.muli %sub3A_899, %mul3A_900 : i32
          %add3A_902 = arith.addi %mul3A_2, %mul3A_901 : i32
          %mul3A_903 = arith.constant 128 : i32
          %mul3A_904 = arith.muli %add3A_902, %mul3A_903 : i32
          %dma_wait3A_905 = arith.constant 0 : i32
          %dma_wait3A_906 = arith.constant 0 : i32
          %dma_wait3A_907 = arith.constant 0 : i32
          %dma_wait3A_908 = tpu.memref_slice %arg6[%dma_wait3A_905, %dma_wait3A_906, %dma_wait3A_907] : memref<2x256x128xf32, #tpu.memory_space<vmem>> -> memref<1x256x128xf32, #tpu.memory_space<vmem>>
          %dma_wait3A_909 = tpu.memref_squeeze %dma_wait3A_908 : memref<1x256x128xf32, #tpu.memory_space<vmem>> -> memref<256x128xf32, #tpu.memory_space<vmem>>
          %dma_wait3A_910 = arith.constant 0 : i32
          %dma_wait3A_911 = tpu.memref_slice %arg4[%mul3A_904, %dma_wait3A_910] : memref<3276800x128xf32, #tpu.memory_space<hbm>> -> memref<256x128xf32, #tpu.memory_space<hbm>>
          %dma_wait3A_912 = arith.constant 0 : i32
          %dma_wait3A_913 = tpu.memref_slice %arg4[%mul3A_904, %dma_wait3A_912] : memref<3276800x128xf32, #tpu.memory_space<hbm>> -> memref<256x128xf32, #tpu.memory_space<hbm>>
          %dma_wait3A_914 = arith.constant 0 : i32
          %dma_wait3A_915 = arith.constant 0 : i32
          %dma_wait3A_916 = tpu.memref_slice %arg6[%dma_wait3A_905, %dma_wait3A_914, %dma_wait3A_915] : memref<2x256x128xf32, #tpu.memory_space<vmem>> -> memref<1x256x128xf32, #tpu.memory_space<vmem>>
          %dma_wait3A_917 = tpu.memref_squeeze %dma_wait3A_916 : memref<1x256x128xf32, #tpu.memory_space<vmem>> -> memref<256x128xf32, #tpu.memory_space<vmem>>
          tpu.wait_dma2 semaphore(%arg12 : memref<!tpu.dma_semaphore, #tpu.memory_space<semaphore_mem>>) src(%dma_wait3A_917 : memref<256x128xf32, #tpu.memory_space<vmem>>) dst(%dma_wait3A_913 : memref<256x128xf32, #tpu.memory_space<hbm>>)
        } else {
        }
        %jit3A_828 = arith.constant 8 : i32
        %div3A_829 = arith.divsi %add3A_418, %jit3A_828 : i32
        %sign3A_830 = arith.constant 0 : i32
        %sign3A_831 = arith.cmpi sgt, %add3A_418, %sign3A_830 : i32
        %sign3A_832 = arith.extui %sign3A_831 : i1 to i32
        %sign3A_833 = arith.constant 0 : i32
        %sign3A_834 = arith.cmpi slt, %add3A_418, %sign3A_833 : i32
        %sign3A_835 = arith.extui %sign3A_834 : i1 to i32
        %sign3A_836 = arith.subi %sign3A_832, %sign3A_835 : i32
        %sign3A_837 = arith.constant 0 : i32
        %sign3A_838 = arith.cmpi sgt, %jit3A_828, %sign3A_837 : i32
        %sign3A_839 = arith.extui %sign3A_838 : i1 to i32
        %sign3A_840 = arith.constant 0 : i32
        %sign3A_841 = arith.cmpi slt, %jit3A_828, %sign3A_840 : i32
        %sign3A_842 = arith.extui %sign3A_841 : i1 to i32
        %sign3A_843 = arith.subi %sign3A_839, %sign3A_842 : i32
        %ne3A_844 = arith.cmpi ne, %sign3A_836, %sign3A_843 : i32
        %rem3A_845 = arith.remsi %add3A_418, %jit3A_828 : i32
        %ne3A_846 = arith.constant 0 : i32
        %ne3A_847 = arith.cmpi ne, %rem3A_845, %ne3A_846 : i32
        %and3A_848 = arith.andi %ne3A_844, %ne3A_847 : i1
        %sub3A_849 = arith.constant 1 : i32
        %sub3A_850 = arith.subi %div3A_829, %sub3A_849 : i32
        %select_n3A_851 = arith.select %and3A_848, %sub3A_850, %div3A_829 : i32
        %add3A_852 = arith.constant 1 : i32
        %add3A_853 = arith.addi %select_n3A_851, %add3A_852 : i32
        %mul3A_854 = arith.constant 8 : i32
        %mul3A_855 = arith.muli %add3A_853, %mul3A_854 : i32
        %mul3A_856 = arith.constant 2 : i32
        %mul3A_857 = arith.muli %mul3A_855, %mul3A_856 : i32
        %add3A_858 = arith.addi %mul3A_2, %mul3A_857 : i32
        %dma_wait3A_859 = arith.constant 1 : i32
        %dma_wait3A_860 = arith.constant 0 : i32
        %dma_wait3A_861 = arith.constant 0 : i32
        %dma_wait3A_862 = tpu.memref_slice %arg5[%dma_wait3A_859, %dma_wait3A_860, %dma_wait3A_861] : memref<2x16x128xi32, #tpu.memory_space<vmem>> -> memref<1x16x128xi32, #tpu.memory_space<vmem>>
        %dma_wait3A_863 = tpu.memref_squeeze %dma_wait3A_862 : memref<1x16x128xi32, #tpu.memory_space<vmem>> -> memref<16x128xi32, #tpu.memory_space<vmem>>
        %dma_wait3A_864 = arith.constant 0 : i32
        %dma_wait3A_865 = tpu.memref_slice %arg2[%add3A_858, %dma_wait3A_864] : memref<25600x128xi32, #tpu.memory_space<hbm>> -> memref<16x128xi32, #tpu.memory_space<hbm>>
        %dma_wait3A_866 = arith.constant 0 : i32
        %dma_wait3A_867 = arith.constant 0 : i32
        %dma_wait3A_868 = tpu.memref_slice %arg5[%dma_wait3A_859, %dma_wait3A_866, %dma_wait3A_867] : memref<2x16x128xi32, #tpu.memory_space<vmem>> -> memref<1x16x128xi32, #tpu.memory_space<vmem>>
        %dma_wait3A_869 = tpu.memref_squeeze %dma_wait3A_868 : memref<1x16x128xi32, #tpu.memory_space<vmem>> -> memref<16x128xi32, #tpu.memory_space<vmem>>
        %dma_wait3A_870 = arith.constant 0 : i32
        %dma_wait3A_871 = tpu.memref_slice %arg2[%add3A_858, %dma_wait3A_870] : memref<25600x128xi32, #tpu.memory_space<hbm>> -> memref<16x128xi32, #tpu.memory_space<hbm>>
        tpu.wait_dma2 semaphore(%arg9 : memref<!tpu.dma_semaphore, #tpu.memory_space<semaphore_mem>>) src(%dma_wait3A_871 : memref<16x128xi32, #tpu.memory_space<hbm>>) dst(%dma_wait3A_869 : memref<16x128xi32, #tpu.memory_space<vmem>>)
        %dma_start3A_872 = arith.constant 1 : i32
        %dma_start3A_873 = arith.constant 0 : i32
        %dma_start3A_874 = arith.constant 0 : i32
        %dma_start3A_875 = arith.constant 0 : i32
        %dma_start3A_876 = arith.constant 0 : i32
        %dma_start3A_877 = tpu.memref_slice %arg6[%dma_start3A_874, %dma_start3A_875, %dma_start3A_876] : memref<2x256x128xf32, #tpu.memory_space<vmem>> -> memref<1x128x128xf32, #tpu.memory_space<vmem>>
        %dma_start3A_878 = tpu.memref_squeeze %dma_start3A_877 : memref<1x128x128xf32, #tpu.memory_space<vmem>> -> memref<128x128xf32, #tpu.memory_space<vmem>>
        %dma_start3A_879 = arith.constant 0 : i32
        %dma_start3A_880 = tpu.memref_slice %arg5[%dma_start3A_872, %dma_start3A_873, %dma_start3A_879] : memref<2x16x128xi32, #tpu.memory_space<vmem>> -> memref<1x1x128xi32, #tpu.memory_space<vmem>>
        %dma_start3A_881 = tpu.memref_squeeze %dma_start3A_880 : memref<1x1x128xi32, #tpu.memory_space<vmem>> -> memref<128xi32, #tpu.memory_space<vmem>>
        %dma_start3A_882 = arith.constant 0 : i32
        %dma_start3A_883 = arith.constant 0 : i32
        %dma_start3A_884 = tpu.memref_slice %arg7[%dma_start3A_882, %dma_start3A_883] : memref<1000x128xf32, #tpu.memory_space<vmem_shared>> -> memref<1000x128xf32, #tpu.memory_space<vmem_shared>>
        tpu.enqueue_indirect_dma source(%dma_start3A_884 : memref<1000x128xf32, #tpu.memory_space<vmem_shared>>) target(%dma_start3A_878 : memref<128x128xf32, #tpu.memory_space<vmem>>) offsets(%dma_start3A_881 : memref<128xi32, #tpu.memory_space<vmem>>) semaphore(%arg10 : memref<!tpu.dma_semaphore, #tpu.memory_space<semaphore_mem>>)
        %dma_start3A_885 = arith.constant 1 : i32
        %dma_start3A_886 = arith.constant 1 : i32
        %dma_start3A_887 = arith.constant 0 : i32
        %dma_start3A_888 = arith.constant 128 : i32
        %dma_start3A_889 = arith.constant 0 : i32
        %dma_start3A_890 = tpu.memref_slice %arg6[%dma_start3A_887, %dma_start3A_888, %dma_start3A_889] : memref<2x256x128xf32, #tpu.memory_space<vmem>> -> memref<1x128x128xf32, #tpu.memory_space<vmem>>
        %dma_start3A_891 = tpu.memref_squeeze %dma_start3A_890 : memref<1x128x128xf32, #tpu.memory_space<vmem>> -> memref<128x128xf32, #tpu.memory_space<vmem>>
        %dma_start3A_892 = arith.constant 0 : i32
        %dma_start3A_893 = tpu.memref_slice %arg5[%dma_start3A_885, %dma_start3A_886, %dma_start3A_892] : memref<2x16x128xi32, #tpu.memory_space<vmem>> -> memref<1x1x128xi32, #tpu.memory_space<vmem>>
        %dma_start3A_894 = tpu.memref_squeeze %dma_start3A_893 : memref<1x1x128xi32, #tpu.memory_space<vmem>> -> memref<128xi32, #tpu.memory_space<vmem>>
        %dma_start3A_895 = arith.constant 0 : i32
        %dma_start3A_896 = arith.constant 0 : i32
        %dma_start3A_897 = tpu.memref_slice %arg7[%dma_start3A_895, %dma_start3A_896] : memref<1000x128xf32, #tpu.memory_space<vmem_shared>> -> memref<1000x128xf32, #tpu.memory_space<vmem_shared>>
        tpu.enqueue_indirect_dma source(%dma_start3A_897 : memref<1000x128xf32, #tpu.memory_space<vmem_shared>>) target(%dma_start3A_891 : memref<128x128xf32, #tpu.memory_space<vmem>>) offsets(%dma_start3A_894 : memref<128xi32, #tpu.memory_space<vmem>>) semaphore(%arg10 : memref<!tpu.dma_semaphore, #tpu.memory_space<semaphore_mem>>)
      } else {
      }
      %dma_wait3A_424 = arith.constant 1 : i32
      %dma_wait3A_425 = arith.constant 0 : i32
      %dma_wait3A_426 = arith.constant 0 : i32
      %dma_wait3A_427 = tpu.memref_slice %arg6[%dma_wait3A_424, %dma_wait3A_425, %dma_wait3A_426] : memref<2x256x128xf32, #tpu.memory_space<vmem>> -> memref<1x256x128xf32, #tpu.memory_space<vmem>>
      %dma_wait3A_428 = tpu.memref_squeeze %dma_wait3A_427 : memref<1x256x128xf32, #tpu.memory_space<vmem>> -> memref<256x128xf32, #tpu.memory_space<vmem>>
      %dma_wait3A_429 = arith.constant 0 : i32
      %dma_wait3A_430 = arith.constant 0 : i32
      %dma_wait3A_431 = tpu.memref_slice %arg4[%dma_wait3A_429, %dma_wait3A_430] : memref<3276800x128xf32, #tpu.memory_space<hbm>> -> memref<256x128xf32, #tpu.memory_space<hbm>>
      %dma_wait3A_432 = arith.constant 0 : i32
      %dma_wait3A_433 = arith.constant 0 : i32
      %dma_wait3A_434 = tpu.memref_slice %arg6[%dma_wait3A_424, %dma_wait3A_432, %dma_wait3A_433] : memref<2x256x128xf32, #tpu.memory_space<vmem>> -> memref<1x256x128xf32, #tpu.memory_space<vmem>>
      %dma_wait3A_435 = tpu.memref_squeeze %dma_wait3A_434 : memref<1x256x128xf32, #tpu.memory_space<vmem>> -> memref<256x128xf32, #tpu.memory_space<vmem>>
      %dma_wait3A_436 = arith.constant 0 : i32
      %dma_wait3A_437 = arith.constant 0 : i32
      %dma_wait3A_438 = tpu.memref_slice %arg4[%dma_wait3A_436, %dma_wait3A_437] : memref<3276800x128xf32, #tpu.memory_space<hbm>> -> memref<256x128xf32, #tpu.memory_space<hbm>>
      tpu.wait_dma2 semaphore(%arg11 : memref<!tpu.dma_semaphore, #tpu.memory_space<semaphore_mem>>) src(%dma_wait3A_438 : memref<256x128xf32, #tpu.memory_space<hbm>>) dst(%dma_wait3A_435 : memref<256x128xf32, #tpu.memory_space<vmem>>)
      %mul3A_439 = arith.constant 2 : i32
      %mul3A_440 = arith.muli %add3A_418, %mul3A_439 : i32
      %add3A_441 = arith.addi %mul3A_2, %mul3A_440 : i32
      %mul3A_442 = arith.constant 128 : i32
      %mul3A_443 = arith.muli %add3A_441, %mul3A_442 : i32
      %dma_start3A_444 = arith.constant 1 : i32
      %dma_start3A_445 = arith.constant 0 : i32
      %dma_start3A_446 = arith.constant 0 : i32
      %dma_start3A_447 = tpu.memref_slice %arg6[%dma_start3A_444, %dma_start3A_445, %dma_start3A_446] : memref<2x256x128xf32, #tpu.memory_space<vmem>> -> memref<1x256x128xf32, #tpu.memory_space<vmem>>
      %dma_start3A_448 = tpu.memref_squeeze %dma_start3A_447 : memref<1x256x128xf32, #tpu.memory_space<vmem>> -> memref<256x128xf32, #tpu.memory_space<vmem>>
      %dma_start3A_449 = arith.constant 0 : i32
      %dma_start3A_450 = tpu.memref_slice %arg4[%mul3A_443, %dma_start3A_449] : memref<3276800x128xf32, #tpu.memory_space<hbm>> -> memref<256x128xf32, #tpu.memory_space<hbm>>
      %dma_start3A_451 = arith.constant 0 : i32
      %dma_start3A_452 = tpu.memref_slice %arg4[%mul3A_443, %dma_start3A_451] : memref<3276800x128xf32, #tpu.memory_space<hbm>> -> memref<256x128xf32, #tpu.memory_space<hbm>>
      %dma_start3A_453 = arith.constant 0 : i32
      %dma_start3A_454 = arith.constant 0 : i32
      %dma_start3A_455 = tpu.memref_slice %arg6[%dma_start3A_444, %dma_start3A_453, %dma_start3A_454] : memref<2x256x128xf32, #tpu.memory_space<vmem>> -> memref<1x256x128xf32, #tpu.memory_space<vmem>>
      %dma_start3A_456 = tpu.memref_squeeze %dma_start3A_455 : memref<1x256x128xf32, #tpu.memory_space<vmem>> -> memref<256x128xf32, #tpu.memory_space<vmem>>
      tpu.enqueue_dma source(%dma_start3A_456 : memref<256x128xf32, #tpu.memory_space<vmem>>) target(%dma_start3A_452 : memref<256x128xf32, #tpu.memory_space<hbm>>) target_semaphore(%arg13 : memref<!tpu.dma_semaphore, #tpu.memory_space<semaphore_mem>>)
      %mul3A_457 = arith.constant 16 : i32
      %mul3A_458 = arith.muli %scan3A_98, %mul3A_457 : i32
      %add3A_459 = arith.constant 8 : i32
      %add3A_460 = arith.addi %mul3A_458, %add3A_459 : i32
      %lt3A_461 = arith.constant 399 : i32
      %lt3A_462 = arith.cmpi slt, %add3A_460, %lt3A_461 : i32
      %convert_element_type3A_463 = arith.extui %lt3A_462 : i1 to i32
      %cond3A_464 = arith.constant 0 : i32
      %cond3A_465 = arith.cmpi ne, %convert_element_type3A_463, %cond3A_464 : i32
      scf.if %cond3A_465 {
        %ge3A = arith.constant 1 : i32
        %ge3A_824 = arith.cmpi sge, %add3A_460, %ge3A : i32
        %convert_element_type3A_825 = arith.extui %ge3A_824 : i1 to i32
        %cond3A_826 = arith.constant 0 : i32
        %cond3A_827 = arith.cmpi ne, %convert_element_type3A_825, %cond3A_826 : i32
        scf.if %cond3A_827 {
          %sub3A_854 = arith.constant 1 : i32
          %sub3A_855 = arith.subi %add3A_460, %sub3A_854 : i32
          %mul3A_856 = arith.constant 2 : i32
          %mul3A_857 = arith.muli %sub3A_855, %mul3A_856 : i32
          %add3A_858 = arith.addi %mul3A_2, %mul3A_857 : i32
          %mul3A_859 = arith.constant 128 : i32
          %mul3A_860 = arith.muli %add3A_858, %mul3A_859 : i32
          %dma_wait3A_861 = arith.constant 1 : i32
          %dma_wait3A_862 = arith.constant 0 : i32
          %dma_wait3A_863 = arith.constant 0 : i32
          %dma_wait3A_864 = tpu.memref_slice %arg6[%dma_wait3A_861, %dma_wait3A_862, %dma_wait3A_863] : memref<2x256x128xf32, #tpu.memory_space<vmem>> -> memref<1x256x128xf32, #tpu.memory_space<vmem>>
          %dma_wait3A_865 = tpu.memref_squeeze %dma_wait3A_864 : memref<1x256x128xf32, #tpu.memory_space<vmem>> -> memref<256x128xf32, #tpu.memory_space<vmem>>
          %dma_wait3A_866 = arith.constant 0 : i32
          %dma_wait3A_867 = tpu.memref_slice %arg4[%mul3A_860, %dma_wait3A_866] : memref<3276800x128xf32, #tpu.memory_space<hbm>> -> memref<256x128xf32, #tpu.memory_space<hbm>>
          %dma_wait3A_868 = arith.constant 0 : i32
          %dma_wait3A_869 = tpu.memref_slice %arg4[%mul3A_860, %dma_wait3A_868] : memref<3276800x128xf32, #tpu.memory_space<hbm>> -> memref<256x128xf32, #tpu.memory_space<hbm>>
          %dma_wait3A_870 = arith.constant 0 : i32
          %dma_wait3A_871 = arith.constant 0 : i32
          %dma_wait3A_872 = tpu.memref_slice %arg6[%dma_wait3A_861, %dma_wait3A_870, %dma_wait3A_871] : memref<2x256x128xf32, #tpu.memory_space<vmem>> -> memref<1x256x128xf32, #tpu.memory_space<vmem>>
          %dma_wait3A_873 = tpu.memref_squeeze %dma_wait3A_872 : memref<1x256x128xf32, #tpu.memory_space<vmem>> -> memref<256x128xf32, #tpu.memory_space<vmem>>
          tpu.wait_dma2 semaphore(%arg13 : memref<!tpu.dma_semaphore, #tpu.memory_space<semaphore_mem>>) src(%dma_wait3A_873 : memref<256x128xf32, #tpu.memory_space<vmem>>) dst(%dma_wait3A_869 : memref<256x128xf32, #tpu.memory_space<hbm>>)
        } else {
        }
        %dma_start3A_828 = arith.constant 1 : i32
        %dma_start3A_829 = arith.constant 2 : i32
        %dma_start3A_830 = arith.constant 1 : i32
        %dma_start3A_831 = arith.constant 0 : i32
        %dma_start3A_832 = arith.constant 0 : i32
        %dma_start3A_833 = tpu.memref_slice %arg6[%dma_start3A_830, %dma_start3A_831, %dma_start3A_832] : memref<2x256x128xf32, #tpu.memory_space<vmem>> -> memref<1x128x128xf32, #tpu.memory_space<vmem>>
        %dma_start3A_834 = tpu.memref_squeeze %dma_start3A_833 : memref<1x128x128xf32, #tpu.memory_space<vmem>> -> memref<128x128xf32, #tpu.memory_space<vmem>>
        %dma_start3A_835 = arith.constant 0 : i32
        %dma_start3A_836 = tpu.memref_slice %arg5[%dma_start3A_828, %dma_start3A_829, %dma_start3A_835] : memref<2x16x128xi32, #tpu.memory_space<vmem>> -> memref<1x1x128xi32, #tpu.memory_space<vmem>>
        %dma_start3A_837 = tpu.memref_squeeze %dma_start3A_836 : memref<1x1x128xi32, #tpu.memory_space<vmem>> -> memref<128xi32, #tpu.memory_space<vmem>>
        %dma_start3A_838 = arith.constant 0 : i32
        %dma_start3A_839 = arith.constant 0 : i32
        %dma_start3A_840 = tpu.memref_slice %arg7[%dma_start3A_838, %dma_start3A_839] : memref<1000x128xf32, #tpu.memory_space<vmem_shared>> -> memref<1000x128xf32, #tpu.memory_space<vmem_shared>>
        tpu.enqueue_indirect_dma source(%dma_start3A_840 : memref<1000x128xf32, #tpu.memory_space<vmem_shared>>) target(%dma_start3A_834 : memref<128x128xf32, #tpu.memory_space<vmem>>) offsets(%dma_start3A_837 : memref<128xi32, #tpu.memory_space<vmem>>) semaphore(%arg11 : memref<!tpu.dma_semaphore, #tpu.memory_space<semaphore_mem>>)
        %dma_start3A_841 = arith.constant 1 : i32
        %dma_start3A_842 = arith.constant 3 : i32
        %dma_start3A_843 = arith.constant 1 : i32
        %dma_start3A_844 = arith.constant 128 : i32
        %dma_start3A_845 = arith.constant 0 : i32
        %dma_start3A_846 = tpu.memref_slice %arg6[%dma_start3A_843, %dma_start3A_844, %dma_start3A_845] : memref<2x256x128xf32, #tpu.memory_space<vmem>> -> memref<1x128x128xf32, #tpu.memory_space<vmem>>
        %dma_start3A_847 = tpu.memref_squeeze %dma_start3A_846 : memref<1x128x128xf32, #tpu.memory_space<vmem>> -> memref<128x128xf32, #tpu.memory_space<vmem>>
        %dma_start3A_848 = arith.constant 0 : i32
        %dma_start3A_849 = tpu.memref_slice %arg5[%dma_start3A_841, %dma_start3A_842, %dma_start3A_848] : memref<2x16x128xi32, #tpu.memory_space<vmem>> -> memref<1x1x128xi32, #tpu.memory_space<vmem>>
        %dma_start3A_850 = tpu.memref_squeeze %dma_start3A_849 : memref<1x1x128xi32, #tpu.memory_space<vmem>> -> memref<128xi32, #tpu.memory_space<vmem>>
        %dma_start3A_851 = arith.constant 0 : i32
        %dma_start3A_852 = arith.constant 0 : i32
        %dma_start3A_853 = tpu.memref_slice %arg7[%dma_start3A_851, %dma_start3A_852] : memref<1000x128xf32, #tpu.memory_space<vmem_shared>> -> memref<1000x128xf32, #tpu.memory_space<vmem_shared>>
        tpu.enqueue_indirect_dma source(%dma_start3A_853 : memref<1000x128xf32, #tpu.memory_space<vmem_shared>>) target(%dma_start3A_847 : memref<128x128xf32, #tpu.memory_space<vmem>>) offsets(%dma_start3A_850 : memref<128xi32, #tpu.memory_space<vmem>>) semaphore(%arg11 : memref<!tpu.dma_semaphore, #tpu.memory_space<semaphore_mem>>)
      } else {
      }
      %dma_wait3A_466 = arith.constant 0 : i32
      %dma_wait3A_467 = arith.constant 0 : i32
      %dma_wait3A_468 = arith.constant 0 : i32
      %dma_wait3A_469 = tpu.memref_slice %arg6[%dma_wait3A_466, %dma_wait3A_467, %dma_wait3A_468] : memref<2x256x128xf32, #tpu.memory_space<vmem>> -> memref<1x256x128xf32, #tpu.memory_space<vmem>>
      %dma_wait3A_470 = tpu.memref_squeeze %dma_wait3A_469 : memref<1x256x128xf32, #tpu.memory_space<vmem>> -> memref<256x128xf32, #tpu.memory_space<vmem>>
      %dma_wait3A_471 = arith.constant 0 : i32
      %dma_wait3A_472 = arith.constant 0 : i32
      %dma_wait3A_473 = tpu.memref_slice %arg4[%dma_wait3A_471, %dma_wait3A_472] : memref<3276800x128xf32, #tpu.memory_space<hbm>> -> memref<256x128xf32, #tpu.memory_space<hbm>>
      %dma_wait3A_474 = arith.constant 0 : i32
      %dma_wait3A_475 = arith.constant 0 : i32
      %dma_wait3A_476 = tpu.memref_slice %arg6[%dma_wait3A_466, %dma_wait3A_474, %dma_wait3A_475] : memref<2x256x128xf32, #tpu.memory_space<vmem>> -> memref<1x256x128xf32, #tpu.memory_space<vmem>>
      %dma_wait3A_477 = tpu.memref_squeeze %dma_wait3A_476 : memref<1x256x128xf32, #tpu.memory_space<vmem>> -> memref<256x128xf32, #tpu.memory_space<vmem>>
      %dma_wait3A_478 = arith.constant 0 : i32
      %dma_wait3A_479 = arith.constant 0 : i32
      %dma_wait3A_480 = tpu.memref_slice %arg4[%dma_wait3A_478, %dma_wait3A_479] : memref<3276800x128xf32, #tpu.memory_space<hbm>> -> memref<256x128xf32, #tpu.memory_space<hbm>>
      tpu.wait_dma2 semaphore(%arg10 : memref<!tpu.dma_semaphore, #tpu.memory_space<semaphore_mem>>) src(%dma_wait3A_480 : memref<256x128xf32, #tpu.memory_space<hbm>>) dst(%dma_wait3A_477 : memref<256x128xf32, #tpu.memory_space<vmem>>)
      %jit3A_481 = arith.constant 8 : i32
      %div3A_482 = arith.divsi %add3A_460, %jit3A_481 : i32
      %sign3A_483 = arith.constant 0 : i32
      %sign3A_484 = arith.cmpi sgt, %add3A_460, %sign3A_483 : i32
      %sign3A_485 = arith.extui %sign3A_484 : i1 to i32
      %sign3A_486 = arith.constant 0 : i32
      %sign3A_487 = arith.cmpi slt, %add3A_460, %sign3A_486 : i32
      %sign3A_488 = arith.extui %sign3A_487 : i1 to i32
      %sign3A_489 = arith.subi %sign3A_485, %sign3A_488 : i32
      %sign3A_490 = arith.constant 0 : i32
      %sign3A_491 = arith.cmpi sgt, %jit3A_481, %sign3A_490 : i32
      %sign3A_492 = arith.extui %sign3A_491 : i1 to i32
      %sign3A_493 = arith.constant 0 : i32
      %sign3A_494 = arith.cmpi slt, %jit3A_481, %sign3A_493 : i32
      %sign3A_495 = arith.extui %sign3A_494 : i1 to i32
      %sign3A_496 = arith.subi %sign3A_492, %sign3A_495 : i32
      %ne3A_497 = arith.cmpi ne, %sign3A_489, %sign3A_496 : i32
      %rem3A_498 = arith.remsi %add3A_460, %jit3A_481 : i32
      %ne3A_499 = arith.constant 0 : i32
      %ne3A_500 = arith.cmpi ne, %rem3A_498, %ne3A_499 : i32
      %and3A_501 = arith.andi %ne3A_497, %ne3A_500 : i1
      %sub3A_502 = arith.constant 1 : i32
      %sub3A_503 = arith.subi %div3A_482, %sub3A_502 : i32
      %select_n3A_504 = arith.select %and3A_501, %sub3A_503, %div3A_482 : i32
      %add3A_505 = arith.constant 1 : i32
      %add3A_506 = arith.addi %select_n3A_504, %add3A_505 : i32
      %lt3A_507 = arith.constant 50 : i32
      %lt3A_508 = arith.cmpi slt, %add3A_506, %lt3A_507 : i32
      %convert_element_type3A_509 = arith.extui %lt3A_508 : i1 to i32
      %cond3A_510 = arith.constant 0 : i32
      %cond3A_511 = arith.cmpi ne, %convert_element_type3A_509, %cond3A_510 : i32
      scf.if %cond3A_511 {
        %mul3A_824 = arith.constant 8 : i32
        %mul3A_825 = arith.muli %add3A_506, %mul3A_824 : i32
        %mul3A_826 = arith.constant 2 : i32
        %mul3A_827 = arith.muli %mul3A_825, %mul3A_826 : i32
        %add3A_828 = arith.addi %mul3A_2, %mul3A_827 : i32
        %dma_start3A_829 = arith.constant 0 : i32
        %dma_start3A_830 = arith.constant 0 : i32
        %dma_start3A_831 = arith.constant 0 : i32
        %dma_start3A_832 = tpu.memref_slice %arg5[%dma_start3A_829, %dma_start3A_830, %dma_start3A_831] : memref<2x16x128xi32, #tpu.memory_space<vmem>> -> memref<1x16x128xi32, #tpu.memory_space<vmem>>
        %dma_start3A_833 = tpu.memref_squeeze %dma_start3A_832 : memref<1x16x128xi32, #tpu.memory_space<vmem>> -> memref<16x128xi32, #tpu.memory_space<vmem>>
        %dma_start3A_834 = arith.constant 0 : i32
        %dma_start3A_835 = tpu.memref_slice %arg2[%add3A_828, %dma_start3A_834] : memref<25600x128xi32, #tpu.memory_space<hbm>> -> memref<16x128xi32, #tpu.memory_space<hbm>>
        %dma_start3A_836 = arith.constant 0 : i32
        %dma_start3A_837 = arith.constant 0 : i32
        %dma_start3A_838 = tpu.memref_slice %arg5[%dma_start3A_829, %dma_start3A_836, %dma_start3A_837] : memref<2x16x128xi32, #tpu.memory_space<vmem>> -> memref<1x16x128xi32, #tpu.memory_space<vmem>>
        %dma_start3A_839 = tpu.memref_squeeze %dma_start3A_838 : memref<1x16x128xi32, #tpu.memory_space<vmem>> -> memref<16x128xi32, #tpu.memory_space<vmem>>
        %dma_start3A_840 = arith.constant 0 : i32
        %dma_start3A_841 = tpu.memref_slice %arg2[%add3A_828, %dma_start3A_840] : memref<25600x128xi32, #tpu.memory_space<hbm>> -> memref<16x128xi32, #tpu.memory_space<hbm>>
        tpu.enqueue_dma source(%dma_start3A_841 : memref<16x128xi32, #tpu.memory_space<hbm>>) target(%dma_start3A_839 : memref<16x128xi32, #tpu.memory_space<vmem>>) target_semaphore(%arg8 : memref<!tpu.dma_semaphore, #tpu.memory_space<semaphore_mem>>)
      } else {
      }
      %mul3A_512 = arith.constant 2 : i32
      %mul3A_513 = arith.muli %add3A_460, %mul3A_512 : i32
      %add3A_514 = arith.addi %mul3A_2, %mul3A_513 : i32
      %mul3A_515 = arith.constant 128 : i32
      %mul3A_516 = arith.muli %add3A_514, %mul3A_515 : i32
      %dma_start3A_517 = arith.constant 0 : i32
      %dma_start3A_518 = arith.constant 0 : i32
      %dma_start3A_519 = arith.constant 0 : i32
      %dma_start3A_520 = tpu.memref_slice %arg6[%dma_start3A_517, %dma_start3A_518, %dma_start3A_519] : memref<2x256x128xf32, #tpu.memory_space<vmem>> -> memref<1x256x128xf32, #tpu.memory_space<vmem>>
      %dma_start3A_521 = tpu.memref_squeeze %dma_start3A_520 : memref<1x256x128xf32, #tpu.memory_space<vmem>> -> memref<256x128xf32, #tpu.memory_space<vmem>>
      %dma_start3A_522 = arith.constant 0 : i32
      %dma_start3A_523 = tpu.memref_slice %arg4[%mul3A_516, %dma_start3A_522] : memref<3276800x128xf32, #tpu.memory_space<hbm>> -> memref<256x128xf32, #tpu.memory_space<hbm>>
      %dma_start3A_524 = arith.constant 0 : i32
      %dma_start3A_525 = tpu.memref_slice %arg4[%mul3A_516, %dma_start3A_524] : memref<3276800x128xf32, #tpu.memory_space<hbm>> -> memref<256x128xf32, #tpu.memory_space<hbm>>
      %dma_start3A_526 = arith.constant 0 : i32
      %dma_start3A_527 = arith.constant 0 : i32
      %dma_start3A_528 = tpu.memref_slice %arg6[%dma_start3A_517, %dma_start3A_526, %dma_start3A_527] : memref<2x256x128xf32, #tpu.memory_space<vmem>> -> memref<1x256x128xf32, #tpu.memory_space<vmem>>
      %dma_start3A_529 = tpu.memref_squeeze %dma_start3A_528 : memref<1x256x128xf32, #tpu.memory_space<vmem>> -> memref<256x128xf32, #tpu.memory_space<vmem>>
      tpu.enqueue_dma source(%dma_start3A_529 : memref<256x128xf32, #tpu.memory_space<vmem>>) target(%dma_start3A_525 : memref<256x128xf32, #tpu.memory_space<hbm>>) target_semaphore(%arg12 : memref<!tpu.dma_semaphore, #tpu.memory_space<semaphore_mem>>)
      %mul3A_530 = arith.constant 16 : i32
      %mul3A_531 = arith.muli %scan3A_98, %mul3A_530 : i32
      %add3A_532 = arith.constant 9 : i32
      %add3A_533 = arith.addi %mul3A_531, %add3A_532 : i32
      %lt3A_534 = arith.constant 399 : i32
      %lt3A_535 = arith.cmpi slt, %add3A_533, %lt3A_534 : i32
      %convert_element_type3A_536 = arith.extui %lt3A_535 : i1 to i32
      %cond3A_537 = arith.constant 0 : i32
      %cond3A_538 = arith.cmpi ne, %convert_element_type3A_536, %cond3A_537 : i32
      scf.if %cond3A_538 {
        %ge3A = arith.constant 1 : i32
        %ge3A_824 = arith.cmpi sge, %add3A_533, %ge3A : i32
        %convert_element_type3A_825 = arith.extui %ge3A_824 : i1 to i32
        %cond3A_826 = arith.constant 0 : i32
        %cond3A_827 = arith.cmpi ne, %convert_element_type3A_825, %cond3A_826 : i32
        scf.if %cond3A_827 {
          %sub3A_854 = arith.constant 1 : i32
          %sub3A_855 = arith.subi %add3A_533, %sub3A_854 : i32
          %mul3A_856 = arith.constant 2 : i32
          %mul3A_857 = arith.muli %sub3A_855, %mul3A_856 : i32
          %add3A_858 = arith.addi %mul3A_2, %mul3A_857 : i32
          %mul3A_859 = arith.constant 128 : i32
          %mul3A_860 = arith.muli %add3A_858, %mul3A_859 : i32
          %dma_wait3A_861 = arith.constant 0 : i32
          %dma_wait3A_862 = arith.constant 0 : i32
          %dma_wait3A_863 = arith.constant 0 : i32
          %dma_wait3A_864 = tpu.memref_slice %arg6[%dma_wait3A_861, %dma_wait3A_862, %dma_wait3A_863] : memref<2x256x128xf32, #tpu.memory_space<vmem>> -> memref<1x256x128xf32, #tpu.memory_space<vmem>>
          %dma_wait3A_865 = tpu.memref_squeeze %dma_wait3A_864 : memref<1x256x128xf32, #tpu.memory_space<vmem>> -> memref<256x128xf32, #tpu.memory_space<vmem>>
          %dma_wait3A_866 = arith.constant 0 : i32
          %dma_wait3A_867 = tpu.memref_slice %arg4[%mul3A_860, %dma_wait3A_866] : memref<3276800x128xf32, #tpu.memory_space<hbm>> -> memref<256x128xf32, #tpu.memory_space<hbm>>
          %dma_wait3A_868 = arith.constant 0 : i32
          %dma_wait3A_869 = tpu.memref_slice %arg4[%mul3A_860, %dma_wait3A_868] : memref<3276800x128xf32, #tpu.memory_space<hbm>> -> memref<256x128xf32, #tpu.memory_space<hbm>>
          %dma_wait3A_870 = arith.constant 0 : i32
          %dma_wait3A_871 = arith.constant 0 : i32
          %dma_wait3A_872 = tpu.memref_slice %arg6[%dma_wait3A_861, %dma_wait3A_870, %dma_wait3A_871] : memref<2x256x128xf32, #tpu.memory_space<vmem>> -> memref<1x256x128xf32, #tpu.memory_space<vmem>>
          %dma_wait3A_873 = tpu.memref_squeeze %dma_wait3A_872 : memref<1x256x128xf32, #tpu.memory_space<vmem>> -> memref<256x128xf32, #tpu.memory_space<vmem>>
          tpu.wait_dma2 semaphore(%arg12 : memref<!tpu.dma_semaphore, #tpu.memory_space<semaphore_mem>>) src(%dma_wait3A_873 : memref<256x128xf32, #tpu.memory_space<vmem>>) dst(%dma_wait3A_869 : memref<256x128xf32, #tpu.memory_space<hbm>>)
        } else {
        }
        %dma_start3A_828 = arith.constant 1 : i32
        %dma_start3A_829 = arith.constant 4 : i32
        %dma_start3A_830 = arith.constant 0 : i32
        %dma_start3A_831 = arith.constant 0 : i32
        %dma_start3A_832 = arith.constant 0 : i32
        %dma_start3A_833 = tpu.memref_slice %arg6[%dma_start3A_830, %dma_start3A_831, %dma_start3A_832] : memref<2x256x128xf32, #tpu.memory_space<vmem>> -> memref<1x128x128xf32, #tpu.memory_space<vmem>>
        %dma_start3A_834 = tpu.memref_squeeze %dma_start3A_833 : memref<1x128x128xf32, #tpu.memory_space<vmem>> -> memref<128x128xf32, #tpu.memory_space<vmem>>
        %dma_start3A_835 = arith.constant 0 : i32
        %dma_start3A_836 = tpu.memref_slice %arg5[%dma_start3A_828, %dma_start3A_829, %dma_start3A_835] : memref<2x16x128xi32, #tpu.memory_space<vmem>> -> memref<1x1x128xi32, #tpu.memory_space<vmem>>
        %dma_start3A_837 = tpu.memref_squeeze %dma_start3A_836 : memref<1x1x128xi32, #tpu.memory_space<vmem>> -> memref<128xi32, #tpu.memory_space<vmem>>
        %dma_start3A_838 = arith.constant 0 : i32
        %dma_start3A_839 = arith.constant 0 : i32
        %dma_start3A_840 = tpu.memref_slice %arg7[%dma_start3A_838, %dma_start3A_839] : memref<1000x128xf32, #tpu.memory_space<vmem_shared>> -> memref<1000x128xf32, #tpu.memory_space<vmem_shared>>
        tpu.enqueue_indirect_dma source(%dma_start3A_840 : memref<1000x128xf32, #tpu.memory_space<vmem_shared>>) target(%dma_start3A_834 : memref<128x128xf32, #tpu.memory_space<vmem>>) offsets(%dma_start3A_837 : memref<128xi32, #tpu.memory_space<vmem>>) semaphore(%arg10 : memref<!tpu.dma_semaphore, #tpu.memory_space<semaphore_mem>>)
        %dma_start3A_841 = arith.constant 1 : i32
        %dma_start3A_842 = arith.constant 5 : i32
        %dma_start3A_843 = arith.constant 0 : i32
        %dma_start3A_844 = arith.constant 128 : i32
        %dma_start3A_845 = arith.constant 0 : i32
        %dma_start3A_846 = tpu.memref_slice %arg6[%dma_start3A_843, %dma_start3A_844, %dma_start3A_845] : memref<2x256x128xf32, #tpu.memory_space<vmem>> -> memref<1x128x128xf32, #tpu.memory_space<vmem>>
        %dma_start3A_847 = tpu.memref_squeeze %dma_start3A_846 : memref<1x128x128xf32, #tpu.memory_space<vmem>> -> memref<128x128xf32, #tpu.memory_space<vmem>>
        %dma_start3A_848 = arith.constant 0 : i32
        %dma_start3A_849 = tpu.memref_slice %arg5[%dma_start3A_841, %dma_start3A_842, %dma_start3A_848] : memref<2x16x128xi32, #tpu.memory_space<vmem>> -> memref<1x1x128xi32, #tpu.memory_space<vmem>>
        %dma_start3A_850 = tpu.memref_squeeze %dma_start3A_849 : memref<1x1x128xi32, #tpu.memory_space<vmem>> -> memref<128xi32, #tpu.memory_space<vmem>>
        %dma_start3A_851 = arith.constant 0 : i32
        %dma_start3A_852 = arith.constant 0 : i32
        %dma_start3A_853 = tpu.memref_slice %arg7[%dma_start3A_851, %dma_start3A_852] : memref<1000x128xf32, #tpu.memory_space<vmem_shared>> -> memref<1000x128xf32, #tpu.memory_space<vmem_shared>>
        tpu.enqueue_indirect_dma source(%dma_start3A_853 : memref<1000x128xf32, #tpu.memory_space<vmem_shared>>) target(%dma_start3A_847 : memref<128x128xf32, #tpu.memory_space<vmem>>) offsets(%dma_start3A_850 : memref<128xi32, #tpu.memory_space<vmem>>) semaphore(%arg10 : memref<!tpu.dma_semaphore, #tpu.memory_space<semaphore_mem>>)
      } else {
      }
      %dma_wait3A_539 = arith.constant 1 : i32
      %dma_wait3A_540 = arith.constant 0 : i32
      %dma_wait3A_541 = arith.constant 0 : i32
      %dma_wait3A_542 = tpu.memref_slice %arg6[%dma_wait3A_539, %dma_wait3A_540, %dma_wait3A_541] : memref<2x256x128xf32, #tpu.memory_space<vmem>> -> memref<1x256x128xf32, #tpu.memory_space<vmem>>
      %dma_wait3A_543 = tpu.memref_squeeze %dma_wait3A_542 : memref<1x256x128xf32, #tpu.memory_space<vmem>> -> memref<256x128xf32, #tpu.memory_space<vmem>>
      %dma_wait3A_544 = arith.constant 0 : i32
      %dma_wait3A_545 = arith.constant 0 : i32
      %dma_wait3A_546 = tpu.memref_slice %arg4[%dma_wait3A_544, %dma_wait3A_545] : memref<3276800x128xf32, #tpu.memory_space<hbm>> -> memref<256x128xf32, #tpu.memory_space<hbm>>
      %dma_wait3A_547 = arith.constant 0 : i32
      %dma_wait3A_548 = arith.constant 0 : i32
      %dma_wait3A_549 = tpu.memref_slice %arg6[%dma_wait3A_539, %dma_wait3A_547, %dma_wait3A_548] : memref<2x256x128xf32, #tpu.memory_space<vmem>> -> memref<1x256x128xf32, #tpu.memory_space<vmem>>
      %dma_wait3A_550 = tpu.memref_squeeze %dma_wait3A_549 : memref<1x256x128xf32, #tpu.memory_space<vmem>> -> memref<256x128xf32, #tpu.memory_space<vmem>>
      %dma_wait3A_551 = arith.constant 0 : i32
      %dma_wait3A_552 = arith.constant 0 : i32
      %dma_wait3A_553 = tpu.memref_slice %arg4[%dma_wait3A_551, %dma_wait3A_552] : memref<3276800x128xf32, #tpu.memory_space<hbm>> -> memref<256x128xf32, #tpu.memory_space<hbm>>
      tpu.wait_dma2 semaphore(%arg11 : memref<!tpu.dma_semaphore, #tpu.memory_space<semaphore_mem>>) src(%dma_wait3A_553 : memref<256x128xf32, #tpu.memory_space<hbm>>) dst(%dma_wait3A_550 : memref<256x128xf32, #tpu.memory_space<vmem>>)
      %mul3A_554 = arith.constant 2 : i32
      %mul3A_555 = arith.muli %add3A_533, %mul3A_554 : i32
      %add3A_556 = arith.addi %mul3A_2, %mul3A_555 : i32
      %mul3A_557 = arith.constant 128 : i32
      %mul3A_558 = arith.muli %add3A_556, %mul3A_557 : i32
      %dma_start3A_559 = arith.constant 1 : i32
      %dma_start3A_560 = arith.constant 0 : i32
      %dma_start3A_561 = arith.constant 0 : i32
      %dma_start3A_562 = tpu.memref_slice %arg6[%dma_start3A_559, %dma_start3A_560, %dma_start3A_561] : memref<2x256x128xf32, #tpu.memory_space<vmem>> -> memref<1x256x128xf32, #tpu.memory_space<vmem>>
      %dma_start3A_563 = tpu.memref_squeeze %dma_start3A_562 : memref<1x256x128xf32, #tpu.memory_space<vmem>> -> memref<256x128xf32, #tpu.memory_space<vmem>>
      %dma_start3A_564 = arith.constant 0 : i32
      %dma_start3A_565 = tpu.memref_slice %arg4[%mul3A_558, %dma_start3A_564] : memref<3276800x128xf32, #tpu.memory_space<hbm>> -> memref<256x128xf32, #tpu.memory_space<hbm>>
      %dma_start3A_566 = arith.constant 0 : i32
      %dma_start3A_567 = tpu.memref_slice %arg4[%mul3A_558, %dma_start3A_566] : memref<3276800x128xf32, #tpu.memory_space<hbm>> -> memref<256x128xf32, #tpu.memory_space<hbm>>
      %dma_start3A_568 = arith.constant 0 : i32
      %dma_start3A_569 = arith.constant 0 : i32
      %dma_start3A_570 = tpu.memref_slice %arg6[%dma_start3A_559, %dma_start3A_568, %dma_start3A_569] : memref<2x256x128xf32, #tpu.memory_space<vmem>> -> memref<1x256x128xf32, #tpu.memory_space<vmem>>
      %dma_start3A_571 = tpu.memref_squeeze %dma_start3A_570 : memref<1x256x128xf32, #tpu.memory_space<vmem>> -> memref<256x128xf32, #tpu.memory_space<vmem>>
      tpu.enqueue_dma source(%dma_start3A_571 : memref<256x128xf32, #tpu.memory_space<vmem>>) target(%dma_start3A_567 : memref<256x128xf32, #tpu.memory_space<hbm>>) target_semaphore(%arg13 : memref<!tpu.dma_semaphore, #tpu.memory_space<semaphore_mem>>)
      %mul3A_572 = arith.constant 16 : i32
      %mul3A_573 = arith.muli %scan3A_98, %mul3A_572 : i32
      %add3A_574 = arith.constant 10 : i32
      %add3A_575 = arith.addi %mul3A_573, %add3A_574 : i32
      %lt3A_576 = arith.constant 399 : i32
      %lt3A_577 = arith.cmpi slt, %add3A_575, %lt3A_576 : i32
      %convert_element_type3A_578 = arith.extui %lt3A_577 : i1 to i32
      %cond3A_579 = arith.constant 0 : i32
      %cond3A_580 = arith.cmpi ne, %convert_element_type3A_578, %cond3A_579 : i32
      scf.if %cond3A_580 {
        %ge3A = arith.constant 1 : i32
        %ge3A_824 = arith.cmpi sge, %add3A_575, %ge3A : i32
        %convert_element_type3A_825 = arith.extui %ge3A_824 : i1 to i32
        %cond3A_826 = arith.constant 0 : i32
        %cond3A_827 = arith.cmpi ne, %convert_element_type3A_825, %cond3A_826 : i32
        scf.if %cond3A_827 {
          %sub3A_854 = arith.constant 1 : i32
          %sub3A_855 = arith.subi %add3A_575, %sub3A_854 : i32
          %mul3A_856 = arith.constant 2 : i32
          %mul3A_857 = arith.muli %sub3A_855, %mul3A_856 : i32
          %add3A_858 = arith.addi %mul3A_2, %mul3A_857 : i32
          %mul3A_859 = arith.constant 128 : i32
          %mul3A_860 = arith.muli %add3A_858, %mul3A_859 : i32
          %dma_wait3A_861 = arith.constant 1 : i32
          %dma_wait3A_862 = arith.constant 0 : i32
          %dma_wait3A_863 = arith.constant 0 : i32
          %dma_wait3A_864 = tpu.memref_slice %arg6[%dma_wait3A_861, %dma_wait3A_862, %dma_wait3A_863] : memref<2x256x128xf32, #tpu.memory_space<vmem>> -> memref<1x256x128xf32, #tpu.memory_space<vmem>>
          %dma_wait3A_865 = tpu.memref_squeeze %dma_wait3A_864 : memref<1x256x128xf32, #tpu.memory_space<vmem>> -> memref<256x128xf32, #tpu.memory_space<vmem>>
          %dma_wait3A_866 = arith.constant 0 : i32
          %dma_wait3A_867 = tpu.memref_slice %arg4[%mul3A_860, %dma_wait3A_866] : memref<3276800x128xf32, #tpu.memory_space<hbm>> -> memref<256x128xf32, #tpu.memory_space<hbm>>
          %dma_wait3A_868 = arith.constant 0 : i32
          %dma_wait3A_869 = tpu.memref_slice %arg4[%mul3A_860, %dma_wait3A_868] : memref<3276800x128xf32, #tpu.memory_space<hbm>> -> memref<256x128xf32, #tpu.memory_space<hbm>>
          %dma_wait3A_870 = arith.constant 0 : i32
          %dma_wait3A_871 = arith.constant 0 : i32
          %dma_wait3A_872 = tpu.memref_slice %arg6[%dma_wait3A_861, %dma_wait3A_870, %dma_wait3A_871] : memref<2x256x128xf32, #tpu.memory_space<vmem>> -> memref<1x256x128xf32, #tpu.memory_space<vmem>>
          %dma_wait3A_873 = tpu.memref_squeeze %dma_wait3A_872 : memref<1x256x128xf32, #tpu.memory_space<vmem>> -> memref<256x128xf32, #tpu.memory_space<vmem>>
          tpu.wait_dma2 semaphore(%arg13 : memref<!tpu.dma_semaphore, #tpu.memory_space<semaphore_mem>>) src(%dma_wait3A_873 : memref<256x128xf32, #tpu.memory_space<vmem>>) dst(%dma_wait3A_869 : memref<256x128xf32, #tpu.memory_space<hbm>>)
        } else {
        }
        %dma_start3A_828 = arith.constant 1 : i32
        %dma_start3A_829 = arith.constant 6 : i32
        %dma_start3A_830 = arith.constant 1 : i32
        %dma_start3A_831 = arith.constant 0 : i32
        %dma_start3A_832 = arith.constant 0 : i32
        %dma_start3A_833 = tpu.memref_slice %arg6[%dma_start3A_830, %dma_start3A_831, %dma_start3A_832] : memref<2x256x128xf32, #tpu.memory_space<vmem>> -> memref<1x128x128xf32, #tpu.memory_space<vmem>>
        %dma_start3A_834 = tpu.memref_squeeze %dma_start3A_833 : memref<1x128x128xf32, #tpu.memory_space<vmem>> -> memref<128x128xf32, #tpu.memory_space<vmem>>
        %dma_start3A_835 = arith.constant 0 : i32
        %dma_start3A_836 = tpu.memref_slice %arg5[%dma_start3A_828, %dma_start3A_829, %dma_start3A_835] : memref<2x16x128xi32, #tpu.memory_space<vmem>> -> memref<1x1x128xi32, #tpu.memory_space<vmem>>
        %dma_start3A_837 = tpu.memref_squeeze %dma_start3A_836 : memref<1x1x128xi32, #tpu.memory_space<vmem>> -> memref<128xi32, #tpu.memory_space<vmem>>
        %dma_start3A_838 = arith.constant 0 : i32
        %dma_start3A_839 = arith.constant 0 : i32
        %dma_start3A_840 = tpu.memref_slice %arg7[%dma_start3A_838, %dma_start3A_839] : memref<1000x128xf32, #tpu.memory_space<vmem_shared>> -> memref<1000x128xf32, #tpu.memory_space<vmem_shared>>
        tpu.enqueue_indirect_dma source(%dma_start3A_840 : memref<1000x128xf32, #tpu.memory_space<vmem_shared>>) target(%dma_start3A_834 : memref<128x128xf32, #tpu.memory_space<vmem>>) offsets(%dma_start3A_837 : memref<128xi32, #tpu.memory_space<vmem>>) semaphore(%arg11 : memref<!tpu.dma_semaphore, #tpu.memory_space<semaphore_mem>>)
        %dma_start3A_841 = arith.constant 1 : i32
        %dma_start3A_842 = arith.constant 7 : i32
        %dma_start3A_843 = arith.constant 1 : i32
        %dma_start3A_844 = arith.constant 128 : i32
        %dma_start3A_845 = arith.constant 0 : i32
        %dma_start3A_846 = tpu.memref_slice %arg6[%dma_start3A_843, %dma_start3A_844, %dma_start3A_845] : memref<2x256x128xf32, #tpu.memory_space<vmem>> -> memref<1x128x128xf32, #tpu.memory_space<vmem>>
        %dma_start3A_847 = tpu.memref_squeeze %dma_start3A_846 : memref<1x128x128xf32, #tpu.memory_space<vmem>> -> memref<128x128xf32, #tpu.memory_space<vmem>>
        %dma_start3A_848 = arith.constant 0 : i32
        %dma_start3A_849 = tpu.memref_slice %arg5[%dma_start3A_841, %dma_start3A_842, %dma_start3A_848] : memref<2x16x128xi32, #tpu.memory_space<vmem>> -> memref<1x1x128xi32, #tpu.memory_space<vmem>>
        %dma_start3A_850 = tpu.memref_squeeze %dma_start3A_849 : memref<1x1x128xi32, #tpu.memory_space<vmem>> -> memref<128xi32, #tpu.memory_space<vmem>>
        %dma_start3A_851 = arith.constant 0 : i32
        %dma_start3A_852 = arith.constant 0 : i32
        %dma_start3A_853 = tpu.memref_slice %arg7[%dma_start3A_851, %dma_start3A_852] : memref<1000x128xf32, #tpu.memory_space<vmem_shared>> -> memref<1000x128xf32, #tpu.memory_space<vmem_shared>>
        tpu.enqueue_indirect_dma source(%dma_start3A_853 : memref<1000x128xf32, #tpu.memory_space<vmem_shared>>) target(%dma_start3A_847 : memref<128x128xf32, #tpu.memory_space<vmem>>) offsets(%dma_start3A_850 : memref<128xi32, #tpu.memory_space<vmem>>) semaphore(%arg11 : memref<!tpu.dma_semaphore, #tpu.memory_space<semaphore_mem>>)
      } else {
      }
      %dma_wait3A_581 = arith.constant 0 : i32
      %dma_wait3A_582 = arith.constant 0 : i32
      %dma_wait3A_583 = arith.constant 0 : i32
      %dma_wait3A_584 = tpu.memref_slice %arg6[%dma_wait3A_581, %dma_wait3A_582, %dma_wait3A_583] : memref<2x256x128xf32, #tpu.memory_space<vmem>> -> memref<1x256x128xf32, #tpu.memory_space<vmem>>
      %dma_wait3A_585 = tpu.memref_squeeze %dma_wait3A_584 : memref<1x256x128xf32, #tpu.memory_space<vmem>> -> memref<256x128xf32, #tpu.memory_space<vmem>>
      %dma_wait3A_586 = arith.constant 0 : i32
      %dma_wait3A_587 = arith.constant 0 : i32
      %dma_wait3A_588 = tpu.memref_slice %arg4[%dma_wait3A_586, %dma_wait3A_587] : memref<3276800x128xf32, #tpu.memory_space<hbm>> -> memref<256x128xf32, #tpu.memory_space<hbm>>
      %dma_wait3A_589 = arith.constant 0 : i32
      %dma_wait3A_590 = arith.constant 0 : i32
      %dma_wait3A_591 = tpu.memref_slice %arg6[%dma_wait3A_581, %dma_wait3A_589, %dma_wait3A_590] : memref<2x256x128xf32, #tpu.memory_space<vmem>> -> memref<1x256x128xf32, #tpu.memory_space<vmem>>
      %dma_wait3A_592 = tpu.memref_squeeze %dma_wait3A_591 : memref<1x256x128xf32, #tpu.memory_space<vmem>> -> memref<256x128xf32, #tpu.memory_space<vmem>>
      %dma_wait3A_593 = arith.constant 0 : i32
      %dma_wait3A_594 = arith.constant 0 : i32
      %dma_wait3A_595 = tpu.memref_slice %arg4[%dma_wait3A_593, %dma_wait3A_594] : memref<3276800x128xf32, #tpu.memory_space<hbm>> -> memref<256x128xf32, #tpu.memory_space<hbm>>
      tpu.wait_dma2 semaphore(%arg10 : memref<!tpu.dma_semaphore, #tpu.memory_space<semaphore_mem>>) src(%dma_wait3A_595 : memref<256x128xf32, #tpu.memory_space<hbm>>) dst(%dma_wait3A_592 : memref<256x128xf32, #tpu.memory_space<vmem>>)
      %mul3A_596 = arith.constant 2 : i32
      %mul3A_597 = arith.muli %add3A_575, %mul3A_596 : i32
      %add3A_598 = arith.addi %mul3A_2, %mul3A_597 : i32
      %mul3A_599 = arith.constant 128 : i32
      %mul3A_600 = arith.muli %add3A_598, %mul3A_599 : i32
      %dma_start3A_601 = arith.constant 0 : i32
      %dma_start3A_602 = arith.constant 0 : i32
      %dma_start3A_603 = arith.constant 0 : i32
      %dma_start3A_604 = tpu.memref_slice %arg6[%dma_start3A_601, %dma_start3A_602, %dma_start3A_603] : memref<2x256x128xf32, #tpu.memory_space<vmem>> -> memref<1x256x128xf32, #tpu.memory_space<vmem>>
      %dma_start3A_605 = tpu.memref_squeeze %dma_start3A_604 : memref<1x256x128xf32, #tpu.memory_space<vmem>> -> memref<256x128xf32, #tpu.memory_space<vmem>>
      %dma_start3A_606 = arith.constant 0 : i32
      %dma_start3A_607 = tpu.memref_slice %arg4[%mul3A_600, %dma_start3A_606] : memref<3276800x128xf32, #tpu.memory_space<hbm>> -> memref<256x128xf32, #tpu.memory_space<hbm>>
      %dma_start3A_608 = arith.constant 0 : i32
      %dma_start3A_609 = tpu.memref_slice %arg4[%mul3A_600, %dma_start3A_608] : memref<3276800x128xf32, #tpu.memory_space<hbm>> -> memref<256x128xf32, #tpu.memory_space<hbm>>
      %dma_start3A_610 = arith.constant 0 : i32
      %dma_start3A_611 = arith.constant 0 : i32
      %dma_start3A_612 = tpu.memref_slice %arg6[%dma_start3A_601, %dma_start3A_610, %dma_start3A_611] : memref<2x256x128xf32, #tpu.memory_space<vmem>> -> memref<1x256x128xf32, #tpu.memory_space<vmem>>
      %dma_start3A_613 = tpu.memref_squeeze %dma_start3A_612 : memref<1x256x128xf32, #tpu.memory_space<vmem>> -> memref<256x128xf32, #tpu.memory_space<vmem>>
      tpu.enqueue_dma source(%dma_start3A_613 : memref<256x128xf32, #tpu.memory_space<vmem>>) target(%dma_start3A_609 : memref<256x128xf32, #tpu.memory_space<hbm>>) target_semaphore(%arg12 : memref<!tpu.dma_semaphore, #tpu.memory_space<semaphore_mem>>)
      %mul3A_614 = arith.constant 16 : i32
      %mul3A_615 = arith.muli %scan3A_98, %mul3A_614 : i32
      %add3A_616 = arith.constant 11 : i32
      %add3A_617 = arith.addi %mul3A_615, %add3A_616 : i32
      %lt3A_618 = arith.constant 399 : i32
      %lt3A_619 = arith.cmpi slt, %add3A_617, %lt3A_618 : i32
      %convert_element_type3A_620 = arith.extui %lt3A_619 : i1 to i32
      %cond3A_621 = arith.constant 0 : i32
      %cond3A_622 = arith.cmpi ne, %convert_element_type3A_620, %cond3A_621 : i32
      scf.if %cond3A_622 {
        %ge3A = arith.constant 1 : i32
        %ge3A_824 = arith.cmpi sge, %add3A_617, %ge3A : i32
        %convert_element_type3A_825 = arith.extui %ge3A_824 : i1 to i32
        %cond3A_826 = arith.constant 0 : i32
        %cond3A_827 = arith.cmpi ne, %convert_element_type3A_825, %cond3A_826 : i32
        scf.if %cond3A_827 {
          %sub3A_854 = arith.constant 1 : i32
          %sub3A_855 = arith.subi %add3A_617, %sub3A_854 : i32
          %mul3A_856 = arith.constant 2 : i32
          %mul3A_857 = arith.muli %sub3A_855, %mul3A_856 : i32
          %add3A_858 = arith.addi %mul3A_2, %mul3A_857 : i32
          %mul3A_859 = arith.constant 128 : i32
          %mul3A_860 = arith.muli %add3A_858, %mul3A_859 : i32
          %dma_wait3A_861 = arith.constant 0 : i32
          %dma_wait3A_862 = arith.constant 0 : i32
          %dma_wait3A_863 = arith.constant 0 : i32
          %dma_wait3A_864 = tpu.memref_slice %arg6[%dma_wait3A_861, %dma_wait3A_862, %dma_wait3A_863] : memref<2x256x128xf32, #tpu.memory_space<vmem>> -> memref<1x256x128xf32, #tpu.memory_space<vmem>>
          %dma_wait3A_865 = tpu.memref_squeeze %dma_wait3A_864 : memref<1x256x128xf32, #tpu.memory_space<vmem>> -> memref<256x128xf32, #tpu.memory_space<vmem>>
          %dma_wait3A_866 = arith.constant 0 : i32
          %dma_wait3A_867 = tpu.memref_slice %arg4[%mul3A_860, %dma_wait3A_866] : memref<3276800x128xf32, #tpu.memory_space<hbm>> -> memref<256x128xf32, #tpu.memory_space<hbm>>
          %dma_wait3A_868 = arith.constant 0 : i32
          %dma_wait3A_869 = tpu.memref_slice %arg4[%mul3A_860, %dma_wait3A_868] : memref<3276800x128xf32, #tpu.memory_space<hbm>> -> memref<256x128xf32, #tpu.memory_space<hbm>>
          %dma_wait3A_870 = arith.constant 0 : i32
          %dma_wait3A_871 = arith.constant 0 : i32
          %dma_wait3A_872 = tpu.memref_slice %arg6[%dma_wait3A_861, %dma_wait3A_870, %dma_wait3A_871] : memref<2x256x128xf32, #tpu.memory_space<vmem>> -> memref<1x256x128xf32, #tpu.memory_space<vmem>>
          %dma_wait3A_873 = tpu.memref_squeeze %dma_wait3A_872 : memref<1x256x128xf32, #tpu.memory_space<vmem>> -> memref<256x128xf32, #tpu.memory_space<vmem>>
          tpu.wait_dma2 semaphore(%arg12 : memref<!tpu.dma_semaphore, #tpu.memory_space<semaphore_mem>>) src(%dma_wait3A_873 : memref<256x128xf32, #tpu.memory_space<vmem>>) dst(%dma_wait3A_869 : memref<256x128xf32, #tpu.memory_space<hbm>>)
        } else {
        }
        %dma_start3A_828 = arith.constant 1 : i32
        %dma_start3A_829 = arith.constant 8 : i32
        %dma_start3A_830 = arith.constant 0 : i32
        %dma_start3A_831 = arith.constant 0 : i32
        %dma_start3A_832 = arith.constant 0 : i32
        %dma_start3A_833 = tpu.memref_slice %arg6[%dma_start3A_830, %dma_start3A_831, %dma_start3A_832] : memref<2x256x128xf32, #tpu.memory_space<vmem>> -> memref<1x128x128xf32, #tpu.memory_space<vmem>>
        %dma_start3A_834 = tpu.memref_squeeze %dma_start3A_833 : memref<1x128x128xf32, #tpu.memory_space<vmem>> -> memref<128x128xf32, #tpu.memory_space<vmem>>
        %dma_start3A_835 = arith.constant 0 : i32
        %dma_start3A_836 = tpu.memref_slice %arg5[%dma_start3A_828, %dma_start3A_829, %dma_start3A_835] : memref<2x16x128xi32, #tpu.memory_space<vmem>> -> memref<1x1x128xi32, #tpu.memory_space<vmem>>
        %dma_start3A_837 = tpu.memref_squeeze %dma_start3A_836 : memref<1x1x128xi32, #tpu.memory_space<vmem>> -> memref<128xi32, #tpu.memory_space<vmem>>
        %dma_start3A_838 = arith.constant 0 : i32
        %dma_start3A_839 = arith.constant 0 : i32
        %dma_start3A_840 = tpu.memref_slice %arg7[%dma_start3A_838, %dma_start3A_839] : memref<1000x128xf32, #tpu.memory_space<vmem_shared>> -> memref<1000x128xf32, #tpu.memory_space<vmem_shared>>
        tpu.enqueue_indirect_dma source(%dma_start3A_840 : memref<1000x128xf32, #tpu.memory_space<vmem_shared>>) target(%dma_start3A_834 : memref<128x128xf32, #tpu.memory_space<vmem>>) offsets(%dma_start3A_837 : memref<128xi32, #tpu.memory_space<vmem>>) semaphore(%arg10 : memref<!tpu.dma_semaphore, #tpu.memory_space<semaphore_mem>>)
        %dma_start3A_841 = arith.constant 1 : i32
        %dma_start3A_842 = arith.constant 9 : i32
        %dma_start3A_843 = arith.constant 0 : i32
        %dma_start3A_844 = arith.constant 128 : i32
        %dma_start3A_845 = arith.constant 0 : i32
        %dma_start3A_846 = tpu.memref_slice %arg6[%dma_start3A_843, %dma_start3A_844, %dma_start3A_845] : memref<2x256x128xf32, #tpu.memory_space<vmem>> -> memref<1x128x128xf32, #tpu.memory_space<vmem>>
        %dma_start3A_847 = tpu.memref_squeeze %dma_start3A_846 : memref<1x128x128xf32, #tpu.memory_space<vmem>> -> memref<128x128xf32, #tpu.memory_space<vmem>>
        %dma_start3A_848 = arith.constant 0 : i32
        %dma_start3A_849 = tpu.memref_slice %arg5[%dma_start3A_841, %dma_start3A_842, %dma_start3A_848] : memref<2x16x128xi32, #tpu.memory_space<vmem>> -> memref<1x1x128xi32, #tpu.memory_space<vmem>>
        %dma_start3A_850 = tpu.memref_squeeze %dma_start3A_849 : memref<1x1x128xi32, #tpu.memory_space<vmem>> -> memref<128xi32, #tpu.memory_space<vmem>>
        %dma_start3A_851 = arith.constant 0 : i32
        %dma_start3A_852 = arith.constant 0 : i32
        %dma_start3A_853 = tpu.memref_slice %arg7[%dma_start3A_851, %dma_start3A_852] : memref<1000x128xf32, #tpu.memory_space<vmem_shared>> -> memref<1000x128xf32, #tpu.memory_space<vmem_shared>>
        tpu.enqueue_indirect_dma source(%dma_start3A_853 : memref<1000x128xf32, #tpu.memory_space<vmem_shared>>) target(%dma_start3A_847 : memref<128x128xf32, #tpu.memory_space<vmem>>) offsets(%dma_start3A_850 : memref<128xi32, #tpu.memory_space<vmem>>) semaphore(%arg10 : memref<!tpu.dma_semaphore, #tpu.memory_space<semaphore_mem>>)
      } else {
      }
      %dma_wait3A_623 = arith.constant 1 : i32
      %dma_wait3A_624 = arith.constant 0 : i32
      %dma_wait3A_625 = arith.constant 0 : i32
      %dma_wait3A_626 = tpu.memref_slice %arg6[%dma_wait3A_623, %dma_wait3A_624, %dma_wait3A_625] : memref<2x256x128xf32, #tpu.memory_space<vmem>> -> memref<1x256x128xf32, #tpu.memory_space<vmem>>
      %dma_wait3A_627 = tpu.memref_squeeze %dma_wait3A_626 : memref<1x256x128xf32, #tpu.memory_space<vmem>> -> memref<256x128xf32, #tpu.memory_space<vmem>>
      %dma_wait3A_628 = arith.constant 0 : i32
      %dma_wait3A_629 = arith.constant 0 : i32
      %dma_wait3A_630 = tpu.memref_slice %arg4[%dma_wait3A_628, %dma_wait3A_629] : memref<3276800x128xf32, #tpu.memory_space<hbm>> -> memref<256x128xf32, #tpu.memory_space<hbm>>
      %dma_wait3A_631 = arith.constant 0 : i32
      %dma_wait3A_632 = arith.constant 0 : i32
      %dma_wait3A_633 = tpu.memref_slice %arg6[%dma_wait3A_623, %dma_wait3A_631, %dma_wait3A_632] : memref<2x256x128xf32, #tpu.memory_space<vmem>> -> memref<1x256x128xf32, #tpu.memory_space<vmem>>
      %dma_wait3A_634 = tpu.memref_squeeze %dma_wait3A_633 : memref<1x256x128xf32, #tpu.memory_space<vmem>> -> memref<256x128xf32, #tpu.memory_space<vmem>>
      %dma_wait3A_635 = arith.constant 0 : i32
      %dma_wait3A_636 = arith.constant 0 : i32
      %dma_wait3A_637 = tpu.memref_slice %arg4[%dma_wait3A_635, %dma_wait3A_636] : memref<3276800x128xf32, #tpu.memory_space<hbm>> -> memref<256x128xf32, #tpu.memory_space<hbm>>
      tpu.wait_dma2 semaphore(%arg11 : memref<!tpu.dma_semaphore, #tpu.memory_space<semaphore_mem>>) src(%dma_wait3A_637 : memref<256x128xf32, #tpu.memory_space<hbm>>) dst(%dma_wait3A_634 : memref<256x128xf32, #tpu.memory_space<vmem>>)
      %mul3A_638 = arith.constant 2 : i32
      %mul3A_639 = arith.muli %add3A_617, %mul3A_638 : i32
      %add3A_640 = arith.addi %mul3A_2, %mul3A_639 : i32
      %mul3A_641 = arith.constant 128 : i32
      %mul3A_642 = arith.muli %add3A_640, %mul3A_641 : i32
      %dma_start3A_643 = arith.constant 1 : i32
      %dma_start3A_644 = arith.constant 0 : i32
      %dma_start3A_645 = arith.constant 0 : i32
      %dma_start3A_646 = tpu.memref_slice %arg6[%dma_start3A_643, %dma_start3A_644, %dma_start3A_645] : memref<2x256x128xf32, #tpu.memory_space<vmem>> -> memref<1x256x128xf32, #tpu.memory_space<vmem>>
      %dma_start3A_647 = tpu.memref_squeeze %dma_start3A_646 : memref<1x256x128xf32, #tpu.memory_space<vmem>> -> memref<256x128xf32, #tpu.memory_space<vmem>>
      %dma_start3A_648 = arith.constant 0 : i32
      %dma_start3A_649 = tpu.memref_slice %arg4[%mul3A_642, %dma_start3A_648] : memref<3276800x128xf32, #tpu.memory_space<hbm>> -> memref<256x128xf32, #tpu.memory_space<hbm>>
      %dma_start3A_650 = arith.constant 0 : i32
      %dma_start3A_651 = tpu.memref_slice %arg4[%mul3A_642, %dma_start3A_650] : memref<3276800x128xf32, #tpu.memory_space<hbm>> -> memref<256x128xf32, #tpu.memory_space<hbm>>
      %dma_start3A_652 = arith.constant 0 : i32
      %dma_start3A_653 = arith.constant 0 : i32
      %dma_start3A_654 = tpu.memref_slice %arg6[%dma_start3A_643, %dma_start3A_652, %dma_start3A_653] : memref<2x256x128xf32, #tpu.memory_space<vmem>> -> memref<1x256x128xf32, #tpu.memory_space<vmem>>
      %dma_start3A_655 = tpu.memref_squeeze %dma_start3A_654 : memref<1x256x128xf32, #tpu.memory_space<vmem>> -> memref<256x128xf32, #tpu.memory_space<vmem>>
      tpu.enqueue_dma source(%dma_start3A_655 : memref<256x128xf32, #tpu.memory_space<vmem>>) target(%dma_start3A_651 : memref<256x128xf32, #tpu.memory_space<hbm>>) target_semaphore(%arg13 : memref<!tpu.dma_semaphore, #tpu.memory_space<semaphore_mem>>)
      %mul3A_656 = arith.constant 16 : i32
      %mul3A_657 = arith.muli %scan3A_98, %mul3A_656 : i32
      %add3A_658 = arith.constant 12 : i32
      %add3A_659 = arith.addi %mul3A_657, %add3A_658 : i32
      %lt3A_660 = arith.constant 399 : i32
      %lt3A_661 = arith.cmpi slt, %add3A_659, %lt3A_660 : i32
      %convert_element_type3A_662 = arith.extui %lt3A_661 : i1 to i32
      %cond3A_663 = arith.constant 0 : i32
      %cond3A_664 = arith.cmpi ne, %convert_element_type3A_662, %cond3A_663 : i32
      scf.if %cond3A_664 {
        %ge3A = arith.constant 1 : i32
        %ge3A_824 = arith.cmpi sge, %add3A_659, %ge3A : i32
        %convert_element_type3A_825 = arith.extui %ge3A_824 : i1 to i32
        %cond3A_826 = arith.constant 0 : i32
        %cond3A_827 = arith.cmpi ne, %convert_element_type3A_825, %cond3A_826 : i32
        scf.if %cond3A_827 {
          %sub3A_854 = arith.constant 1 : i32
          %sub3A_855 = arith.subi %add3A_659, %sub3A_854 : i32
          %mul3A_856 = arith.constant 2 : i32
          %mul3A_857 = arith.muli %sub3A_855, %mul3A_856 : i32
          %add3A_858 = arith.addi %mul3A_2, %mul3A_857 : i32
          %mul3A_859 = arith.constant 128 : i32
          %mul3A_860 = arith.muli %add3A_858, %mul3A_859 : i32
          %dma_wait3A_861 = arith.constant 1 : i32
          %dma_wait3A_862 = arith.constant 0 : i32
          %dma_wait3A_863 = arith.constant 0 : i32
          %dma_wait3A_864 = tpu.memref_slice %arg6[%dma_wait3A_861, %dma_wait3A_862, %dma_wait3A_863] : memref<2x256x128xf32, #tpu.memory_space<vmem>> -> memref<1x256x128xf32, #tpu.memory_space<vmem>>
          %dma_wait3A_865 = tpu.memref_squeeze %dma_wait3A_864 : memref<1x256x128xf32, #tpu.memory_space<vmem>> -> memref<256x128xf32, #tpu.memory_space<vmem>>
          %dma_wait3A_866 = arith.constant 0 : i32
          %dma_wait3A_867 = tpu.memref_slice %arg4[%mul3A_860, %dma_wait3A_866] : memref<3276800x128xf32, #tpu.memory_space<hbm>> -> memref<256x128xf32, #tpu.memory_space<hbm>>
          %dma_wait3A_868 = arith.constant 0 : i32
          %dma_wait3A_869 = tpu.memref_slice %arg4[%mul3A_860, %dma_wait3A_868] : memref<3276800x128xf32, #tpu.memory_space<hbm>> -> memref<256x128xf32, #tpu.memory_space<hbm>>
          %dma_wait3A_870 = arith.constant 0 : i32
          %dma_wait3A_871 = arith.constant 0 : i32
          %dma_wait3A_872 = tpu.memref_slice %arg6[%dma_wait3A_861, %dma_wait3A_870, %dma_wait3A_871] : memref<2x256x128xf32, #tpu.memory_space<vmem>> -> memref<1x256x128xf32, #tpu.memory_space<vmem>>
          %dma_wait3A_873 = tpu.memref_squeeze %dma_wait3A_872 : memref<1x256x128xf32, #tpu.memory_space<vmem>> -> memref<256x128xf32, #tpu.memory_space<vmem>>
          tpu.wait_dma2 semaphore(%arg13 : memref<!tpu.dma_semaphore, #tpu.memory_space<semaphore_mem>>) src(%dma_wait3A_873 : memref<256x128xf32, #tpu.memory_space<vmem>>) dst(%dma_wait3A_869 : memref<256x128xf32, #tpu.memory_space<hbm>>)
        } else {
        }
        %dma_start3A_828 = arith.constant 1 : i32
        %dma_start3A_829 = arith.constant 10 : i32
        %dma_start3A_830 = arith.constant 1 : i32
        %dma_start3A_831 = arith.constant 0 : i32
        %dma_start3A_832 = arith.constant 0 : i32
        %dma_start3A_833 = tpu.memref_slice %arg6[%dma_start3A_830, %dma_start3A_831, %dma_start3A_832] : memref<2x256x128xf32, #tpu.memory_space<vmem>> -> memref<1x128x128xf32, #tpu.memory_space<vmem>>
        %dma_start3A_834 = tpu.memref_squeeze %dma_start3A_833 : memref<1x128x128xf32, #tpu.memory_space<vmem>> -> memref<128x128xf32, #tpu.memory_space<vmem>>
        %dma_start3A_835 = arith.constant 0 : i32
        %dma_start3A_836 = tpu.memref_slice %arg5[%dma_start3A_828, %dma_start3A_829, %dma_start3A_835] : memref<2x16x128xi32, #tpu.memory_space<vmem>> -> memref<1x1x128xi32, #tpu.memory_space<vmem>>
        %dma_start3A_837 = tpu.memref_squeeze %dma_start3A_836 : memref<1x1x128xi32, #tpu.memory_space<vmem>> -> memref<128xi32, #tpu.memory_space<vmem>>
        %dma_start3A_838 = arith.constant 0 : i32
        %dma_start3A_839 = arith.constant 0 : i32
        %dma_start3A_840 = tpu.memref_slice %arg7[%dma_start3A_838, %dma_start3A_839] : memref<1000x128xf32, #tpu.memory_space<vmem_shared>> -> memref<1000x128xf32, #tpu.memory_space<vmem_shared>>
        tpu.enqueue_indirect_dma source(%dma_start3A_840 : memref<1000x128xf32, #tpu.memory_space<vmem_shared>>) target(%dma_start3A_834 : memref<128x128xf32, #tpu.memory_space<vmem>>) offsets(%dma_start3A_837 : memref<128xi32, #tpu.memory_space<vmem>>) semaphore(%arg11 : memref<!tpu.dma_semaphore, #tpu.memory_space<semaphore_mem>>)
        %dma_start3A_841 = arith.constant 1 : i32
        %dma_start3A_842 = arith.constant 11 : i32
        %dma_start3A_843 = arith.constant 1 : i32
        %dma_start3A_844 = arith.constant 128 : i32
        %dma_start3A_845 = arith.constant 0 : i32
        %dma_start3A_846 = tpu.memref_slice %arg6[%dma_start3A_843, %dma_start3A_844, %dma_start3A_845] : memref<2x256x128xf32, #tpu.memory_space<vmem>> -> memref<1x128x128xf32, #tpu.memory_space<vmem>>
        %dma_start3A_847 = tpu.memref_squeeze %dma_start3A_846 : memref<1x128x128xf32, #tpu.memory_space<vmem>> -> memref<128x128xf32, #tpu.memory_space<vmem>>
        %dma_start3A_848 = arith.constant 0 : i32
        %dma_start3A_849 = tpu.memref_slice %arg5[%dma_start3A_841, %dma_start3A_842, %dma_start3A_848] : memref<2x16x128xi32, #tpu.memory_space<vmem>> -> memref<1x1x128xi32, #tpu.memory_space<vmem>>
        %dma_start3A_850 = tpu.memref_squeeze %dma_start3A_849 : memref<1x1x128xi32, #tpu.memory_space<vmem>> -> memref<128xi32, #tpu.memory_space<vmem>>
        %dma_start3A_851 = arith.constant 0 : i32
        %dma_start3A_852 = arith.constant 0 : i32
        %dma_start3A_853 = tpu.memref_slice %arg7[%dma_start3A_851, %dma_start3A_852] : memref<1000x128xf32, #tpu.memory_space<vmem_shared>> -> memref<1000x128xf32, #tpu.memory_space<vmem_shared>>
        tpu.enqueue_indirect_dma source(%dma_start3A_853 : memref<1000x128xf32, #tpu.memory_space<vmem_shared>>) target(%dma_start3A_847 : memref<128x128xf32, #tpu.memory_space<vmem>>) offsets(%dma_start3A_850 : memref<128xi32, #tpu.memory_space<vmem>>) semaphore(%arg11 : memref<!tpu.dma_semaphore, #tpu.memory_space<semaphore_mem>>)
      } else {
      }
      %dma_wait3A_665 = arith.constant 0 : i32
      %dma_wait3A_666 = arith.constant 0 : i32
      %dma_wait3A_667 = arith.constant 0 : i32
      %dma_wait3A_668 = tpu.memref_slice %arg6[%dma_wait3A_665, %dma_wait3A_666, %dma_wait3A_667] : memref<2x256x128xf32, #tpu.memory_space<vmem>> -> memref<1x256x128xf32, #tpu.memory_space<vmem>>
      %dma_wait3A_669 = tpu.memref_squeeze %dma_wait3A_668 : memref<1x256x128xf32, #tpu.memory_space<vmem>> -> memref<256x128xf32, #tpu.memory_space<vmem>>
      %dma_wait3A_670 = arith.constant 0 : i32
      %dma_wait3A_671 = arith.constant 0 : i32
      %dma_wait3A_672 = tpu.memref_slice %arg4[%dma_wait3A_670, %dma_wait3A_671] : memref<3276800x128xf32, #tpu.memory_space<hbm>> -> memref<256x128xf32, #tpu.memory_space<hbm>>
      %dma_wait3A_673 = arith.constant 0 : i32
      %dma_wait3A_674 = arith.constant 0 : i32
      %dma_wait3A_675 = tpu.memref_slice %arg6[%dma_wait3A_665, %dma_wait3A_673, %dma_wait3A_674] : memref<2x256x128xf32, #tpu.memory_space<vmem>> -> memref<1x256x128xf32, #tpu.memory_space<vmem>>
      %dma_wait3A_676 = tpu.memref_squeeze %dma_wait3A_675 : memref<1x256x128xf32, #tpu.memory_space<vmem>> -> memref<256x128xf32, #tpu.memory_space<vmem>>
      %dma_wait3A_677 = arith.constant 0 : i32
      %dma_wait3A_678 = arith.constant 0 : i32
      %dma_wait3A_679 = tpu.memref_slice %arg4[%dma_wait3A_677, %dma_wait3A_678] : memref<3276800x128xf32, #tpu.memory_space<hbm>> -> memref<256x128xf32, #tpu.memory_space<hbm>>
      tpu.wait_dma2 semaphore(%arg10 : memref<!tpu.dma_semaphore, #tpu.memory_space<semaphore_mem>>) src(%dma_wait3A_679 : memref<256x128xf32, #tpu.memory_space<hbm>>) dst(%dma_wait3A_676 : memref<256x128xf32, #tpu.memory_space<vmem>>)
      %mul3A_680 = arith.constant 2 : i32
      %mul3A_681 = arith.muli %add3A_659, %mul3A_680 : i32
      %add3A_682 = arith.addi %mul3A_2, %mul3A_681 : i32
      %mul3A_683 = arith.constant 128 : i32
      %mul3A_684 = arith.muli %add3A_682, %mul3A_683 : i32
      %dma_start3A_685 = arith.constant 0 : i32
      %dma_start3A_686 = arith.constant 0 : i32
      %dma_start3A_687 = arith.constant 0 : i32
      %dma_start3A_688 = tpu.memref_slice %arg6[%dma_start3A_685, %dma_start3A_686, %dma_start3A_687] : memref<2x256x128xf32, #tpu.memory_space<vmem>> -> memref<1x256x128xf32, #tpu.memory_space<vmem>>
      %dma_start3A_689 = tpu.memref_squeeze %dma_start3A_688 : memref<1x256x128xf32, #tpu.memory_space<vmem>> -> memref<256x128xf32, #tpu.memory_space<vmem>>
      %dma_start3A_690 = arith.constant 0 : i32
      %dma_start3A_691 = tpu.memref_slice %arg4[%mul3A_684, %dma_start3A_690] : memref<3276800x128xf32, #tpu.memory_space<hbm>> -> memref<256x128xf32, #tpu.memory_space<hbm>>
      %dma_start3A_692 = arith.constant 0 : i32
      %dma_start3A_693 = tpu.memref_slice %arg4[%mul3A_684, %dma_start3A_692] : memref<3276800x128xf32, #tpu.memory_space<hbm>> -> memref<256x128xf32, #tpu.memory_space<hbm>>
      %dma_start3A_694 = arith.constant 0 : i32
      %dma_start3A_695 = arith.constant 0 : i32
      %dma_start3A_696 = tpu.memref_slice %arg6[%dma_start3A_685, %dma_start3A_694, %dma_start3A_695] : memref<2x256x128xf32, #tpu.memory_space<vmem>> -> memref<1x256x128xf32, #tpu.memory_space<vmem>>
      %dma_start3A_697 = tpu.memref_squeeze %dma_start3A_696 : memref<1x256x128xf32, #tpu.memory_space<vmem>> -> memref<256x128xf32, #tpu.memory_space<vmem>>
      tpu.enqueue_dma source(%dma_start3A_697 : memref<256x128xf32, #tpu.memory_space<vmem>>) target(%dma_start3A_693 : memref<256x128xf32, #tpu.memory_space<hbm>>) target_semaphore(%arg12 : memref<!tpu.dma_semaphore, #tpu.memory_space<semaphore_mem>>)
      %mul3A_698 = arith.constant 16 : i32
      %mul3A_699 = arith.muli %scan3A_98, %mul3A_698 : i32
      %add3A_700 = arith.constant 13 : i32
      %add3A_701 = arith.addi %mul3A_699, %add3A_700 : i32
      %lt3A_702 = arith.constant 399 : i32
      %lt3A_703 = arith.cmpi slt, %add3A_701, %lt3A_702 : i32
      %convert_element_type3A_704 = arith.extui %lt3A_703 : i1 to i32
      %cond3A_705 = arith.constant 0 : i32
      %cond3A_706 = arith.cmpi ne, %convert_element_type3A_704, %cond3A_705 : i32
      scf.if %cond3A_706 {
        %ge3A = arith.constant 1 : i32
        %ge3A_824 = arith.cmpi sge, %add3A_701, %ge3A : i32
        %convert_element_type3A_825 = arith.extui %ge3A_824 : i1 to i32
        %cond3A_826 = arith.constant 0 : i32
        %cond3A_827 = arith.cmpi ne, %convert_element_type3A_825, %cond3A_826 : i32
        scf.if %cond3A_827 {
          %sub3A_854 = arith.constant 1 : i32
          %sub3A_855 = arith.subi %add3A_701, %sub3A_854 : i32
          %mul3A_856 = arith.constant 2 : i32
          %mul3A_857 = arith.muli %sub3A_855, %mul3A_856 : i32
          %add3A_858 = arith.addi %mul3A_2, %mul3A_857 : i32
          %mul3A_859 = arith.constant 128 : i32
          %mul3A_860 = arith.muli %add3A_858, %mul3A_859 : i32
          %dma_wait3A_861 = arith.constant 0 : i32
          %dma_wait3A_862 = arith.constant 0 : i32
          %dma_wait3A_863 = arith.constant 0 : i32
          %dma_wait3A_864 = tpu.memref_slice %arg6[%dma_wait3A_861, %dma_wait3A_862, %dma_wait3A_863] : memref<2x256x128xf32, #tpu.memory_space<vmem>> -> memref<1x256x128xf32, #tpu.memory_space<vmem>>
          %dma_wait3A_865 = tpu.memref_squeeze %dma_wait3A_864 : memref<1x256x128xf32, #tpu.memory_space<vmem>> -> memref<256x128xf32, #tpu.memory_space<vmem>>
          %dma_wait3A_866 = arith.constant 0 : i32
          %dma_wait3A_867 = tpu.memref_slice %arg4[%mul3A_860, %dma_wait3A_866] : memref<3276800x128xf32, #tpu.memory_space<hbm>> -> memref<256x128xf32, #tpu.memory_space<hbm>>
          %dma_wait3A_868 = arith.constant 0 : i32
          %dma_wait3A_869 = tpu.memref_slice %arg4[%mul3A_860, %dma_wait3A_868] : memref<3276800x128xf32, #tpu.memory_space<hbm>> -> memref<256x128xf32, #tpu.memory_space<hbm>>
          %dma_wait3A_870 = arith.constant 0 : i32
          %dma_wait3A_871 = arith.constant 0 : i32
          %dma_wait3A_872 = tpu.memref_slice %arg6[%dma_wait3A_861, %dma_wait3A_870, %dma_wait3A_871] : memref<2x256x128xf32, #tpu.memory_space<vmem>> -> memref<1x256x128xf32, #tpu.memory_space<vmem>>
          %dma_wait3A_873 = tpu.memref_squeeze %dma_wait3A_872 : memref<1x256x128xf32, #tpu.memory_space<vmem>> -> memref<256x128xf32, #tpu.memory_space<vmem>>
          tpu.wait_dma2 semaphore(%arg12 : memref<!tpu.dma_semaphore, #tpu.memory_space<semaphore_mem>>) src(%dma_wait3A_873 : memref<256x128xf32, #tpu.memory_space<vmem>>) dst(%dma_wait3A_869 : memref<256x128xf32, #tpu.memory_space<hbm>>)
        } else {
        }
        %dma_start3A_828 = arith.constant 1 : i32
        %dma_start3A_829 = arith.constant 12 : i32
        %dma_start3A_830 = arith.constant 0 : i32
        %dma_start3A_831 = arith.constant 0 : i32
        %dma_start3A_832 = arith.constant 0 : i32
        %dma_start3A_833 = tpu.memref_slice %arg6[%dma_start3A_830, %dma_start3A_831, %dma_start3A_832] : memref<2x256x128xf32, #tpu.memory_space<vmem>> -> memref<1x128x128xf32, #tpu.memory_space<vmem>>
        %dma_start3A_834 = tpu.memref_squeeze %dma_start3A_833 : memref<1x128x128xf32, #tpu.memory_space<vmem>> -> memref<128x128xf32, #tpu.memory_space<vmem>>
        %dma_start3A_835 = arith.constant 0 : i32
        %dma_start3A_836 = tpu.memref_slice %arg5[%dma_start3A_828, %dma_start3A_829, %dma_start3A_835] : memref<2x16x128xi32, #tpu.memory_space<vmem>> -> memref<1x1x128xi32, #tpu.memory_space<vmem>>
        %dma_start3A_837 = tpu.memref_squeeze %dma_start3A_836 : memref<1x1x128xi32, #tpu.memory_space<vmem>> -> memref<128xi32, #tpu.memory_space<vmem>>
        %dma_start3A_838 = arith.constant 0 : i32
        %dma_start3A_839 = arith.constant 0 : i32
        %dma_start3A_840 = tpu.memref_slice %arg7[%dma_start3A_838, %dma_start3A_839] : memref<1000x128xf32, #tpu.memory_space<vmem_shared>> -> memref<1000x128xf32, #tpu.memory_space<vmem_shared>>
        tpu.enqueue_indirect_dma source(%dma_start3A_840 : memref<1000x128xf32, #tpu.memory_space<vmem_shared>>) target(%dma_start3A_834 : memref<128x128xf32, #tpu.memory_space<vmem>>) offsets(%dma_start3A_837 : memref<128xi32, #tpu.memory_space<vmem>>) semaphore(%arg10 : memref<!tpu.dma_semaphore, #tpu.memory_space<semaphore_mem>>)
        %dma_start3A_841 = arith.constant 1 : i32
        %dma_start3A_842 = arith.constant 13 : i32
        %dma_start3A_843 = arith.constant 0 : i32
        %dma_start3A_844 = arith.constant 128 : i32
        %dma_start3A_845 = arith.constant 0 : i32
        %dma_start3A_846 = tpu.memref_slice %arg6[%dma_start3A_843, %dma_start3A_844, %dma_start3A_845] : memref<2x256x128xf32, #tpu.memory_space<vmem>> -> memref<1x128x128xf32, #tpu.memory_space<vmem>>
        %dma_start3A_847 = tpu.memref_squeeze %dma_start3A_846 : memref<1x128x128xf32, #tpu.memory_space<vmem>> -> memref<128x128xf32, #tpu.memory_space<vmem>>
        %dma_start3A_848 = arith.constant 0 : i32
        %dma_start3A_849 = tpu.memref_slice %arg5[%dma_start3A_841, %dma_start3A_842, %dma_start3A_848] : memref<2x16x128xi32, #tpu.memory_space<vmem>> -> memref<1x1x128xi32, #tpu.memory_space<vmem>>
        %dma_start3A_850 = tpu.memref_squeeze %dma_start3A_849 : memref<1x1x128xi32, #tpu.memory_space<vmem>> -> memref<128xi32, #tpu.memory_space<vmem>>
        %dma_start3A_851 = arith.constant 0 : i32
        %dma_start3A_852 = arith.constant 0 : i32
        %dma_start3A_853 = tpu.memref_slice %arg7[%dma_start3A_851, %dma_start3A_852] : memref<1000x128xf32, #tpu.memory_space<vmem_shared>> -> memref<1000x128xf32, #tpu.memory_space<vmem_shared>>
        tpu.enqueue_indirect_dma source(%dma_start3A_853 : memref<1000x128xf32, #tpu.memory_space<vmem_shared>>) target(%dma_start3A_847 : memref<128x128xf32, #tpu.memory_space<vmem>>) offsets(%dma_start3A_850 : memref<128xi32, #tpu.memory_space<vmem>>) semaphore(%arg10 : memref<!tpu.dma_semaphore, #tpu.memory_space<semaphore_mem>>)
      } else {
      }
      %dma_wait3A_707 = arith.constant 1 : i32
      %dma_wait3A_708 = arith.constant 0 : i32
      %dma_wait3A_709 = arith.constant 0 : i32
      %dma_wait3A_710 = tpu.memref_slice %arg6[%dma_wait3A_707, %dma_wait3A_708, %dma_wait3A_709] : memref<2x256x128xf32, #tpu.memory_space<vmem>> -> memref<1x256x128xf32, #tpu.memory_space<vmem>>
      %dma_wait3A_711 = tpu.memref_squeeze %dma_wait3A_710 : memref<1x256x128xf32, #tpu.memory_space<vmem>> -> memref<256x128xf32, #tpu.memory_space<vmem>>
      %dma_wait3A_712 = arith.constant 0 : i32
      %dma_wait3A_713 = arith.constant 0 : i32
      %dma_wait3A_714 = tpu.memref_slice %arg4[%dma_wait3A_712, %dma_wait3A_713] : memref<3276800x128xf32, #tpu.memory_space<hbm>> -> memref<256x128xf32, #tpu.memory_space<hbm>>
      %dma_wait3A_715 = arith.constant 0 : i32
      %dma_wait3A_716 = arith.constant 0 : i32
      %dma_wait3A_717 = tpu.memref_slice %arg6[%dma_wait3A_707, %dma_wait3A_715, %dma_wait3A_716] : memref<2x256x128xf32, #tpu.memory_space<vmem>> -> memref<1x256x128xf32, #tpu.memory_space<vmem>>
      %dma_wait3A_718 = tpu.memref_squeeze %dma_wait3A_717 : memref<1x256x128xf32, #tpu.memory_space<vmem>> -> memref<256x128xf32, #tpu.memory_space<vmem>>
      %dma_wait3A_719 = arith.constant 0 : i32
      %dma_wait3A_720 = arith.constant 0 : i32
      %dma_wait3A_721 = tpu.memref_slice %arg4[%dma_wait3A_719, %dma_wait3A_720] : memref<3276800x128xf32, #tpu.memory_space<hbm>> -> memref<256x128xf32, #tpu.memory_space<hbm>>
      tpu.wait_dma2 semaphore(%arg11 : memref<!tpu.dma_semaphore, #tpu.memory_space<semaphore_mem>>) src(%dma_wait3A_721 : memref<256x128xf32, #tpu.memory_space<hbm>>) dst(%dma_wait3A_718 : memref<256x128xf32, #tpu.memory_space<vmem>>)
      %mul3A_722 = arith.constant 2 : i32
      %mul3A_723 = arith.muli %add3A_701, %mul3A_722 : i32
      %add3A_724 = arith.addi %mul3A_2, %mul3A_723 : i32
      %mul3A_725 = arith.constant 128 : i32
      %mul3A_726 = arith.muli %add3A_724, %mul3A_725 : i32
      %dma_start3A_727 = arith.constant 1 : i32
      %dma_start3A_728 = arith.constant 0 : i32
      %dma_start3A_729 = arith.constant 0 : i32
      %dma_start3A_730 = tpu.memref_slice %arg6[%dma_start3A_727, %dma_start3A_728, %dma_start3A_729] : memref<2x256x128xf32, #tpu.memory_space<vmem>> -> memref<1x256x128xf32, #tpu.memory_space<vmem>>
      %dma_start3A_731 = tpu.memref_squeeze %dma_start3A_730 : memref<1x256x128xf32, #tpu.memory_space<vmem>> -> memref<256x128xf32, #tpu.memory_space<vmem>>
      %dma_start3A_732 = arith.constant 0 : i32
      %dma_start3A_733 = tpu.memref_slice %arg4[%mul3A_726, %dma_start3A_732] : memref<3276800x128xf32, #tpu.memory_space<hbm>> -> memref<256x128xf32, #tpu.memory_space<hbm>>
      %dma_start3A_734 = arith.constant 0 : i32
      %dma_start3A_735 = tpu.memref_slice %arg4[%mul3A_726, %dma_start3A_734] : memref<3276800x128xf32, #tpu.memory_space<hbm>> -> memref<256x128xf32, #tpu.memory_space<hbm>>
      %dma_start3A_736 = arith.constant 0 : i32
      %dma_start3A_737 = arith.constant 0 : i32
      %dma_start3A_738 = tpu.memref_slice %arg6[%dma_start3A_727, %dma_start3A_736, %dma_start3A_737] : memref<2x256x128xf32, #tpu.memory_space<vmem>> -> memref<1x256x128xf32, #tpu.memory_space<vmem>>
      %dma_start3A_739 = tpu.memref_squeeze %dma_start3A_738 : memref<1x256x128xf32, #tpu.memory_space<vmem>> -> memref<256x128xf32, #tpu.memory_space<vmem>>
      tpu.enqueue_dma source(%dma_start3A_739 : memref<256x128xf32, #tpu.memory_space<vmem>>) target(%dma_start3A_735 : memref<256x128xf32, #tpu.memory_space<hbm>>) target_semaphore(%arg13 : memref<!tpu.dma_semaphore, #tpu.memory_space<semaphore_mem>>)
      %mul3A_740 = arith.constant 16 : i32
      %mul3A_741 = arith.muli %scan3A_98, %mul3A_740 : i32
      %add3A_742 = arith.constant 14 : i32
      %add3A_743 = arith.addi %mul3A_741, %add3A_742 : i32
      %lt3A_744 = arith.constant 399 : i32
      %lt3A_745 = arith.cmpi slt, %add3A_743, %lt3A_744 : i32
      %convert_element_type3A_746 = arith.extui %lt3A_745 : i1 to i32
      %cond3A_747 = arith.constant 0 : i32
      %cond3A_748 = arith.cmpi ne, %convert_element_type3A_746, %cond3A_747 : i32
      scf.if %cond3A_748 {
        %ge3A = arith.constant 1 : i32
        %ge3A_824 = arith.cmpi sge, %add3A_743, %ge3A : i32
        %convert_element_type3A_825 = arith.extui %ge3A_824 : i1 to i32
        %cond3A_826 = arith.constant 0 : i32
        %cond3A_827 = arith.cmpi ne, %convert_element_type3A_825, %cond3A_826 : i32
        scf.if %cond3A_827 {
          %sub3A_854 = arith.constant 1 : i32
          %sub3A_855 = arith.subi %add3A_743, %sub3A_854 : i32
          %mul3A_856 = arith.constant 2 : i32
          %mul3A_857 = arith.muli %sub3A_855, %mul3A_856 : i32
          %add3A_858 = arith.addi %mul3A_2, %mul3A_857 : i32
          %mul3A_859 = arith.constant 128 : i32
          %mul3A_860 = arith.muli %add3A_858, %mul3A_859 : i32
          %dma_wait3A_861 = arith.constant 1 : i32
          %dma_wait3A_862 = arith.constant 0 : i32
          %dma_wait3A_863 = arith.constant 0 : i32
          %dma_wait3A_864 = tpu.memref_slice %arg6[%dma_wait3A_861, %dma_wait3A_862, %dma_wait3A_863] : memref<2x256x128xf32, #tpu.memory_space<vmem>> -> memref<1x256x128xf32, #tpu.memory_space<vmem>>
          %dma_wait3A_865 = tpu.memref_squeeze %dma_wait3A_864 : memref<1x256x128xf32, #tpu.memory_space<vmem>> -> memref<256x128xf32, #tpu.memory_space<vmem>>
          %dma_wait3A_866 = arith.constant 0 : i32
          %dma_wait3A_867 = tpu.memref_slice %arg4[%mul3A_860, %dma_wait3A_866] : memref<3276800x128xf32, #tpu.memory_space<hbm>> -> memref<256x128xf32, #tpu.memory_space<hbm>>
          %dma_wait3A_868 = arith.constant 0 : i32
          %dma_wait3A_869 = tpu.memref_slice %arg4[%mul3A_860, %dma_wait3A_868] : memref<3276800x128xf32, #tpu.memory_space<hbm>> -> memref<256x128xf32, #tpu.memory_space<hbm>>
          %dma_wait3A_870 = arith.constant 0 : i32
          %dma_wait3A_871 = arith.constant 0 : i32
          %dma_wait3A_872 = tpu.memref_slice %arg6[%dma_wait3A_861, %dma_wait3A_870, %dma_wait3A_871] : memref<2x256x128xf32, #tpu.memory_space<vmem>> -> memref<1x256x128xf32, #tpu.memory_space<vmem>>
          %dma_wait3A_873 = tpu.memref_squeeze %dma_wait3A_872 : memref<1x256x128xf32, #tpu.memory_space<vmem>> -> memref<256x128xf32, #tpu.memory_space<vmem>>
          tpu.wait_dma2 semaphore(%arg13 : memref<!tpu.dma_semaphore, #tpu.memory_space<semaphore_mem>>) src(%dma_wait3A_873 : memref<256x128xf32, #tpu.memory_space<vmem>>) dst(%dma_wait3A_869 : memref<256x128xf32, #tpu.memory_space<hbm>>)
        } else {
        }
        %dma_start3A_828 = arith.constant 1 : i32
        %dma_start3A_829 = arith.constant 14 : i32
        %dma_start3A_830 = arith.constant 1 : i32
        %dma_start3A_831 = arith.constant 0 : i32
        %dma_start3A_832 = arith.constant 0 : i32
        %dma_start3A_833 = tpu.memref_slice %arg6[%dma_start3A_830, %dma_start3A_831, %dma_start3A_832] : memref<2x256x128xf32, #tpu.memory_space<vmem>> -> memref<1x128x128xf32, #tpu.memory_space<vmem>>
        %dma_start3A_834 = tpu.memref_squeeze %dma_start3A_833 : memref<1x128x128xf32, #tpu.memory_space<vmem>> -> memref<128x128xf32, #tpu.memory_space<vmem>>
        %dma_start3A_835 = arith.constant 0 : i32
        %dma_start3A_836 = tpu.memref_slice %arg5[%dma_start3A_828, %dma_start3A_829, %dma_start3A_835] : memref<2x16x128xi32, #tpu.memory_space<vmem>> -> memref<1x1x128xi32, #tpu.memory_space<vmem>>
        %dma_start3A_837 = tpu.memref_squeeze %dma_start3A_836 : memref<1x1x128xi32, #tpu.memory_space<vmem>> -> memref<128xi32, #tpu.memory_space<vmem>>
        %dma_start3A_838 = arith.constant 0 : i32
        %dma_start3A_839 = arith.constant 0 : i32
        %dma_start3A_840 = tpu.memref_slice %arg7[%dma_start3A_838, %dma_start3A_839] : memref<1000x128xf32, #tpu.memory_space<vmem_shared>> -> memref<1000x128xf32, #tpu.memory_space<vmem_shared>>
        tpu.enqueue_indirect_dma source(%dma_start3A_840 : memref<1000x128xf32, #tpu.memory_space<vmem_shared>>) target(%dma_start3A_834 : memref<128x128xf32, #tpu.memory_space<vmem>>) offsets(%dma_start3A_837 : memref<128xi32, #tpu.memory_space<vmem>>) semaphore(%arg11 : memref<!tpu.dma_semaphore, #tpu.memory_space<semaphore_mem>>)
        %dma_start3A_841 = arith.constant 1 : i32
        %dma_start3A_842 = arith.constant 15 : i32
        %dma_start3A_843 = arith.constant 1 : i32
        %dma_start3A_844 = arith.constant 128 : i32
        %dma_start3A_845 = arith.constant 0 : i32
        %dma_start3A_846 = tpu.memref_slice %arg6[%dma_start3A_843, %dma_start3A_844, %dma_start3A_845] : memref<2x256x128xf32, #tpu.memory_space<vmem>> -> memref<1x128x128xf32, #tpu.memory_space<vmem>>
        %dma_start3A_847 = tpu.memref_squeeze %dma_start3A_846 : memref<1x128x128xf32, #tpu.memory_space<vmem>> -> memref<128x128xf32, #tpu.memory_space<vmem>>
        %dma_start3A_848 = arith.constant 0 : i32
        %dma_start3A_849 = tpu.memref_slice %arg5[%dma_start3A_841, %dma_start3A_842, %dma_start3A_848] : memref<2x16x128xi32, #tpu.memory_space<vmem>> -> memref<1x1x128xi32, #tpu.memory_space<vmem>>
        %dma_start3A_850 = tpu.memref_squeeze %dma_start3A_849 : memref<1x1x128xi32, #tpu.memory_space<vmem>> -> memref<128xi32, #tpu.memory_space<vmem>>
        %dma_start3A_851 = arith.constant 0 : i32
        %dma_start3A_852 = arith.constant 0 : i32
        %dma_start3A_853 = tpu.memref_slice %arg7[%dma_start3A_851, %dma_start3A_852] : memref<1000x128xf32, #tpu.memory_space<vmem_shared>> -> memref<1000x128xf32, #tpu.memory_space<vmem_shared>>
        tpu.enqueue_indirect_dma source(%dma_start3A_853 : memref<1000x128xf32, #tpu.memory_space<vmem_shared>>) target(%dma_start3A_847 : memref<128x128xf32, #tpu.memory_space<vmem>>) offsets(%dma_start3A_850 : memref<128xi32, #tpu.memory_space<vmem>>) semaphore(%arg11 : memref<!tpu.dma_semaphore, #tpu.memory_space<semaphore_mem>>)
      } else {
      }
      %dma_wait3A_749 = arith.constant 0 : i32
      %dma_wait3A_750 = arith.constant 0 : i32
      %dma_wait3A_751 = arith.constant 0 : i32
      %dma_wait3A_752 = tpu.memref_slice %arg6[%dma_wait3A_749, %dma_wait3A_750, %dma_wait3A_751] : memref<2x256x128xf32, #tpu.memory_space<vmem>> -> memref<1x256x128xf32, #tpu.memory_space<vmem>>
      %dma_wait3A_753 = tpu.memref_squeeze %dma_wait3A_752 : memref<1x256x128xf32, #tpu.memory_space<vmem>> -> memref<256x128xf32, #tpu.memory_space<vmem>>
      %dma_wait3A_754 = arith.constant 0 : i32
      %dma_wait3A_755 = arith.constant 0 : i32
      %dma_wait3A_756 = tpu.memref_slice %arg4[%dma_wait3A_754, %dma_wait3A_755] : memref<3276800x128xf32, #tpu.memory_space<hbm>> -> memref<256x128xf32, #tpu.memory_space<hbm>>
      %dma_wait3A_757 = arith.constant 0 : i32
      %dma_wait3A_758 = arith.constant 0 : i32
      %dma_wait3A_759 = tpu.memref_slice %arg6[%dma_wait3A_749, %dma_wait3A_757, %dma_wait3A_758] : memref<2x256x128xf32, #tpu.memory_space<vmem>> -> memref<1x256x128xf32, #tpu.memory_space<vmem>>
      %dma_wait3A_760 = tpu.memref_squeeze %dma_wait3A_759 : memref<1x256x128xf32, #tpu.memory_space<vmem>> -> memref<256x128xf32, #tpu.memory_space<vmem>>
      %dma_wait3A_761 = arith.constant 0 : i32
      %dma_wait3A_762 = arith.constant 0 : i32
      %dma_wait3A_763 = tpu.memref_slice %arg4[%dma_wait3A_761, %dma_wait3A_762] : memref<3276800x128xf32, #tpu.memory_space<hbm>> -> memref<256x128xf32, #tpu.memory_space<hbm>>
      tpu.wait_dma2 semaphore(%arg10 : memref<!tpu.dma_semaphore, #tpu.memory_space<semaphore_mem>>) src(%dma_wait3A_763 : memref<256x128xf32, #tpu.memory_space<hbm>>) dst(%dma_wait3A_760 : memref<256x128xf32, #tpu.memory_space<vmem>>)
      %mul3A_764 = arith.constant 2 : i32
      %mul3A_765 = arith.muli %add3A_743, %mul3A_764 : i32
      %add3A_766 = arith.addi %mul3A_2, %mul3A_765 : i32
      %mul3A_767 = arith.constant 128 : i32
      %mul3A_768 = arith.muli %add3A_766, %mul3A_767 : i32
      %dma_start3A_769 = arith.constant 0 : i32
      %dma_start3A_770 = arith.constant 0 : i32
      %dma_start3A_771 = arith.constant 0 : i32
      %dma_start3A_772 = tpu.memref_slice %arg6[%dma_start3A_769, %dma_start3A_770, %dma_start3A_771] : memref<2x256x128xf32, #tpu.memory_space<vmem>> -> memref<1x256x128xf32, #tpu.memory_space<vmem>>
      %dma_start3A_773 = tpu.memref_squeeze %dma_start3A_772 : memref<1x256x128xf32, #tpu.memory_space<vmem>> -> memref<256x128xf32, #tpu.memory_space<vmem>>
      %dma_start3A_774 = arith.constant 0 : i32
      %dma_start3A_775 = tpu.memref_slice %arg4[%mul3A_768, %dma_start3A_774] : memref<3276800x128xf32, #tpu.memory_space<hbm>> -> memref<256x128xf32, #tpu.memory_space<hbm>>
      %dma_start3A_776 = arith.constant 0 : i32
      %dma_start3A_777 = tpu.memref_slice %arg4[%mul3A_768, %dma_start3A_776] : memref<3276800x128xf32, #tpu.memory_space<hbm>> -> memref<256x128xf32, #tpu.memory_space<hbm>>
      %dma_start3A_778 = arith.constant 0 : i32
      %dma_start3A_779 = arith.constant 0 : i32
      %dma_start3A_780 = tpu.memref_slice %arg6[%dma_start3A_769, %dma_start3A_778, %dma_start3A_779] : memref<2x256x128xf32, #tpu.memory_space<vmem>> -> memref<1x256x128xf32, #tpu.memory_space<vmem>>
      %dma_start3A_781 = tpu.memref_squeeze %dma_start3A_780 : memref<1x256x128xf32, #tpu.memory_space<vmem>> -> memref<256x128xf32, #tpu.memory_space<vmem>>
      tpu.enqueue_dma source(%dma_start3A_781 : memref<256x128xf32, #tpu.memory_space<vmem>>) target(%dma_start3A_777 : memref<256x128xf32, #tpu.memory_space<hbm>>) target_semaphore(%arg12 : memref<!tpu.dma_semaphore, #tpu.memory_space<semaphore_mem>>)
      %mul3A_782 = arith.constant 16 : i32
      %mul3A_783 = arith.muli %scan3A_98, %mul3A_782 : i32
      %add3A_784 = arith.constant 15 : i32
      %add3A_785 = arith.addi %mul3A_783, %add3A_784 : i32
      %lt3A_786 = arith.constant 399 : i32
      %lt3A_787 = arith.cmpi slt, %add3A_785, %lt3A_786 : i32
      %convert_element_type3A_788 = arith.extui %lt3A_787 : i1 to i32
      %cond3A_789 = arith.constant 0 : i32
      %cond3A_790 = arith.cmpi ne, %convert_element_type3A_788, %cond3A_789 : i32
      scf.if %cond3A_790 {
        %ge3A = arith.constant 1 : i32
        %ge3A_824 = arith.cmpi sge, %add3A_785, %ge3A : i32
        %convert_element_type3A_825 = arith.extui %ge3A_824 : i1 to i32
        %cond3A_826 = arith.constant 0 : i32
        %cond3A_827 = arith.cmpi ne, %convert_element_type3A_825, %cond3A_826 : i32
        scf.if %cond3A_827 {
          %sub3A_898 = arith.constant 1 : i32
          %sub3A_899 = arith.subi %add3A_785, %sub3A_898 : i32
          %mul3A_900 = arith.constant 2 : i32
          %mul3A_901 = arith.muli %sub3A_899, %mul3A_900 : i32
          %add3A_902 = arith.addi %mul3A_2, %mul3A_901 : i32
          %mul3A_903 = arith.constant 128 : i32
          %mul3A_904 = arith.muli %add3A_902, %mul3A_903 : i32
          %dma_wait3A_905 = arith.constant 0 : i32
          %dma_wait3A_906 = arith.constant 0 : i32
          %dma_wait3A_907 = arith.constant 0 : i32
          %dma_wait3A_908 = tpu.memref_slice %arg6[%dma_wait3A_905, %dma_wait3A_906, %dma_wait3A_907] : memref<2x256x128xf32, #tpu.memory_space<vmem>> -> memref<1x256x128xf32, #tpu.memory_space<vmem>>
          %dma_wait3A_909 = tpu.memref_squeeze %dma_wait3A_908 : memref<1x256x128xf32, #tpu.memory_space<vmem>> -> memref<256x128xf32, #tpu.memory_space<vmem>>
          %dma_wait3A_910 = arith.constant 0 : i32
          %dma_wait3A_911 = tpu.memref_slice %arg4[%mul3A_904, %dma_wait3A_910] : memref<3276800x128xf32, #tpu.memory_space<hbm>> -> memref<256x128xf32, #tpu.memory_space<hbm>>
          %dma_wait3A_912 = arith.constant 0 : i32
          %dma_wait3A_913 = tpu.memref_slice %arg4[%mul3A_904, %dma_wait3A_912] : memref<3276800x128xf32, #tpu.memory_space<hbm>> -> memref<256x128xf32, #tpu.memory_space<hbm>>
          %dma_wait3A_914 = arith.constant 0 : i32
          %dma_wait3A_915 = arith.constant 0 : i32
          %dma_wait3A_916 = tpu.memref_slice %arg6[%dma_wait3A_905, %dma_wait3A_914, %dma_wait3A_915] : memref<2x256x128xf32, #tpu.memory_space<vmem>> -> memref<1x256x128xf32, #tpu.memory_space<vmem>>
          %dma_wait3A_917 = tpu.memref_squeeze %dma_wait3A_916 : memref<1x256x128xf32, #tpu.memory_space<vmem>> -> memref<256x128xf32, #tpu.memory_space<vmem>>
          tpu.wait_dma2 semaphore(%arg12 : memref<!tpu.dma_semaphore, #tpu.memory_space<semaphore_mem>>) src(%dma_wait3A_917 : memref<256x128xf32, #tpu.memory_space<vmem>>) dst(%dma_wait3A_913 : memref<256x128xf32, #tpu.memory_space<hbm>>)
        } else {
        }
        %jit3A_828 = arith.constant 8 : i32
        %div3A_829 = arith.divsi %add3A_785, %jit3A_828 : i32
        %sign3A_830 = arith.constant 0 : i32
        %sign3A_831 = arith.cmpi sgt, %add3A_785, %sign3A_830 : i32
        %sign3A_832 = arith.extui %sign3A_831 : i1 to i32
        %sign3A_833 = arith.constant 0 : i32
        %sign3A_834 = arith.cmpi slt, %add3A_785, %sign3A_833 : i32
        %sign3A_835 = arith.extui %sign3A_834 : i1 to i32
        %sign3A_836 = arith.subi %sign3A_832, %sign3A_835 : i32
        %sign3A_837 = arith.constant 0 : i32
        %sign3A_838 = arith.cmpi sgt, %jit3A_828, %sign3A_837 : i32
        %sign3A_839 = arith.extui %sign3A_838 : i1 to i32
        %sign3A_840 = arith.constant 0 : i32
        %sign3A_841 = arith.cmpi slt, %jit3A_828, %sign3A_840 : i32
        %sign3A_842 = arith.extui %sign3A_841 : i1 to i32
        %sign3A_843 = arith.subi %sign3A_839, %sign3A_842 : i32
        %ne3A_844 = arith.cmpi ne, %sign3A_836, %sign3A_843 : i32
        %rem3A_845 = arith.remsi %add3A_785, %jit3A_828 : i32
        %ne3A_846 = arith.constant 0 : i32
        %ne3A_847 = arith.cmpi ne, %rem3A_845, %ne3A_846 : i32
        %and3A_848 = arith.andi %ne3A_844, %ne3A_847 : i1
        %sub3A_849 = arith.constant 1 : i32
        %sub3A_850 = arith.subi %div3A_829, %sub3A_849 : i32
        %select_n3A_851 = arith.select %and3A_848, %sub3A_850, %div3A_829 : i32
        %add3A_852 = arith.constant 1 : i32
        %add3A_853 = arith.addi %select_n3A_851, %add3A_852 : i32
        %mul3A_854 = arith.constant 8 : i32
        %mul3A_855 = arith.muli %add3A_853, %mul3A_854 : i32
        %mul3A_856 = arith.constant 2 : i32
        %mul3A_857 = arith.muli %mul3A_855, %mul3A_856 : i32
        %add3A_858 = arith.addi %mul3A_2, %mul3A_857 : i32
        %dma_wait3A_859 = arith.constant 0 : i32
        %dma_wait3A_860 = arith.constant 0 : i32
        %dma_wait3A_861 = arith.constant 0 : i32
        %dma_wait3A_862 = tpu.memref_slice %arg5[%dma_wait3A_859, %dma_wait3A_860, %dma_wait3A_861] : memref<2x16x128xi32, #tpu.memory_space<vmem>> -> memref<1x16x128xi32, #tpu.memory_space<vmem>>
        %dma_wait3A_863 = tpu.memref_squeeze %dma_wait3A_862 : memref<1x16x128xi32, #tpu.memory_space<vmem>> -> memref<16x128xi32, #tpu.memory_space<vmem>>
        %dma_wait3A_864 = arith.constant 0 : i32
        %dma_wait3A_865 = tpu.memref_slice %arg2[%add3A_858, %dma_wait3A_864] : memref<25600x128xi32, #tpu.memory_space<hbm>> -> memref<16x128xi32, #tpu.memory_space<hbm>>
        %dma_wait3A_866 = arith.constant 0 : i32
        %dma_wait3A_867 = arith.constant 0 : i32
        %dma_wait3A_868 = tpu.memref_slice %arg5[%dma_wait3A_859, %dma_wait3A_866, %dma_wait3A_867] : memref<2x16x128xi32, #tpu.memory_space<vmem>> -> memref<1x16x128xi32, #tpu.memory_space<vmem>>
        %dma_wait3A_869 = tpu.memref_squeeze %dma_wait3A_868 : memref<1x16x128xi32, #tpu.memory_space<vmem>> -> memref<16x128xi32, #tpu.memory_space<vmem>>
        %dma_wait3A_870 = arith.constant 0 : i32
        %dma_wait3A_871 = tpu.memref_slice %arg2[%add3A_858, %dma_wait3A_870] : memref<25600x128xi32, #tpu.memory_space<hbm>> -> memref<16x128xi32, #tpu.memory_space<hbm>>
        tpu.wait_dma2 semaphore(%arg8 : memref<!tpu.dma_semaphore, #tpu.memory_space<semaphore_mem>>) src(%dma_wait3A_871 : memref<16x128xi32, #tpu.memory_space<hbm>>) dst(%dma_wait3A_869 : memref<16x128xi32, #tpu.memory_space<vmem>>)
        %dma_start3A_872 = arith.constant 0 : i32
        %dma_start3A_873 = arith.constant 0 : i32
        %dma_start3A_874 = arith.constant 0 : i32
        %dma_start3A_875 = arith.constant 0 : i32
        %dma_start3A_876 = arith.constant 0 : i32
        %dma_start3A_877 = tpu.memref_slice %arg6[%dma_start3A_874, %dma_start3A_875, %dma_start3A_876] : memref<2x256x128xf32, #tpu.memory_space<vmem>> -> memref<1x128x128xf32, #tpu.memory_space<vmem>>
        %dma_start3A_878 = tpu.memref_squeeze %dma_start3A_877 : memref<1x128x128xf32, #tpu.memory_space<vmem>> -> memref<128x128xf32, #tpu.memory_space<vmem>>
        %dma_start3A_879 = arith.constant 0 : i32
        %dma_start3A_880 = tpu.memref_slice %arg5[%dma_start3A_872, %dma_start3A_873, %dma_start3A_879] : memref<2x16x128xi32, #tpu.memory_space<vmem>> -> memref<1x1x128xi32, #tpu.memory_space<vmem>>
        %dma_start3A_881 = tpu.memref_squeeze %dma_start3A_880 : memref<1x1x128xi32, #tpu.memory_space<vmem>> -> memref<128xi32, #tpu.memory_space<vmem>>
        %dma_start3A_882 = arith.constant 0 : i32
        %dma_start3A_883 = arith.constant 0 : i32
        %dma_start3A_884 = tpu.memref_slice %arg7[%dma_start3A_882, %dma_start3A_883] : memref<1000x128xf32, #tpu.memory_space<vmem_shared>> -> memref<1000x128xf32, #tpu.memory_space<vmem_shared>>
        tpu.enqueue_indirect_dma source(%dma_start3A_884 : memref<1000x128xf32, #tpu.memory_space<vmem_shared>>) target(%dma_start3A_878 : memref<128x128xf32, #tpu.memory_space<vmem>>) offsets(%dma_start3A_881 : memref<128xi32, #tpu.memory_space<vmem>>) semaphore(%arg10 : memref<!tpu.dma_semaphore, #tpu.memory_space<semaphore_mem>>)
        %dma_start3A_885 = arith.constant 0 : i32
        %dma_start3A_886 = arith.constant 1 : i32
        %dma_start3A_887 = arith.constant 0 : i32
        %dma_start3A_888 = arith.constant 128 : i32
        %dma_start3A_889 = arith.constant 0 : i32
        %dma_start3A_890 = tpu.memref_slice %arg6[%dma_start3A_887, %dma_start3A_888, %dma_start3A_889] : memref<2x256x128xf32, #tpu.memory_space<vmem>> -> memref<1x128x128xf32, #tpu.memory_space<vmem>>
        %dma_start3A_891 = tpu.memref_squeeze %dma_start3A_890 : memref<1x128x128xf32, #tpu.memory_space<vmem>> -> memref<128x128xf32, #tpu.memory_space<vmem>>
        %dma_start3A_892 = arith.constant 0 : i32
        %dma_start3A_893 = tpu.memref_slice %arg5[%dma_start3A_885, %dma_start3A_886, %dma_start3A_892] : memref<2x16x128xi32, #tpu.memory_space<vmem>> -> memref<1x1x128xi32, #tpu.memory_space<vmem>>
        %dma_start3A_894 = tpu.memref_squeeze %dma_start3A_893 : memref<1x1x128xi32, #tpu.memory_space<vmem>> -> memref<128xi32, #tpu.memory_space<vmem>>
        %dma_start3A_895 = arith.constant 0 : i32
        %dma_start3A_896 = arith.constant 0 : i32
        %dma_start3A_897 = tpu.memref_slice %arg7[%dma_start3A_895, %dma_start3A_896] : memref<1000x128xf32, #tpu.memory_space<vmem_shared>> -> memref<1000x128xf32, #tpu.memory_space<vmem_shared>>
        tpu.enqueue_indirect_dma source(%dma_start3A_897 : memref<1000x128xf32, #tpu.memory_space<vmem_shared>>) target(%dma_start3A_891 : memref<128x128xf32, #tpu.memory_space<vmem>>) offsets(%dma_start3A_894 : memref<128xi32, #tpu.memory_space<vmem>>) semaphore(%arg10 : memref<!tpu.dma_semaphore, #tpu.memory_space<semaphore_mem>>)
      } else {
      }
      %dma_wait3A_791 = arith.constant 1 : i32
      %dma_wait3A_792 = arith.constant 0 : i32
      %dma_wait3A_793 = arith.constant 0 : i32
      %dma_wait3A_794 = tpu.memref_slice %arg6[%dma_wait3A_791, %dma_wait3A_792, %dma_wait3A_793] : memref<2x256x128xf32, #tpu.memory_space<vmem>> -> memref<1x256x128xf32, #tpu.memory_space<vmem>>
      %dma_wait3A_795 = tpu.memref_squeeze %dma_wait3A_794 : memref<1x256x128xf32, #tpu.memory_space<vmem>> -> memref<256x128xf32, #tpu.memory_space<vmem>>
      %dma_wait3A_796 = arith.constant 0 : i32
      %dma_wait3A_797 = arith.constant 0 : i32
      %dma_wait3A_798 = tpu.memref_slice %arg4[%dma_wait3A_796, %dma_wait3A_797] : memref<3276800x128xf32, #tpu.memory_space<hbm>> -> memref<256x128xf32, #tpu.memory_space<hbm>>
      %dma_wait3A_799 = arith.constant 0 : i32
      %dma_wait3A_800 = arith.constant 0 : i32
      %dma_wait3A_801 = tpu.memref_slice %arg6[%dma_wait3A_791, %dma_wait3A_799, %dma_wait3A_800] : memref<2x256x128xf32, #tpu.memory_space<vmem>> -> memref<1x256x128xf32, #tpu.memory_space<vmem>>
      %dma_wait3A_802 = tpu.memref_squeeze %dma_wait3A_801 : memref<1x256x128xf32, #tpu.memory_space<vmem>> -> memref<256x128xf32, #tpu.memory_space<vmem>>
      %dma_wait3A_803 = arith.constant 0 : i32
      %dma_wait3A_804 = arith.constant 0 : i32
      %dma_wait3A_805 = tpu.memref_slice %arg4[%dma_wait3A_803, %dma_wait3A_804] : memref<3276800x128xf32, #tpu.memory_space<hbm>> -> memref<256x128xf32, #tpu.memory_space<hbm>>
      tpu.wait_dma2 semaphore(%arg11 : memref<!tpu.dma_semaphore, #tpu.memory_space<semaphore_mem>>) src(%dma_wait3A_805 : memref<256x128xf32, #tpu.memory_space<hbm>>) dst(%dma_wait3A_802 : memref<256x128xf32, #tpu.memory_space<vmem>>)
      %mul3A_806 = arith.constant 2 : i32
      %mul3A_807 = arith.muli %add3A_785, %mul3A_806 : i32
      %add3A_808 = arith.addi %mul3A_2, %mul3A_807 : i32
      %mul3A_809 = arith.constant 128 : i32
      %mul3A_810 = arith.muli %add3A_808, %mul3A_809 : i32
      %dma_start3A_811 = arith.constant 1 : i32
      %dma_start3A_812 = arith.constant 0 : i32
      %dma_start3A_813 = arith.constant 0 : i32
      %dma_start3A_814 = tpu.memref_slice %arg6[%dma_start3A_811, %dma_start3A_812, %dma_start3A_813] : memref<2x256x128xf32, #tpu.memory_space<vmem>> -> memref<1x256x128xf32, #tpu.memory_space<vmem>>
      %dma_start3A_815 = tpu.memref_squeeze %dma_start3A_814 : memref<1x256x128xf32, #tpu.memory_space<vmem>> -> memref<256x128xf32, #tpu.memory_space<vmem>>
      %dma_start3A_816 = arith.constant 0 : i32
      %dma_start3A_817 = tpu.memref_slice %arg4[%mul3A_810, %dma_start3A_816] : memref<3276800x128xf32, #tpu.memory_space<hbm>> -> memref<256x128xf32, #tpu.memory_space<hbm>>
      %dma_start3A_818 = arith.constant 0 : i32
      %dma_start3A_819 = tpu.memref_slice %arg4[%mul3A_810, %dma_start3A_818] : memref<3276800x128xf32, #tpu.memory_space<hbm>> -> memref<256x128xf32, #tpu.memory_space<hbm>>
      %dma_start3A_820 = arith.constant 0 : i32
      %dma_start3A_821 = arith.constant 0 : i32
      %dma_start3A_822 = tpu.memref_slice %arg6[%dma_start3A_811, %dma_start3A_820, %dma_start3A_821] : memref<2x256x128xf32, #tpu.memory_space<vmem>> -> memref<1x256x128xf32, #tpu.memory_space<vmem>>
      %dma_start3A_823 = tpu.memref_squeeze %dma_start3A_822 : memref<1x256x128xf32, #tpu.memory_space<vmem>> -> memref<256x128xf32, #tpu.memory_space<vmem>>
      tpu.enqueue_dma source(%dma_start3A_823 : memref<256x128xf32, #tpu.memory_space<vmem>>) target(%dma_start3A_819 : memref<256x128xf32, #tpu.memory_space<hbm>>) target_semaphore(%arg13 : memref<!tpu.dma_semaphore, #tpu.memory_space<semaphore_mem>>)
    }
    %scan3A_63 = arith.constant 25 : i32
    %add3A_64 = arith.constant 796 : i32
    %add3A_65 = arith.addi %mul3A_2, %add3A_64 : i32
    %mul3A_66 = arith.constant 128 : i32
    %mul3A_67 = arith.muli %add3A_65, %mul3A_66 : i32
    %dma_wait3A_68 = arith.constant 0 : i32
    %dma_wait3A_69 = arith.constant 0 : i32
    %dma_wait3A_70 = arith.constant 0 : i32
    %dma_wait3A_71 = tpu.memref_slice %arg6[%dma_wait3A_68, %dma_wait3A_69, %dma_wait3A_70] : memref<2x256x128xf32, #tpu.memory_space<vmem>> -> memref<1x256x128xf32, #tpu.memory_space<vmem>>
    %dma_wait3A_72 = tpu.memref_squeeze %dma_wait3A_71 : memref<1x256x128xf32, #tpu.memory_space<vmem>> -> memref<256x128xf32, #tpu.memory_space<vmem>>
    %dma_wait3A_73 = arith.constant 0 : i32
    %dma_wait3A_74 = tpu.memref_slice %arg4[%mul3A_67, %dma_wait3A_73] : memref<3276800x128xf32, #tpu.memory_space<hbm>> -> memref<256x128xf32, #tpu.memory_space<hbm>>
    %dma_wait3A_75 = arith.constant 0 : i32
    %dma_wait3A_76 = tpu.memref_slice %arg4[%mul3A_67, %dma_wait3A_75] : memref<3276800x128xf32, #tpu.memory_space<hbm>> -> memref<256x128xf32, #tpu.memory_space<hbm>>
    %dma_wait3A_77 = arith.constant 0 : i32
    %dma_wait3A_78 = arith.constant 0 : i32
    %dma_wait3A_79 = tpu.memref_slice %arg6[%dma_wait3A_68, %dma_wait3A_77, %dma_wait3A_78] : memref<2x256x128xf32, #tpu.memory_space<vmem>> -> memref<1x256x128xf32, #tpu.memory_space<vmem>>
    %dma_wait3A_80 = tpu.memref_squeeze %dma_wait3A_79 : memref<1x256x128xf32, #tpu.memory_space<vmem>> -> memref<256x128xf32, #tpu.memory_space<vmem>>
    tpu.wait_dma2 semaphore(%arg12 : memref<!tpu.dma_semaphore, #tpu.memory_space<semaphore_mem>>) src(%dma_wait3A_80 : memref<256x128xf32, #tpu.memory_space<vmem>>) dst(%dma_wait3A_76 : memref<256x128xf32, #tpu.memory_space<hbm>>)
    %add3A_81 = arith.constant 798 : i32
    %add3A_82 = arith.addi %mul3A_2, %add3A_81 : i32
    %mul3A_83 = arith.constant 128 : i32
    %mul3A_84 = arith.muli %add3A_82, %mul3A_83 : i32
    %dma_wait3A_85 = arith.constant 1 : i32
    %dma_wait3A_86 = arith.constant 0 : i32
    %dma_wait3A_87 = arith.constant 0 : i32
    %dma_wait3A_88 = tpu.memref_slice %arg6[%dma_wait3A_85, %dma_wait3A_86, %dma_wait3A_87] : memref<2x256x128xf32, #tpu.memory_space<vmem>> -> memref<1x256x128xf32, #tpu.memory_space<vmem>>
    %dma_wait3A_89 = tpu.memref_squeeze %dma_wait3A_88 : memref<1x256x128xf32, #tpu.memory_space<vmem>> -> memref<256x128xf32, #tpu.memory_space<vmem>>
    %dma_wait3A_90 = arith.constant 0 : i32
    %dma_wait3A_91 = tpu.memref_slice %arg4[%mul3A_84, %dma_wait3A_90] : memref<3276800x128xf32, #tpu.memory_space<hbm>> -> memref<256x128xf32, #tpu.memory_space<hbm>>
    %dma_wait3A_92 = arith.constant 0 : i32
    %dma_wait3A_93 = tpu.memref_slice %arg4[%mul3A_84, %dma_wait3A_92] : memref<3276800x128xf32, #tpu.memory_space<hbm>> -> memref<256x128xf32, #tpu.memory_space<hbm>>
    %dma_wait3A_94 = arith.constant 0 : i32
    %dma_wait3A_95 = arith.constant 0 : i32
    %dma_wait3A_96 = tpu.memref_slice %arg6[%dma_wait3A_85, %dma_wait3A_94, %dma_wait3A_95] : memref<2x256x128xf32, #tpu.memory_space<vmem>> -> memref<1x256x128xf32, #tpu.memory_space<vmem>>
    %dma_wait3A_97 = tpu.memref_squeeze %dma_wait3A_96 : memref<1x256x128xf32, #tpu.memory_space<vmem>> -> memref<256x128xf32, #tpu.memory_space<vmem>>
    tpu.wait_dma2 semaphore(%arg13 : memref<!tpu.dma_semaphore, #tpu.memory_space<semaphore_mem>>) src(%dma_wait3A_97 : memref<256x128xf32, #tpu.memory_space<vmem>>) dst(%dma_wait3A_93 : memref<256x128xf32, #tpu.memory_space<hbm>>)
    return
  }
}

</mosaic_0001>

<sc_bundles>
// kernel: kernel.3.cloned.1.call-start
scs
__scs_entry_jumppad:
0x0: {  	(pc) =	sbr.rel $0x88, $3  }
0x1: {  	(tag) =	ssettag $0x0;
	lr =	simm.s32 $0x1  }
0x2: {  	[smem:$0x3F9F] =	sst lr;
	_ =	strace $0xD0000000  }
0x3: {  	_ = 	snop  }
0x4: {  	_ = 	snop  }
0x5: {  	_ = 	snop  }
0x6: {  	_ = 	snop  }
0x7: {  	_ = 	snop  }
__scs_overlays_trampoline_lowered:
0x8: {  	[smem:$0x3FAE] =	sst s0  }
0x9: {  	[smem:$0x3FAF] =	sst s1  }
0xa: {  	[smem:$0x3FB0] =	sst s2  }
0xb: {  	[smem:$0x3FB1] =	sst s3  }
0xc: {  	[smem:$0x3FB2] =	sst s4  }
0xd: {  	[smem:$0x3FB3] =	sst s5  }
0xe: {  	[smem:$0x3FB4] =	sst s6  }
0xf: {  	[smem:$0x3FB5] =	sst s7  }
0x10: {  	[smem:$0x3FB6] =	sst s8  }
0x11: {  	[smem:$0x3FB7] =	sst s9;
	s0 =	simm.s32 @!p0 $0x0  }
0x12: {  	s1 =	sld [smem:$0x3F9D];
	s0 =	simm.s32 @p0 $0x1  }
0x13: {  	[smem:$0x3FB8] =	sst s0;
	s0 =	simm.s32 @!p1 $0x0  }
0x14: {  	s2 =	sld [smem:$0x3F9C];
	s0 =	simm.s32 @p1 $0x1  }
0x15: {  	[smem:$0x3FB9] =	sst s0;
	s0 =	simm.s32 @!p2 $0x0  }
0x16: {  	s3 =	sld [smem:$0x3FDB];
	s0 =	simm.s32 @p2 $0x1  }
0x17: {  	s4 =	simm.s32 $0x1BF5;
	[smem:$0x3FBB] =	sst s0  }
0x18: {  	s0 =	sld [smem:$0x3F9E];
	_ =	swait.ge [sflag:s4], $0x0  }
0x19: {  	s7 =	sld [smem:$0x3F9F]  }
0x1a: {  	s8 =	sadd.s32 $0xFFFFE003, lr  }
0x1b: {  	s9 =	sadd.s32 $0xFFFFFEF7, lr;
	s5 =	simm.s32 $0xFFFFFFFF;
	p2 =	slt.u32 s8, $0xFFFFF086  }
0x1c: {  	p1 =	slt.u32 s9, $0xF7A;
	s5 =	simm.s32 @!p2 $0x0  }
0x1d: {  	s5 =	simm.s32 @p1 $0x1;
	p0 =	seq.s32 s7, s2  }
0x1e: {  	s7 =	smul.u32 @!p0 $0xF7A, s2;
	p2 =	seq.s32 @!p0 s5, $0x0  }
0x1f: {  	s9 =	smul.u32 $0xF7A, s1;
	s8 =	simm.s32 @!p0 $0x1BF5;
	p2 =	por !p2, p0  }
0x20: {  	[sflag:s8] =	ssyncset.s32 @!p0 $0xFFFFF086;
	s6 =	sadd.s32 @!p0 s3, s7;
	s7 =	simm.s32 @!p0 $0x108  }
0x21: {  	s3 =	sadd.s32 s3, s9;
	s6 =	sadd.s32 @!p0 $0x88, s6;
	s7 =	simm.s32 @p2 $0x1082  }
0x22: {  	[simem:s7], [sflag:s8] =	dma.local @!p0 [hbm:s6], $0xF7A  }
0x23: {  	s9 =	sor.u32 $0xD0000000, s2;
	s6 =	simm.s32 $0x108;
	_ =	swait.ge @!p0 [sflag:s8], $0x0  }
0x24: {  	s3 =	sadd.s32 $0x88, s3;
	s6 =	simm.s32 @!p1 $0x1082;
	[sflag:s4] =	ssyncset.s32 $0xFFFFF086  }
0x25: {  	[simem:s6], [sflag:s4] =	dma.local [hbm:s3], $0xF7A  }
0x26: {  	[smem:$0x3F9F] =	sst s1;
	(tag) =	ssettag s2;
	_ =	strace s9  }
0x27: {  	s1 =	sld [smem:$0x3FAF]  }
0x28: {  	s2 =	sld [smem:$0x3FB0]  }
0x29: {  	s4 =	sld [smem:$0x3FB2]  }
0x2a: {  	p0 =	seq.s32 s5, $0x0;
	s5 =	sld [smem:$0x3FB3]  }
0x2b: {  	s6 =	sld [smem:$0x3FB4]  }
0x2c: {  	s7 =	sld [smem:$0x3FB5]  }
0x2d: {  	s3 =	simm.s32 $0x108;
	s8 =	sld [smem:$0x3FB6]  }
0x2e: {  	s3 =	simm.s32 @!p0 $0x1082;
	s9 =	sld [smem:$0x3FB7]  }
0x2f: {  	lr =	sadd.s32 s0, s3;
	s0 =	sld [smem:$0x3FAE]  }
0x30: {  	s3 =	sld [smem:$0x3FB1]  }
0x31: {  	[smem:$0x3FBA] =	sst s10  }
0x32: {  	s10 =	sld [smem:$0x3FB8];
	_ =	sdelay $0x3  }
0x33: {  	p0 =	seq.s32 s10, $0x1;
	s10 =	sld [smem:$0x3FBA];
	_ =	sdelay $0x3  }
0x34: {  	[smem:$0x3FBA] =	sst s10  }
0x35: {  	s10 =	sld [smem:$0x3FB9];
	_ =	sdelay $0x3  }
0x36: {  	p1 =	seq.s32 s10, $0x1;
	s10 =	sld [smem:$0x3FBA];
	_ =	sdelay $0x3  }
0x37: {  	[smem:$0x3FBA] =	sst s10  }
0x38: {  	s10 =	sld [smem:$0x3FBB]  }
0x39: {  	_ = 	snop;
	(pc) =	sbr.ind lr, $3  }
0x3a: {  	_ = 	snop  }
0x3b: {  	_ = 	snop  }
0x3c: {  	p2 =	seq.s32 s10, $0x1;
	s10 =	sld [smem:$0x3FBA]  }
0x3d: {  	_ =	shalt  }
0x3e: {  	_ =	shalt  }
0x3f: {  	_ =	shalt  }
0x40: {  	_ =	shalt  }
0x41: {  	_ =	shalt  }
0x42: {  	_ =	shalt  }
0x43: {  	_ =	shalt  }
0x44: {  	_ =	shalt  }
0x45: {  	_ =	shalt  }
0x46: {  	_ =	shalt  }
0x47: {  	_ =	shalt  }
0x48: {  	_ =	shalt  }
0x49: {  	_ =	shalt  }
0x4a: {  	_ =	shalt  }
0x4b: {  	_ =	shalt  }
0x4c: {  	_ =	shalt  }
0x4d: {  	_ =	shalt  }
0x4e: {  	_ =	shalt  }
0x4f: {  	_ =	shalt  }
0x50: {  	_ =	shalt  }
0x51: {  	_ =	shalt  }
0x52: {  	_ =	shalt  }
0x53: {  	_ =	shalt  }
0x54: {  	_ =	shalt  }
0x55: {  	_ =	shalt  }
0x56: {  	_ =	shalt  }
0x57: {  	_ =	shalt  }
0x58: {  	_ =	shalt  }
0x59: {  	_ =	shalt  }
0x5a: {  	_ =	shalt  }
0x5b: {  	_ =	shalt  }
0x5c: {  	_ =	shalt  }
0x5d: {  	_ =	shalt  }
0x5e: {  	_ =	shalt  }
0x5f: {  	_ =	shalt  }
0x60: {  	_ =	shalt  }
0x61: {  	_ =	shalt  }
0x62: {  	_ =	shalt  }
0x63: {  	_ =	shalt  }
0x64: {  	_ =	shalt  }
0x65: {  	_ =	shalt  }
0x66: {  	_ =	shalt  }
0x67: {  	_ =	shalt  }
0x68: {  	_ =	shalt  }
0x69: {  	_ =	shalt  }
0x6a: {  	_ =	shalt  }
0x6b: {  	_ =	shalt  }
0x6c: {  	_ =	shalt  }
0x6d: {  	_ =	shalt  }
0x6e: {  	_ =	shalt  }
0x6f: {  	_ =	shalt  }
0x70: {  	_ =	shalt  }
0x71: {  	_ =	shalt  }
0x72: {  	_ =	shalt  }
0x73: {  	_ =	shalt  }
0x74: {  	_ =	shalt  }
0x75: {  	_ =	shalt  }
0x76: {  	_ =	shalt  }
0x77: {  	_ =	shalt  }
0x78: {  	_ =	shalt  }
0x79: {  	_ =	shalt  }
0x7a: {  	_ =	shalt  }
0x7b: {  	_ =	shalt  }
0x7c: {  	_ =	shalt  }
0x7d: {  	_ =	shalt  }
0x7e: {  	_ =	shalt  }
0x7f: {  	_ =	shalt  }
0x80: {  	_ =	shalt  }
0x81: {  	_ =	shalt  }
0x82: {  	_ =	shalt  }
0x83: {  	_ =	shalt  }
0x84: {  	_ =	shalt  }
0x85: {  	_ =	shalt  }
0x86: {  	_ =	shalt  }
0x87: {  	_ =	shalt  }
.Lfunc_end0:
.L_simem_size_0:
called_computation_lowered:
.L_overlay_start_0:
0x88: {  	s2 =	sld [smem:$0x3FD9]  }
0x89: {  	s3 =	sld [smem:$0x3FFE];
	_ =	sdelay $0x1  }
0x8a: {  	s1 =	srdreg.scid  }
0x8b: {  	s0 =	sand.u32 $0x1, s1  }
0x8c: {  	s17 =	sshll.u32 s0, $0xA;
	s2 =	sadd.s32 s3, s2  }
0x8d: {  	s2 =	sadd.s32 s2, s17  }
0x8e: {  	[smem:$0x3FC6] =	sst s2  }
0x8f: {  	_ = 	snop  }
0x90: {  	s2 =	sld [smem:$0x3FC8]  }
0x91: {  	s18 =	sld [smem:$0x3FD0];
	(tm) =	ssettm $0x1  }
0x92: {  	s4 =	sld [smem:$0x3FFB];
	_ =	sdelay $0x3  }
0x93: {  	_ =	strace s4  }
0x94: {  	s4 =	sld [smem:$0x3FFC];
	_ =	sdelay $0x3  }
0x95: {  	_ =	strace s4  }
0x96: {  	s4 =	sld [smem:$0x3FFD];
	_ =	sdelay $0x3  }
0x97: {  	_ =	strace s4  }
0x98: {  	_ =	strace $0x8FFFFFFF  }
0x99: {  	s19 =	sld [smem:$0x3FDB];
	_ =	sdelay $0x1  }
0x9a: {  	s5 =	simm.s32 $_scs_section_size  }
0x9b: {  	s6 =	simm.s32 $_size__tile_overlayer_lowered;
	s7 =	simm.s32 $_tile_overlayer_lowered  }
0x9c: {  	s22 =	simm.s32 $0x1BFF;
	s21 =	sshll.u32 s7, $0x1;
	s4 =	sadd.s32 s5, s19  }
0x9d: {  	s8 =	simm.s32 $0x0;
	s20 =	sshll.u32 s6, $0x1;
	s6 =	sadd.s32 s21, s4  }
0x9e: {  	[timem:s8], [sflag:s22] =	dma.local [hbm:s6], s20  }
0x9f: {  	_ =	swait.ge [sflag:s22], s20  }
0xa0: {  	s5 =	ssub.s32 $0x0, s20;
	[sflag:s22] =	ssyncset.done $0x0  }
0xa1: {  	[sflag:s22] =	ssyncadd.s32 s5;
	_ =	sdelay $0x1  }
0xa2: {  	s23 =	simm.s32 $0x1B8B  }
0xa3: {  	_ =	swait.ge [sflag:s23], $0x1  }
0xa4: {  	[sflag:s23] =	ssyncset.done $0x0  }
0xa5: {  	s25 =	simm.s32 $0x1B8E;
	s24 =	sld [smem:$0x3FFE];
	[sflag:s23] =	ssyncadd.s32 $0xFFFFFFFF  }
0xa6: {  	s26 =	simm.s32 $execute0_lowered;
	[smem:$0x3FD2] =	sst s25  }
0xa7: {  	s6 =	sshll.u32 s26, $0x1;
	_ =	strace $0x80000046;
	[dreg:$0x1] =	wrdreg $0xFFFFFFFF  }
0xa8: {  	s28 =	simm.s32 $_size_execute0_lowered;
	s4 =	sadd.s32 s4, s6;
	[dreg:$0x0] =	wrdreg $0x0  }
0xa9: {  	s6 =	sshll.u32 s28, $0x1;
	[dreg:$0x2] =	wrdreg s4  }
0xaa: {  	[dreg:$0x3] =	wrdreg s6  }
0xab: {  	[dreg:$0x4] =	wrdreg $0xC0  }
0xac: {  	_ =	task [dreg:s8], $0x5FFFF  }
0xad: {  	[dreg:$0x1] =	wrdreg $0xFFFFFFFF  }
0xae: {  	[dreg:$0x0] =	wrdreg $0x60  }
0xaf: {  	[dreg:$0x2] =	wrdreg s24  }
0xb0: {  	[dreg:$0x3] =	wrdreg s2  }
0xb1: {  	[dreg:$0x4] =	wrdreg s18  }
0xb2: {  	[dreg:$0x5] =	wrdreg $0x110000  }
0xb3: {  	[dreg:$0x6] =	wrdreg $0x9  }
0xb4: {  	_ =	task.clear_ibuf [dreg:s8], $0x7FFFF;
	_ =	strace $0x90000046  }
0xb5: {  	s29 =	simm.s32 $0x9;
	_ =	strace $0x80000048  }
0xb6: {  	_ =	swait.ge [sflag:s29], $0x1  }
0xb7: {  	[sflag:s29] =	ssyncadd.s32 $0xFFFFFFFF  }
0xb8: {  	_ =	strace $0x90000048  }
0xb9: {  	_ =	sfence  }
0xba: {  	s30 =	sld [smem:$0x0];
	_ =	sdelay $0x2  }
0xbb: {  	s31 =	sshll.u32 s1, $0xD;
	s1 =	sshrl.u32 s1, $0x2  }
0xbc: {  	s3 =	sand.u32 $0x4000, s31;
	s1 =	sadd.s32 s1, s30  }
0xbd: {  	s0 =	sor.u32 s3, s0;
	s1 =	sshll.u32 s1, $0x11  }
0xbe: {  	s0 =	sor.u32 s1, s0  }
0xbf: {  	s0 =	sadd.s32 $0x8F2B, s0  }
0xc0: {  	[sflag:s0] =	ssyncadd.remote.s32 $0x1  }
0xc1: {  	_ =	sfence.sel $0xFFFF  }
0xc2: {  	[dreg:$0x0] =	wrdreg $0xFFFFFFFF;
	(pc) =	sbr.abs _section_cstart, $3  }
0xc3: {  	[dreg:$0x1] =	wrdreg $0xFFFFFFFF  }
0xc4: {  	_ =	task.clear_ibuf [dreg:s8], $0x2FFFF;
	_ =	strace $0x9FFFFFFF  }
0xc5: {  	(tm) =	ssettm $0x7FFFFFFF  }
tec
execute0_lowered:
.L_overlay_start_1:
0x0: {  	(tag) =	ssettag $0x1  }
0x1: {  	s5 =	rddreg [dreg:$0x0]  }
0x2: {  	s1 =	srdreg.scid;
	s0 =	rddreg [dreg:$0x1]  }
0x3: {  	s8 =	stileid.u32;
	s4 =	rddreg [dreg:$0x2]  }
0x4: {  	s3 =	simm.s32 $0x0;
	s6 =	sand.u32 $0x1, s1;
	s7 =	smul.u32 $0x1900000, s8  }
0x5: {  	[smem:$0x7FF] =	sst s3;
	s9 =	smul.u32 $0xC80000, s6  }
0x6: {  	s2 =	rddreg [dreg:$0x3];
	p0 =	sne.s32 s8, $0x0;
	_ =	strace $0x80000047  }
0x7: {  	s9 =	sadd.s32 s9, s7;
	s7 =	sadd.s32 $0x400, s5;
	s5 =	ssub.s32 $0x2, s6  }
0x8: {  	s10 =	sor.u32 $0x70000, s9;
	s11 =	sor.u32 $0x68000, s9;
	s17 =	sor.u32 $0x60000, s9  }
0x9: {  	s12 =	sor.u32 $0x58000, s9;
	s21 =	sor.u32 $0x50000, s9;
	s23 =	sor.u32 $0x48000, s9  }
0xa: {  	s29 =	sor.u32 $0x30000, s9;
	s1 =	sor.u32 $0x20000, s9;
	s10 =	sshrl.u32 s10, $0x3  }
0xb: {  	s16 =	sshrl.u32 s11, $0x3;
	s30 =	sshrl.u32 s29, $0x3;
	s29 =	simm.s32 $0x100  }
0xc: {  	s13 =	sshrl.u32 s1, $0x3;
	s1 =	simm.s32 $0x280;
	[dreg:$0x15] =	wrdreg s29  }
0xd: {  	s19 =	sshrl.u32 s12, $0x3;
	s12 =	simm.s32 $0x380;
	[dreg:$0x18] =	wrdreg s1  }
0xe: {  	s11 =	sshrl.u32 s17, $0x3;
	s10 =	sadd.s32 s10, s4;
	[dreg:$0x1a] =	wrdreg s12  }
0xf: {  	s24 =	sor.u32 $0x38000, s9;
	s18 =	sadd.s32 s11, s4;
	[dreg:$0x5] =	wrdreg s10  }
0x10: {  	s26 =	sshrl.u32 s24, $0x3;
	s20 =	sadd.s32 s19, s4;
	[dreg:$0x7] =	wrdreg s18  }
0x11: {  	s22 =	sshrl.u32 s21, $0x3;
	s28 =	sadd.s32 s26, s4;
	[dreg:$0x8] =	wrdreg s20  }
0x12: {  	s21 =	sshrl.u32 s5, $0x1;
	s14 =	sadd.s32 s13, s4;
	[dreg:$0xb] =	wrdreg s28  }
0x13: {  	s5 =	ssub.s32 s5, s21;
	s21 =	simm.s32 $0x680;
	[dreg:$0xe] =	wrdreg s14  }
0x14: {  	s31 =	sor.u32 $0x28000, s9;
	s29 =	simm.s32 $0xA00;
	[smem:$0x7EC] =	sst s21  }
0x15: {  	s11 =	sshrl.u32 s23, $0x3;
	s10 =	sadd.s32 s16, s4;
	[smem:$0x7F2] =	sst s29  }
0x16: {  	s15 =	sor.u32 $0x18000, s9;
	s25 =	sadd.s32 s11, s4;
	[dreg:$0x6] =	wrdreg s10  }
0x17: {  	s11 =	sshrl.u32 s31, $0x3;
	s31 =	simm.s32 $0x200;
	[dreg:$0xa] =	wrdreg s25  }
0x18: {  	s26 =	sshll.u32 s8, $0x1;
	s14 =	simm.s32 $0x400;
	[dreg:$0x17] =	wrdreg s31  }
0x19: {  	s16 =	sshrl.u32 s15, $0x3;
	s15 =	simm.s32 $0x480;
	[dreg:$0x1b] =	wrdreg s14  }
0x1a: {  	s28 =	sor.u32 s6, s26;
	s26 =	simm.s32 $0x900;
	[dreg:$0x1c] =	wrdreg s15  }
0x1b: {  	s17 =	sor.u32 $0x10000, s9;
	s21 =	simm.s32 $0xF80;
	[smem:$0x7F0] =	sst s26  }
0x1c: {  	s24 =	sor.u32 $0x78000, s9;
	s10 =	sadd.s32 s22, s4;
	[smem:$0x7FD] =	sst s21  }
0x1d: {  	s18 =	sor.u32 $0x8000, s9;
	s11 =	sadd.s32 s11, s4;
	[dreg:$0x9] =	wrdreg s10  }
0x1e: {  	s20 =	sshrl.u32 s18, $0x3;
	s18 =	simm.s32 $0x580;
	[dreg:$0xd] =	wrdreg s11  }
0x1f: {  	s23 =	sshrl.u32 s9, $0x3;
	s31 =	simm.s32 $0xB00;
	[dreg:$0x1e] =	wrdreg s18  }
0x20: {  	s13 =	smul.u32 $0x3200, s6;
	s14 =	simm.s32 $0xC00;
	[smem:$0x7F4] =	sst s31  }
0x21: {  	s12 =	simm.s32 $0x5000;
	s15 =	simm.s32 $0xC80;
	[smem:$0x7F6] =	sst s14  }
0x22: {  	s9 =	sor.u32 $0x40000, s9;
	s10 =	sadd.s32 s30, s4;
	[smem:$0x7F7] =	sst s15  }
0x23: {  	s5 =	smax.u32 s5, $0x1;
	s22 =	sadd.s32 s20, s4;
	[dreg:$0xc] =	wrdreg s10  }
0x24: {  	s9 =	sshrl.u32 s9, $0x3;
	s30 =	simm.s32 $0x180;
	[dreg:$0x11] =	wrdreg s22  }
0x25: {  	s21 =	simm.s32 $0x0;
	s20 =	simm.s32 $0x600;
	[dreg:$0x16] =	wrdreg s30  }
0x26: {  	s11 =	sshrl.u32 s17, $0x3;
	s18 =	simm.s32 $0xE00;
	[dreg:$0x1f] =	wrdreg s20  }
0x27: {  	s17 =	smul.u32 $0x32000, s8;
	s10 =	sadd.s32 s16, s4;
	[smem:$0x7FA] =	sst s18  }
0x28: {  	s14 =	simm.s32 $0xD000;
	s19 =	sadd.s32 s11, s4;
	[dreg:$0xf] =	wrdreg s10  }
0x29: {  	s15 =	simm.s32 $0x3;
	s16 =	simm.s32 $0x500;
	[dreg:$0x10] =	wrdreg s19  }
0x2a: {  	s11 =	sshrl.u32 s24, $0x3;
	s24 =	simm.s32 $0x780;
	[dreg:$0x1d] =	wrdreg s16  }
0x2b: {  	s30 =	simm.s32 $0xA80;
	s20 =	simm.s32 $0xF00;
	[smem:$0x7EE] =	sst s24  }
0x2c: {  	s10 =	sadd.s32 s23, s4;
	s25 =	sadd.s32 s11, s4;
	[smem:$0x7F3] =	sst s30  }
0x2d: {  	s4 =	sadd.s32 s9, s4;
	s9 =	smul.u32 $0x3200, s28;
	[smem:$0x7FC] =	sst s20  }
0x2e: {  	s18 =	simm.s32 $0x4;
	s11 =	smul.u32 $0x6400, s8;
	[dreg:$0x12] =	wrdreg s10  }
0x2f: {  	s19 =	smul.u32 $0x19000, s6;
	s23 =	simm.s32 $0x700;
	[dreg:$0x13] =	wrdreg s25  }
0x30: {  	s28 =	simm.s32 $0x980;
	s8 =	sshrl.u32 @!p0 s2, $0x3;
	[dreg:$0x14] =	wrdreg s4  }
0x31: {  	s16 =	simm.s32 $0xD00;
	s20 =	simm.s32 $0x2;
	[smem:$0x7ED] =	sst s23  }
0x32: {  	s10 =	simm.s32 $0x300;
	s25 =	simm.s32 $0x880;
	[smem:$0x7F1] =	sst s28  }
0x33: {  	[smem:$0x7F8] =	sst s16;
	s16 =	simm.s32 $0x800;
	s4 =	sadd.s32 s7, s9  }
0x34: {  	[dreg:$0x19] =	wrdreg s10;
	s10 =	sadd.s32 s11, s7;
	s22 =	sadd.s32 s19, s17  }
0x35: {  	[smem:$0x7EF] =	sst s25;
	s9 =	simm.s32 $0x1;
	s11 =	simm.s32 $0x1000  }
0x36: {  	s17 =	simm.s32 $0xD80;
	s19 =	simm.s32 $0xE80;
	s10 =	sadd.s32 s13, s10  }
0x37: {  	s13 =	simm.s32 $0xB80;
	[smem:$0x7F9] =	sst s17;
	s17 =	simm.s32 $0x5  }
0x38: {  	[smem:$0x7FB] =	sst s19;
	s6 =	sadd.s32 $0x200, s10;
	s10 =	sor.u32 $0x800, s22  }
0x39: {  	s19 =	simm.s32 $0x6;
	[smem:$0x7F5] =	sst s13;
	s10 =	sshrl.u32 s10, $0x3  }
0x3a: {  	s13 =	simm.s32 $0x9000;
	s7 =	sadd.s32 s10, s7;
	s10 =	simm.s32 $0x80  }
.LBB2_1:
0x3b: {  	s22 =	simm.s32 @!p0 $0x1C07  }
0x3c: {  	[spmem:s8], [sflag:s22] =	dma.local @!p0 [hbm:s0], $0x3E80  }
0x3d: {  	s22 =	simm.s32 @!p0 $0x7  }
0x3e: {  	_ =	swait.ge @!p0 [sflag:s22], $0x3E80  }
0x3f: {  	[sflag:s22] =	ssyncset.done @!p0 $0x0  }
0x40: {  	[sflag:s22] =	ssyncadd.s32 @!p0 $0xFFFFC180  }
0x41: {  	[bflag:$0x0] =	sbarrier.arrive $0xFFFF  }
0x42: {  	[tilespmem:s3], [sflag:$0x1] =	stream.linear.gather [hbm4b:s4+s3], $0x800, $0x38;
	[tilespmem:$0x12F40] =	vst v63  }
0x43: {  	_ =	swait.ge [sflag:s9], $0x800  }
0x44: {  	p1 =	por $0x1, $0x1;
	[sflag:s9] =	ssyncset.done $0x0  }
0x45: {  	p1 =	por p1, p1;
	[sflag:s9] =	ssyncadd.s32 $0xFFFFF800  }
0x46: {  	[tilespmem:s11], [sflag:$0x3] =	stream.indirect.gather [spmem:s2], $0x80, s3, s10, $0xb8;
	[tilespmem:$0x12F40] =	vst v63  }
0x47: {  	s22 =	simm.s32 @!p1 $0x6  }
0x48: {  	[tilespmem:s12], [sflag:$0x3] =	stream.indirect.gather [spmem:s2], $0x80, s10, s10, $0xb8;
	[tilespmem:$0x12F40] =	vst v63  }
0x49: {  	_ =	swait.ge @!p1 [sflag:s22], $0x8000  }
0x4a: {  	[sflag:s22] =	ssyncset.done @!p1 $0x0  }
0x4b: {  	s23 =	rddreg [dreg:$0x15];
	[sflag:s22] =	ssyncadd.s32 @!p1 $0xFFFF8000  }
0x4c: {  	[tilespmem:s13], [sflag:$0x4] =	stream.indirect.gather [spmem:s2], $0x80, s23, s10, $0xb8;
	[tilespmem:$0x12F40] =	vst v63  }
0x4d: {  	s26 =	rddreg [dreg:$0x16]  }
0x4e: {  	[tilespmem:s14], [sflag:$0x4] =	stream.indirect.gather [spmem:s2], $0x80, s26, s10, $0xb8;
	[tilespmem:$0x12F40] =	vst v63  }
0x4f: {  	_ =	swait.ge [sflag:s15], $0x8000  }
0x50: {  	[sflag:s15] =	ssyncset.done $0x0  }
0x51: {  	s30 =	rddreg [dreg:$0x12];
	[sflag:s15] =	ssyncadd.s32 $0xFFFF8000  }
0x52: {  	[tilespmem:s16], [sflag:$0x2] =	stream.linear.gather [hbm4b:s7+s3], $0x800, $0x38;
	[tilespmem:$0x12F40] =	vst v63  }
0x53: {  	s22 =	sadd.s32 $0x0, s30  }
0x54: {  	[hbm4b:s22+s3] =	stream.linear.scatter [tilespmem:s11], [sflag:$0x5], $0x8000, $0x38;
	[tilespmem:$0x12F40] =	vst v63  }
0x55: {  	_ =	swait.ge [sflag:s17], $0x8000  }
0x56: {  	[sflag:s17] =	ssyncset.done $0x0  }
0x57: {  	s31 =	rddreg [dreg:$0x17];
	[sflag:s17] =	ssyncadd.s32 $0xFFFF8000  }
0x58: {  	[tilespmem:s11], [sflag:$0x3] =	stream.indirect.gather [spmem:s2], $0x80, s31, s10, $0xb8;
	[tilespmem:$0x12F40] =	vst v63  }
0x59: {  	s1 =	rddreg [dreg:$0x18]  }
0x5a: {  	[tilespmem:s12], [sflag:$0x3] =	stream.indirect.gather [spmem:s2], $0x80, s1, s10, $0xb8;
	[tilespmem:$0x12F40] =	vst v63  }
0x5b: {  	_ =	swait.ge [sflag:s18], $0x8000  }
0x5c: {  	s24 =	rddreg [dreg:$0x11];
	[sflag:s18] =	ssyncset.done $0x0  }
0x5d: {  	[sflag:s18] =	ssyncadd.s32 $0xFFFF8000;
	s22 =	sadd.s32 $0x0, s24  }
0x5e: {  	[hbm4b:s22+s3] =	stream.linear.scatter [tilespmem:s13], [sflag:$0x6], $0x8000, $0x38;
	[tilespmem:$0x12F40] =	vst v63  }
0x5f: {  	_ =	swait.ge [sflag:s19], $0x8000  }
0x60: {  	[sflag:s19] =	ssyncset.done $0x0  }
0x61: {  	s25 =	rddreg [dreg:$0x19];
	[sflag:s19] =	ssyncadd.s32 $0xFFFF8000  }
0x62: {  	[tilespmem:s13], [sflag:$0x4] =	stream.indirect.gather [spmem:s2], $0x80, s25, s10, $0xb8;
	[tilespmem:$0x12F40] =	vst v63  }
0x63: {  	s26 =	rddreg [dreg:$0x1a]  }
0x64: {  	[tilespmem:s14], [sflag:$0x4] =	stream.indirect.gather [spmem:s2], $0x80, s26, s10, $0xb8;
	[tilespmem:$0x12F40] =	vst v63  }
0x65: {  	_ =	swait.ge [sflag:s15], $0x8000  }
0x66: {  	s30 =	rddreg [dreg:$0x10];
	[sflag:s15] =	ssyncset.done $0x0  }
0x67: {  	[sflag:s15] =	ssyncadd.s32 $0xFFFF8000;
	s22 =	sadd.s32 $0x0, s30  }
0x68: {  	[hbm4b:s22+s3] =	stream.linear.scatter [tilespmem:s11], [sflag:$0x5], $0x8000, $0x38;
	[tilespmem:$0x12F40] =	vst v63  }
0x69: {  	_ =	swait.ge [sflag:s17], $0x8000  }
0x6a: {  	[sflag:s17] =	ssyncset.done $0x0  }
0x6b: {  	s31 =	rddreg [dreg:$0x1b];
	[sflag:s17] =	ssyncadd.s32 $0xFFFF8000  }
0x6c: {  	[tilespmem:s11], [sflag:$0x3] =	stream.indirect.gather [spmem:s2], $0x80, s31, s10, $0xb8;
	[tilespmem:$0x12F40] =	vst v63  }
0x6d: {  	s1 =	rddreg [dreg:$0x1c]  }
0x6e: {  	[tilespmem:s12], [sflag:$0x3] =	stream.indirect.gather [spmem:s2], $0x80, s1, s10, $0xb8;
	[tilespmem:$0x12F40] =	vst v63  }
0x6f: {  	_ =	swait.ge [sflag:s18], $0x8000  }
0x70: {  	s23 =	rddreg [dreg:$0xf];
	[sflag:s18] =	ssyncset.done $0x0  }
0x71: {  	[sflag:s18] =	ssyncadd.s32 $0xFFFF8000;
	s22 =	sadd.s32 $0x0, s23  }
0x72: {  	[hbm4b:s22+s3] =	stream.linear.scatter [tilespmem:s13], [sflag:$0x6], $0x8000, $0x38;
	[tilespmem:$0x12F40] =	vst v63  }
0x73: {  	_ =	swait.ge [sflag:s19], $0x8000  }
0x74: {  	[sflag:s19] =	ssyncset.done $0x0  }
0x75: {  	s24 =	rddreg [dreg:$0x1d];
	[sflag:s19] =	ssyncadd.s32 $0xFFFF8000  }
0x76: {  	[tilespmem:s13], [sflag:$0x4] =	stream.indirect.gather [spmem:s2], $0x80, s24, s10, $0xb8;
	[tilespmem:$0x12F40] =	vst v63  }
0x77: {  	s25 =	rddreg [dreg:$0x1e]  }
0x78: {  	[tilespmem:s14], [sflag:$0x4] =	stream.indirect.gather [spmem:s2], $0x80, s25, s10, $0xb8;
	[tilespmem:$0x12F40] =	vst v63  }
0x79: {  	_ =	swait.ge [sflag:s15], $0x8000  }
0x7a: {  	s26 =	rddreg [dreg:$0xe];
	[sflag:s15] =	ssyncset.done $0x0  }
0x7b: {  	[sflag:s15] =	ssyncadd.s32 $0xFFFF8000;
	s22 =	sadd.s32 $0x0, s26  }
0x7c: {  	[hbm4b:s22+s3] =	stream.linear.scatter [tilespmem:s11], [sflag:$0x5], $0x8000, $0x38;
	[tilespmem:$0x12F40] =	vst v63  }
0x7d: {  	_ =	swait.ge [sflag:s17], $0x8000  }
0x7e: {  	s30 =	rddreg [dreg:$0x1f];
	[sflag:s17] =	ssyncset.done $0x0  }
0x7f: {  	s31 =	sld [smem:$0x7EC];
	[sflag:s17] =	ssyncadd.s32 $0xFFFF8000  }
0x80: {  	[tilespmem:s11], [sflag:$0x3] =	stream.indirect.gather [spmem:s2], $0x80, s30, s10, $0xb8;
	[tilespmem:$0x12F40] =	vst v63  }
0x81: {  	_ = 	snop  }
0x82: {  	[tilespmem:s12], [sflag:$0x3] =	stream.indirect.gather [spmem:s2], $0x80, s31, s10, $0xb8;
	[tilespmem:$0x12F40] =	vst v63  }
0x83: {  	_ =	swait.ge [sflag:s18], $0x8000  }
0x84: {  	s1 =	rddreg [dreg:$0xd];
	[sflag:s18] =	ssyncset.done $0x0  }
0x85: {  	[sflag:s18] =	ssyncadd.s32 $0xFFFF8000;
	s22 =	sadd.s32 $0x0, s1  }
0x86: {  	[hbm4b:s22+s3] =	stream.linear.scatter [tilespmem:s13], [sflag:$0x6], $0x8000, $0x38;
	[tilespmem:$0x12F40] =	vst v63  }
0x87: {  	_ =	swait.ge [sflag:s19], $0x8000  }
0x88: {  	s23 =	sld [smem:$0x7ED]  }
0x89: {  	[sflag:s19] =	ssyncset.done $0x0  }
0x8a: {  	s24 =	sld [smem:$0x7EE];
	[sflag:s19] =	ssyncadd.s32 $0xFFFF8000  }
0x8b: {  	[tilespmem:s13], [sflag:$0x4] =	stream.indirect.gather [spmem:s2], $0x80, s23, s10, $0xb8;
	[tilespmem:$0x12F40] =	vst v63  }
0x8c: {  	_ = 	snop  }
0x8d: {  	[tilespmem:s14], [sflag:$0x4] =	stream.indirect.gather [spmem:s2], $0x80, s24, s10, $0xb8;
	[tilespmem:$0x12F40] =	vst v63  }
0x8e: {  	_ =	swait.ge [sflag:s15], $0x8000  }
0x8f: {  	s25 =	rddreg [dreg:$0xc];
	[sflag:s15] =	ssyncset.done $0x0  }
0x90: {  	[sflag:s15] =	ssyncadd.s32 $0xFFFF8000;
	s22 =	sadd.s32 $0x0, s25  }
0x91: {  	[hbm4b:s22+s3] =	stream.linear.scatter [tilespmem:s11], [sflag:$0x5], $0x8000, $0x38;
	[tilespmem:$0x12F40] =	vst v63  }
0x92: {  	_ =	swait.ge [sflag:s17], $0x8000  }
0x93: {  	[sflag:s17] =	ssyncset.done $0x0  }
0x94: {  	[sflag:s17] =	ssyncadd.s32 $0xFFFF8000  }
0x95: {  	_ =	swait.ge [sflag:s20], $0x800  }
0x96: {  	[sflag:s20] =	ssyncset.done $0x0  }
0x97: {  	s26 =	sld [smem:$0x7EF];
	[sflag:s20] =	ssyncadd.s32 $0xFFFFF800  }
0x98: {  	[tilespmem:s11], [sflag:$0x3] =	stream.indirect.gather [spmem:s2], $0x80, s16, s10, $0xb8;
	[tilespmem:$0x12F40] =	vst v63  }
0x99: {  	_ = 	snop  }
0x9a: {  	[tilespmem:s12], [sflag:$0x3] =	stream.indirect.gather [spmem:s2], $0x80, s26, s10, $0xb8;
	[tilespmem:$0x12F40] =	vst v63  }
0x9b: {  	_ =	swait.ge [sflag:s18], $0x8000  }
0x9c: {  	s30 =	rddreg [dreg:$0xb];
	[sflag:s18] =	ssyncset.done $0x0  }
0x9d: {  	[sflag:s18] =	ssyncadd.s32 $0xFFFF8000;
	s22 =	sadd.s32 $0x0, s30  }
0x9e: {  	[hbm4b:s22+s3] =	stream.linear.scatter [tilespmem:s13], [sflag:$0x6], $0x8000, $0x38;
	[tilespmem:$0x12F40] =	vst v63  }
0x9f: {  	_ =	swait.ge [sflag:s19], $0x8000  }
0xa0: {  	s31 =	sld [smem:$0x7F0]  }
0xa1: {  	[sflag:s19] =	ssyncset.done $0x0  }
0xa2: {  	s1 =	sld [smem:$0x7F1];
	[sflag:s19] =	ssyncadd.s32 $0xFFFF8000  }
0xa3: {  	[tilespmem:s13], [sflag:$0x4] =	stream.indirect.gather [spmem:s2], $0x80, s31, s10, $0xb8;
	[tilespmem:$0x12F40] =	vst v63  }
0xa4: {  	_ = 	snop  }
0xa5: {  	[tilespmem:s14], [sflag:$0x4] =	stream.indirect.gather [spmem:s2], $0x80, s1, s10, $0xb8;
	[tilespmem:$0x12F40] =	vst v63  }
0xa6: {  	_ =	swait.ge [sflag:s15], $0x8000  }
0xa7: {  	p1 =	por $0x0, $0x0;
	[sflag:s15] =	ssyncset.done $0x0  }
0xa8: {  	s23 =	simm.s32 @!p1 $0x0;
	s24 =	rddreg [dreg:$0x14];
	[sflag:s15] =	ssyncadd.s32 $0xFFFF8000  }
0xa9: {  	[tilespmem:s23], [sflag:$0x1] =	stream.linear.gather @!p1 [hbm4b:s6+s23], $0x800, $0x38;
	[tilespmem:$0x12F40] =	vst v63  }
0xaa: {  	s22 =	sadd.s32 $0x0, s24  }
0xab: {  	[hbm4b:s22+s3] =	stream.linear.scatter [tilespmem:s11], [sflag:$0x5], $0x8000, $0x38;
	[tilespmem:$0x12F40] =	vst v63  }
0xac: {  	_ =	swait.ge [sflag:s17], $0x8000  }
0xad: {  	s25 =	sld [smem:$0x7F2]  }
0xae: {  	[sflag:s17] =	ssyncset.done $0x0  }
0xaf: {  	s26 =	sld [smem:$0x7F3];
	[sflag:s17] =	ssyncadd.s32 $0xFFFF8000  }
0xb0: {  	[tilespmem:s11], [sflag:$0x3] =	stream.indirect.gather [spmem:s2], $0x80, s25, s10, $0xb8;
	[tilespmem:$0x12F40] =	vst v63  }
0xb1: {  	_ = 	snop  }
0xb2: {  	[tilespmem:s12], [sflag:$0x3] =	stream.indirect.gather [spmem:s2], $0x80, s26, s10, $0xb8;
	[tilespmem:$0x12F40] =	vst v63  }
0xb3: {  	_ =	swait.ge [sflag:s18], $0x8000  }
0xb4: {  	s30 =	rddreg [dreg:$0xa];
	[sflag:s18] =	ssyncset.done $0x0  }
0xb5: {  	[sflag:s18] =	ssyncadd.s32 $0xFFFF8000;
	s22 =	sadd.s32 $0x0, s30  }
0xb6: {  	[hbm4b:s22+s3] =	stream.linear.scatter [tilespmem:s13], [sflag:$0x6], $0x8000, $0x38;
	[tilespmem:$0x12F40] =	vst v63  }
0xb7: {  	_ =	swait.ge [sflag:s19], $0x8000  }
0xb8: {  	s31 =	sld [smem:$0x7F4]  }
0xb9: {  	[sflag:s19] =	ssyncset.done $0x0  }
0xba: {  	s1 =	sld [smem:$0x7F5];
	[sflag:s19] =	ssyncadd.s32 $0xFFFF8000  }
0xbb: {  	[tilespmem:s13], [sflag:$0x4] =	stream.indirect.gather [spmem:s2], $0x80, s31, s10, $0xb8;
	[tilespmem:$0x12F40] =	vst v63  }
0xbc: {  	_ = 	snop  }
0xbd: {  	[tilespmem:s14], [sflag:$0x4] =	stream.indirect.gather [spmem:s2], $0x80, s1, s10, $0xb8;
	[tilespmem:$0x12F40] =	vst v63  }
0xbe: {  	_ =	swait.ge [sflag:s15], $0x8000  }
0xbf: {  	s23 =	rddreg [dreg:$0x9];
	[sflag:s15] =	ssyncset.done $0x0  }
0xc0: {  	[sflag:s15] =	ssyncadd.s32 $0xFFFF8000;
	s22 =	sadd.s32 $0x0, s23  }
0xc1: {  	[hbm4b:s22+s3] =	stream.linear.scatter [tilespmem:s11], [sflag:$0x5], $0x8000, $0x38;
	[tilespmem:$0x12F40] =	vst v63  }
0xc2: {  	_ =	swait.ge [sflag:s17], $0x8000  }
0xc3: {  	s24 =	sld [smem:$0x7F6]  }
0xc4: {  	[sflag:s17] =	ssyncset.done $0x0  }
0xc5: {  	s25 =	sld [smem:$0x7F7];
	[sflag:s17] =	ssyncadd.s32 $0xFFFF8000  }
0xc6: {  	[tilespmem:s11], [sflag:$0x3] =	stream.indirect.gather [spmem:s2], $0x80, s24, s10, $0xb8;
	[tilespmem:$0x12F40] =	vst v63  }
0xc7: {  	_ = 	snop  }
0xc8: {  	[tilespmem:s12], [sflag:$0x3] =	stream.indirect.gather [spmem:s2], $0x80, s25, s10, $0xb8;
	[tilespmem:$0x12F40] =	vst v63  }
0xc9: {  	_ =	swait.ge [sflag:s18], $0x8000  }
0xca: {  	s26 =	rddreg [dreg:$0x8];
	[sflag:s18] =	ssyncset.done $0x0  }
0xcb: {  	[sflag:s18] =	ssyncadd.s32 $0xFFFF8000;
	s22 =	sadd.s32 $0x0, s26  }
0xcc: {  	[hbm4b:s22+s3] =	stream.linear.scatter [tilespmem:s13], [sflag:$0x6], $0x8000, $0x38;
	[tilespmem:$0x12F40] =	vst v63  }
0xcd: {  	_ =	swait.ge [sflag:s19], $0x8000  }
0xce: {  	s30 =	sld [smem:$0x7F8]  }
0xcf: {  	[sflag:s19] =	ssyncset.done $0x0  }
0xd0: {  	s31 =	sld [smem:$0x7F9];
	[sflag:s19] =	ssyncadd.s32 $0xFFFF8000  }
0xd1: {  	[tilespmem:s13], [sflag:$0x4] =	stream.indirect.gather [spmem:s2], $0x80, s30, s10, $0xb8;
	[tilespmem:$0x12F40] =	vst v63  }
0xd2: {  	_ = 	snop  }
0xd3: {  	[tilespmem:s14], [sflag:$0x4] =	stream.indirect.gather [spmem:s2], $0x80, s31, s10, $0xb8;
	[tilespmem:$0x12F40] =	vst v63  }
0xd4: {  	_ =	swait.ge [sflag:s15], $0x8000  }
0xd5: {  	s1 =	rddreg [dreg:$0x7];
	[sflag:s15] =	ssyncset.done $0x0  }
0xd6: {  	[sflag:s15] =	ssyncadd.s32 $0xFFFF8000;
	s22 =	sadd.s32 $0x0, s1  }
0xd7: {  	[hbm4b:s22+s3] =	stream.linear.scatter [tilespmem:s11], [sflag:$0x5], $0x8000, $0x38;
	[tilespmem:$0x12F40] =	vst v63  }
0xd8: {  	_ =	swait.ge [sflag:s17], $0x8000  }
0xd9: {  	s23 =	sld [smem:$0x7FA]  }
0xda: {  	[sflag:s17] =	ssyncset.done $0x0  }
0xdb: {  	s24 =	sld [smem:$0x7FB];
	[sflag:s17] =	ssyncadd.s32 $0xFFFF8000  }
0xdc: {  	[tilespmem:s11], [sflag:$0x3] =	stream.indirect.gather [spmem:s2], $0x80, s23, s10, $0xb8;
	[tilespmem:$0x12F40] =	vst v63  }
0xdd: {  	_ = 	snop  }
0xde: {  	[tilespmem:s12], [sflag:$0x3] =	stream.indirect.gather [spmem:s2], $0x80, s24, s10, $0xb8;
	[tilespmem:$0x12F40] =	vst v63  }
0xdf: {  	_ =	swait.ge [sflag:s18], $0x8000  }
0xe0: {  	s25 =	rddreg [dreg:$0x6];
	[sflag:s18] =	ssyncset.done $0x0  }
0xe1: {  	[sflag:s18] =	ssyncadd.s32 $0xFFFF8000;
	s22 =	sadd.s32 $0x0, s25  }
0xe2: {  	[hbm4b:s22+s3] =	stream.linear.scatter [tilespmem:s13], [sflag:$0x6], $0x8000, $0x38;
	[tilespmem:$0x12F40] =	vst v63  }
0xe3: {  	_ =	swait.ge [sflag:s19], $0x8000  }
0xe4: {  	s26 =	sld [smem:$0x7FC]  }
0xe5: {  	[sflag:s19] =	ssyncset.done $0x0  }
0xe6: {  	s30 =	sld [smem:$0x7FD];
	[sflag:s19] =	ssyncadd.s32 $0xFFFF8000  }
0xe7: {  	[tilespmem:s13], [sflag:$0x4] =	stream.indirect.gather [spmem:s2], $0x80, s26, s10, $0xb8;
	[tilespmem:$0x12F40] =	vst v63  }
0xe8: {  	_ = 	snop  }
0xe9: {  	[tilespmem:s14], [sflag:$0x4] =	stream.indirect.gather [spmem:s2], $0x80, s30, s10, $0xb8;
	[tilespmem:$0x12F40] =	vst v63  }
0xea: {  	_ =	swait.ge [sflag:s15], $0x8000  }
0xeb: {  	s31 =	rddreg [dreg:$0x5];
	[sflag:s15] =	ssyncset.done $0x0  }
0xec: {  	p1 =	por $0x0, $0x0;
	[sflag:s15] =	ssyncadd.s32 $0xFFFF8000;
	s22 =	sadd.s32 $0x0, s31  }
0xed: {  	[hbm4b:s22+s3] =	stream.linear.scatter [tilespmem:s11], [sflag:$0x5], $0x8000, $0x38;
	[tilespmem:$0x12F40] =	vst v63  }
0xee: {  	s22 =	simm.s32 @!p1 $0x5  }
0xef: {  	_ =	swait.ge @!p1 [sflag:s22], $0x8000  }
0xf0: {  	[sflag:s22] =	ssyncset.done @!p1 $0x0  }
0xf1: {  	s23 =	simm.s32 @!p1 $0x1;
	[sflag:s22] =	ssyncadd.s32 @!p1 $0xFFFF8000  }
0xf2: {  	_ =	swait.ge @!p1 [sflag:s23], $0x800  }
0xf3: {  	p6 =	por $0x0, $0x0;
	s24 =	simm.s32 @!p1 $0x80;
	[sflag:s23] =	ssyncset.done @!p1 $0x0  }
0xf4: {  	s25 =	simm.s32 @!p1 $0x0;
	s22 =	simm.s32 @!p1 $0x1000;
	[sflag:s23] =	ssyncadd.s32 @!p1 $0xFFFFF800  }
0xf5: {  	[tilespmem:s22], [sflag:$0x3] =	stream.indirect.gather @!p1 [spmem:s2], $0x80, s25, s24, $0xb8;
	[tilespmem:$0x12F40] =	vst v63  }
0xf6: {  	s28 =	simm.s32 $0x0;
	s26 =	simm.s32 $0x20000;
	s22 =	simm.s32 @!p1 $0x5000  }
0xf7: {  	[tilespmem:s22], [sflag:$0x3] =	stream.indirect.gather @!p1 [spmem:s2], $0x80, s24, s24, $0xb8;
	[tilespmem:$0x12F40] =	vst v63  }
0xf8: {  	s23 =	simm.s32 $0x1F;
	s25 =	sadd.s32 $0x200, s7;
	_ =	swait.ge [sflag:s18], $0x8000  }
0xf9: {  	s22 =	simm.s32 $0x10000;
	p1 =	por p6, p6;
	[sflag:s18] =	ssyncset.done $0x0  }
0xfa: {  	s24 =	sadd.s32 $0x200, s6;
	s29 =	rddreg [dreg:$0x13];
	[sflag:s18] =	ssyncadd.s32 $0xFFFF8000  }
.LBB2_2:
0xfb: {  	s30 =	simm.s32 @!p1 $0x6;
	s29 =	sadd.s32 s28, s29  }
0xfc: {  	[hbm4b:s29+s3] =	stream.linear.scatter [tilespmem:s13], [sflag:$0x6], $0x8000, $0x38;
	[tilespmem:$0x12F40] =	vst v63  }
0xfd: {  	_ =	swait.ge @!p1 [sflag:s30], $0x8000  }
0xfe: {  	[sflag:s30] =	ssyncset.done @!p1 $0x0  }
0xff: {  	s29 =	rddreg [dreg:$0x15];
	[sflag:s30] =	ssyncadd.s32 @!p1 $0xFFFF8000  }
0x100: {  	[tilespmem:s13], [sflag:$0x4] =	stream.indirect.gather [spmem:s2], $0x80, s29, s10, $0xb8;
	[tilespmem:$0x12F40] =	vst v63  }
0x101: {  	s1 =	rddreg [dreg:$0x16]  }
0x102: {  	[tilespmem:s14], [sflag:$0x4] =	stream.indirect.gather [spmem:s2], $0x80, s1, s10, $0xb8;
	[tilespmem:$0x12F40] =	vst v63  }
0x103: {  	_ =	swait.ge [sflag:s15], $0x8000  }
0x104: {  	[sflag:s15] =	ssyncset.done $0x0  }
0x105: {  	s28 =	smov.u32 s22;
	s29 =	rddreg [dreg:$0x12];
	[sflag:s15] =	ssyncadd.s32 $0xFFFF8000  }
0x106: {  	[tilespmem:s16], [sflag:$0x2] =	stream.linear.gather [hbm4b:s25+s3], $0x800, $0x38;
	[tilespmem:$0x12F40] =	vst v63  }
0x107: {  	s29 =	sadd.s32 s28, s29  }
0x108: {  	[hbm4b:s29+s3] =	stream.linear.scatter [tilespmem:s11], [sflag:$0x5], $0x8000, $0x38;
	[tilespmem:$0x12F40] =	vst v63  }
0x109: {  	_ =	swait.ge [sflag:s17], $0x8000  }
0x10a: {  	[sflag:s17] =	ssyncset.done $0x0  }
0x10b: {  	s29 =	rddreg [dreg:$0x17];
	[sflag:s17] =	ssyncadd.s32 $0xFFFF8000  }
0x10c: {  	[tilespmem:s11], [sflag:$0x3] =	stream.indirect.gather [spmem:s2], $0x80, s29, s10, $0xb8;
	[tilespmem:$0x12F40] =	vst v63  }
0x10d: {  	s31 =	rddreg [dreg:$0x18]  }
0x10e: {  	[tilespmem:s12], [sflag:$0x3] =	stream.indirect.gather [spmem:s2], $0x80, s31, s10, $0xb8;
	[tilespmem:$0x12F40] =	vst v63  }
0x10f: {  	_ =	swait.ge [sflag:s18], $0x8000  }
0x110: {  	s29 =	rddreg [dreg:$0x11];
	[sflag:s18] =	ssyncset.done $0x0  }
0x111: {  	[sflag:s18] =	ssyncadd.s32 $0xFFFF8000;
	s29 =	sadd.s32 s28, s29  }
0x112: {  	[hbm4b:s29+s3] =	stream.linear.scatter [tilespmem:s13], [sflag:$0x6], $0x8000, $0x38;
	[tilespmem:$0x12F40] =	vst v63  }
0x113: {  	_ =	swait.ge [sflag:s19], $0x8000  }
0x114: {  	[sflag:s19] =	ssyncset.done $0x0  }
0x115: {  	s29 =	rddreg [dreg:$0x19];
	[sflag:s19] =	ssyncadd.s32 $0xFFFF8000  }
0x116: {  	[tilespmem:s13], [sflag:$0x4] =	stream.indirect.gather [spmem:s2], $0x80, s29, s10, $0xb8;
	[tilespmem:$0x12F40] =	vst v63  }
0x117: {  	s1 =	rddreg [dreg:$0x1a]  }
0x118: {  	[tilespmem:s14], [sflag:$0x4] =	stream.indirect.gather [spmem:s2], $0x80, s1, s10, $0xb8;
	[tilespmem:$0x12F40] =	vst v63  }
0x119: {  	_ =	swait.ge [sflag:s15], $0x8000  }
0x11a: {  	s29 =	rddreg [dreg:$0x10];
	[sflag:s15] =	ssyncset.done $0x0  }
0x11b: {  	[sflag:s15] =	ssyncadd.s32 $0xFFFF8000;
	s29 =	sadd.s32 s28, s29  }
0x11c: {  	[hbm4b:s29+s3] =	stream.linear.scatter [tilespmem:s11], [sflag:$0x5], $0x8000, $0x38;
	[tilespmem:$0x12F40] =	vst v63  }
0x11d: {  	_ =	swait.ge [sflag:s17], $0x8000  }
0x11e: {  	[sflag:s17] =	ssyncset.done $0x0  }
0x11f: {  	s29 =	rddreg [dreg:$0x1b];
	[sflag:s17] =	ssyncadd.s32 $0xFFFF8000  }
0x120: {  	[tilespmem:s11], [sflag:$0x3] =	stream.indirect.gather [spmem:s2], $0x80, s29, s10, $0xb8;
	[tilespmem:$0x12F40] =	vst v63  }
0x121: {  	s31 =	rddreg [dreg:$0x1c]  }
0x122: {  	[tilespmem:s12], [sflag:$0x3] =	stream.indirect.gather [spmem:s2], $0x80, s31, s10, $0xb8;
	[tilespmem:$0x12F40] =	vst v63  }
0x123: {  	_ =	swait.ge [sflag:s18], $0x8000  }
0x124: {  	s29 =	rddreg [dreg:$0xf];
	[sflag:s18] =	ssyncset.done $0x0  }
0x125: {  	[sflag:s18] =	ssyncadd.s32 $0xFFFF8000;
	s29 =	sadd.s32 s28, s29  }
0x126: {  	[hbm4b:s29+s3] =	stream.linear.scatter [tilespmem:s13], [sflag:$0x6], $0x8000, $0x38;
	[tilespmem:$0x12F40] =	vst v63  }
0x127: {  	_ =	swait.ge [sflag:s19], $0x8000  }
0x128: {  	[sflag:s19] =	ssyncset.done $0x0  }
0x129: {  	s29 =	rddreg [dreg:$0x1d];
	[sflag:s19] =	ssyncadd.s32 $0xFFFF8000  }
0x12a: {  	[tilespmem:s13], [sflag:$0x4] =	stream.indirect.gather [spmem:s2], $0x80, s29, s10, $0xb8;
	[tilespmem:$0x12F40] =	vst v63  }
0x12b: {  	s1 =	rddreg [dreg:$0x1e]  }
0x12c: {  	[tilespmem:s14], [sflag:$0x4] =	stream.indirect.gather [spmem:s2], $0x80, s1, s10, $0xb8;
	[tilespmem:$0x12F40] =	vst v63  }
0x12d: {  	_ =	swait.ge [sflag:s15], $0x8000  }
0x12e: {  	s29 =	rddreg [dreg:$0xe];
	[sflag:s15] =	ssyncset.done $0x0  }
0x12f: {  	[sflag:s15] =	ssyncadd.s32 $0xFFFF8000;
	s29 =	sadd.s32 s28, s29  }
0x130: {  	[hbm4b:s29+s3] =	stream.linear.scatter [tilespmem:s11], [sflag:$0x5], $0x8000, $0x38;
	[tilespmem:$0x12F40] =	vst v63  }
0x131: {  	_ =	swait.ge [sflag:s17], $0x8000  }
0x132: {  	s29 =	rddreg [dreg:$0x1f];
	[sflag:s17] =	ssyncset.done $0x0  }
0x133: {  	s31 =	sld [smem:$0x7EC];
	[sflag:s17] =	ssyncadd.s32 $0xFFFF8000  }
0x134: {  	[tilespmem:s11], [sflag:$0x3] =	stream.indirect.gather [spmem:s2], $0x80, s29, s10, $0xb8;
	[tilespmem:$0x12F40] =	vst v63  }
0x135: {  	_ = 	snop  }
0x136: {  	[tilespmem:s12], [sflag:$0x3] =	stream.indirect.gather [spmem:s2], $0x80, s31, s10, $0xb8;
	[tilespmem:$0x12F40] =	vst v63  }
0x137: {  	_ =	swait.ge [sflag:s18], $0x8000  }
0x138: {  	s29 =	rddreg [dreg:$0xd];
	[sflag:s18] =	ssyncset.done $0x0  }
0x139: {  	[sflag:s18] =	ssyncadd.s32 $0xFFFF8000;
	s29 =	sadd.s32 s28, s29  }
0x13a: {  	[hbm4b:s29+s3] =	stream.linear.scatter [tilespmem:s13], [sflag:$0x6], $0x8000, $0x38;
	[tilespmem:$0x12F40] =	vst v63  }
0x13b: {  	_ =	swait.ge [sflag:s19], $0x8000  }
0x13c: {  	s29 =	sld [smem:$0x7ED]  }
0x13d: {  	[sflag:s19] =	ssyncset.done $0x0  }
0x13e: {  	s1 =	sld [smem:$0x7EE];
	[sflag:s19] =	ssyncadd.s32 $0xFFFF8000  }
0x13f: {  	[tilespmem:s13], [sflag:$0x4] =	stream.indirect.gather [spmem:s2], $0x80, s29, s10, $0xb8;
	[tilespmem:$0x12F40] =	vst v63  }
0x140: {  	_ = 	snop  }
0x141: {  	[tilespmem:s14], [sflag:$0x4] =	stream.indirect.gather [spmem:s2], $0x80, s1, s10, $0xb8;
	[tilespmem:$0x12F40] =	vst v63  }
0x142: {  	_ =	swait.ge [sflag:s15], $0x8000  }
0x143: {  	s29 =	rddreg [dreg:$0xc];
	[sflag:s15] =	ssyncset.done $0x0  }
0x144: {  	[sflag:s15] =	ssyncadd.s32 $0xFFFF8000;
	s29 =	sadd.s32 s28, s29  }
0x145: {  	[hbm4b:s29+s3] =	stream.linear.scatter [tilespmem:s11], [sflag:$0x5], $0x8000, $0x38;
	[tilespmem:$0x12F40] =	vst v63  }
0x146: {  	_ =	swait.ge [sflag:s17], $0x8000  }
0x147: {  	[sflag:s17] =	ssyncset.done $0x0  }
0x148: {  	[sflag:s17] =	ssyncadd.s32 $0xFFFF8000  }
0x149: {  	_ =	swait.ge [sflag:s20], $0x800  }
0x14a: {  	[sflag:s20] =	ssyncset.done $0x0  }
0x14b: {  	s29 =	sld [smem:$0x7EF];
	[sflag:s20] =	ssyncadd.s32 $0xFFFFF800  }
0x14c: {  	[tilespmem:s11], [sflag:$0x3] =	stream.indirect.gather [spmem:s2], $0x80, s16, s10, $0xb8;
	[tilespmem:$0x12F40] =	vst v63  }
0x14d: {  	_ = 	snop  }
0x14e: {  	[tilespmem:s12], [sflag:$0x3] =	stream.indirect.gather [spmem:s2], $0x80, s29, s10, $0xb8;
	[tilespmem:$0x12F40] =	vst v63  }
0x14f: {  	_ =	swait.ge [sflag:s18], $0x8000  }
0x150: {  	s29 =	rddreg [dreg:$0xb];
	[sflag:s18] =	ssyncset.done $0x0  }
0x151: {  	[sflag:s18] =	ssyncadd.s32 $0xFFFF8000;
	s29 =	sadd.s32 s28, s29  }
0x152: {  	[hbm4b:s29+s3] =	stream.linear.scatter [tilespmem:s13], [sflag:$0x6], $0x8000, $0x38;
	[tilespmem:$0x12F40] =	vst v63  }
0x153: {  	_ =	swait.ge [sflag:s19], $0x8000  }
0x154: {  	s29 =	sld [smem:$0x7F0]  }
0x155: {  	[sflag:s19] =	ssyncset.done $0x0  }
0x156: {  	s31 =	sld [smem:$0x7F1];
	[sflag:s19] =	ssyncadd.s32 $0xFFFF8000  }
0x157: {  	[tilespmem:s13], [sflag:$0x4] =	stream.indirect.gather [spmem:s2], $0x80, s29, s10, $0xb8;
	[tilespmem:$0x12F40] =	vst v63  }
0x158: {  	_ = 	snop  }
0x159: {  	[tilespmem:s14], [sflag:$0x4] =	stream.indirect.gather [spmem:s2], $0x80, s31, s10, $0xb8;
	[tilespmem:$0x12F40] =	vst v63  }
0x15a: {  	p3 =	seq.s32 s26, $0x0;
	s29 =	sadd.s32 $0xFFFFFFF9, s23;
	_ =	swait.ge [sflag:s15], $0x8000  }
0x15b: {  	p1 =	por p3, p3;
	p3 =	sgt.u32 s29, $0x187;
	[sflag:s15] =	ssyncset.done $0x0  }
0x15c: {  	s30 =	simm.s32 @!p3 $0x0;
	s29 =	rddreg [dreg:$0x14];
	[sflag:s15] =	ssyncadd.s32 $0xFFFF8000  }
0x15d: {  	[tilespmem:s30], [sflag:$0x1] =	stream.linear.gather @!p3 [hbm4b:s24+s30], $0x800, $0x38;
	[tilespmem:$0x12F40] =	vst v63  }
0x15e: {  	s29 =	sadd.s32 s28, s29  }
0x15f: {  	[hbm4b:s29+s3] =	stream.linear.scatter [tilespmem:s11], [sflag:$0x5], $0x8000, $0x38;
	[tilespmem:$0x12F40] =	vst v63  }
0x160: {  	_ =	swait.ge [sflag:s17], $0x8000  }
0x161: {  	s29 =	sld [smem:$0x7F2]  }
0x162: {  	[sflag:s17] =	ssyncset.done $0x0  }
0x163: {  	s1 =	sld [smem:$0x7F3];
	[sflag:s17] =	ssyncadd.s32 $0xFFFF8000  }
0x164: {  	[tilespmem:s11], [sflag:$0x3] =	stream.indirect.gather [spmem:s2], $0x80, s29, s10, $0xb8;
	[tilespmem:$0x12F40] =	vst v63  }
0x165: {  	_ = 	snop  }
0x166: {  	[tilespmem:s12], [sflag:$0x3] =	stream.indirect.gather [spmem:s2], $0x80, s1, s10, $0xb8;
	[tilespmem:$0x12F40] =	vst v63  }
0x167: {  	_ =	swait.ge [sflag:s18], $0x8000  }
0x168: {  	s29 =	rddreg [dreg:$0xa];
	[sflag:s18] =	ssyncset.done $0x0  }
0x169: {  	[sflag:s18] =	ssyncadd.s32 $0xFFFF8000;
	s29 =	sadd.s32 s28, s29  }
0x16a: {  	[hbm4b:s29+s3] =	stream.linear.scatter [tilespmem:s13], [sflag:$0x6], $0x8000, $0x38;
	[tilespmem:$0x12F40] =	vst v63  }
0x16b: {  	_ =	swait.ge [sflag:s19], $0x8000  }
0x16c: {  	s29 =	sld [smem:$0x7F4]  }
0x16d: {  	[sflag:s19] =	ssyncset.done $0x0  }
0x16e: {  	s31 =	sld [smem:$0x7F5];
	[sflag:s19] =	ssyncadd.s32 $0xFFFF8000  }
0x16f: {  	[tilespmem:s13], [sflag:$0x4] =	stream.indirect.gather [spmem:s2], $0x80, s29, s10, $0xb8;
	[tilespmem:$0x12F40] =	vst v63  }
0x170: {  	_ = 	snop  }
0x171: {  	[tilespmem:s14], [sflag:$0x4] =	stream.indirect.gather [spmem:s2], $0x80, s31, s10, $0xb8;
	[tilespmem:$0x12F40] =	vst v63  }
0x172: {  	_ =	swait.ge [sflag:s15], $0x8000  }
0x173: {  	s29 =	rddreg [dreg:$0x9];
	[sflag:s15] =	ssyncset.done $0x0  }
0x174: {  	[sflag:s15] =	ssyncadd.s32 $0xFFFF8000;
	s29 =	sadd.s32 s28, s29  }
0x175: {  	[hbm4b:s29+s3] =	stream.linear.scatter [tilespmem:s11], [sflag:$0x5], $0x8000, $0x38;
	[tilespmem:$0x12F40] =	vst v63  }
0x176: {  	_ =	swait.ge [sflag:s17], $0x8000  }
0x177: {  	s29 =	sld [smem:$0x7F6]  }
0x178: {  	[sflag:s17] =	ssyncset.done $0x0  }
0x179: {  	s1 =	sld [smem:$0x7F7];
	[sflag:s17] =	ssyncadd.s32 $0xFFFF8000  }
0x17a: {  	[tilespmem:s11], [sflag:$0x3] =	stream.indirect.gather [spmem:s2], $0x80, s29, s10, $0xb8;
	[tilespmem:$0x12F40] =	vst v63  }
0x17b: {  	_ = 	snop  }
0x17c: {  	[tilespmem:s12], [sflag:$0x3] =	stream.indirect.gather [spmem:s2], $0x80, s1, s10, $0xb8;
	[tilespmem:$0x12F40] =	vst v63  }
0x17d: {  	_ =	swait.ge [sflag:s18], $0x8000  }
0x17e: {  	s29 =	rddreg [dreg:$0x8];
	[sflag:s18] =	ssyncset.done $0x0  }
0x17f: {  	[sflag:s18] =	ssyncadd.s32 $0xFFFF8000;
	s29 =	sadd.s32 s28, s29  }
0x180: {  	[hbm4b:s29+s3] =	stream.linear.scatter [tilespmem:s13], [sflag:$0x6], $0x8000, $0x38;
	[tilespmem:$0x12F40] =	vst v63  }
0x181: {  	_ =	swait.ge [sflag:s19], $0x8000  }
0x182: {  	s29 =	sld [smem:$0x7F8]  }
0x183: {  	[sflag:s19] =	ssyncset.done $0x0  }
0x184: {  	s31 =	sld [smem:$0x7F9];
	[sflag:s19] =	ssyncadd.s32 $0xFFFF8000  }
0x185: {  	[tilespmem:s13], [sflag:$0x4] =	stream.indirect.gather [spmem:s2], $0x80, s29, s10, $0xb8;
	[tilespmem:$0x12F40] =	vst v63  }
0x186: {  	_ = 	snop  }
0x187: {  	[tilespmem:s14], [sflag:$0x4] =	stream.indirect.gather [spmem:s2], $0x80, s31, s10, $0xb8;
	[tilespmem:$0x12F40] =	vst v63  }
0x188: {  	_ =	swait.ge [sflag:s15], $0x8000  }
0x189: {  	s29 =	rddreg [dreg:$0x7];
	[sflag:s15] =	ssyncset.done $0x0  }
0x18a: {  	[sflag:s15] =	ssyncadd.s32 $0xFFFF8000;
	s29 =	sadd.s32 s28, s29  }
0x18b: {  	[hbm4b:s29+s3] =	stream.linear.scatter [tilespmem:s11], [sflag:$0x5], $0x8000, $0x38;
	[tilespmem:$0x12F40] =	vst v63  }
0x18c: {  	_ =	swait.ge [sflag:s17], $0x8000  }
0x18d: {  	s29 =	sld [smem:$0x7FA]  }
0x18e: {  	[sflag:s17] =	ssyncset.done $0x0  }
0x18f: {  	s1 =	sld [smem:$0x7FB];
	[sflag:s17] =	ssyncadd.s32 $0xFFFF8000  }
0x190: {  	[tilespmem:s11], [sflag:$0x3] =	stream.indirect.gather [spmem:s2], $0x80, s29, s10, $0xb8;
	[tilespmem:$0x12F40] =	vst v63  }
0x191: {  	_ = 	snop  }
0x192: {  	[tilespmem:s12], [sflag:$0x3] =	stream.indirect.gather [spmem:s2], $0x80, s1, s10, $0xb8;
	[tilespmem:$0x12F40] =	vst v63  }
0x193: {  	_ =	swait.ge [sflag:s18], $0x8000  }
0x194: {  	s29 =	rddreg [dreg:$0x6];
	[sflag:s18] =	ssyncset.done $0x0  }
0x195: {  	[sflag:s18] =	ssyncadd.s32 $0xFFFF8000;
	s29 =	sadd.s32 s28, s29  }
0x196: {  	[hbm4b:s29+s3] =	stream.linear.scatter [tilespmem:s13], [sflag:$0x6], $0x8000, $0x38;
	[tilespmem:$0x12F40] =	vst v63  }
0x197: {  	_ =	swait.ge [sflag:s19], $0x8000  }
0x198: {  	s29 =	sld [smem:$0x7FC]  }
0x199: {  	[sflag:s19] =	ssyncset.done $0x0  }
0x19a: {  	s31 =	sld [smem:$0x7FD];
	[sflag:s19] =	ssyncadd.s32 $0xFFFF8000  }
0x19b: {  	[tilespmem:s13], [sflag:$0x4] =	stream.indirect.gather [spmem:s2], $0x80, s29, s10, $0xb8;
	[tilespmem:$0x12F40] =	vst v63  }
0x19c: {  	_ = 	snop  }
0x19d: {  	[tilespmem:s14], [sflag:$0x4] =	stream.indirect.gather [spmem:s2], $0x80, s31, s10, $0xb8;
	[tilespmem:$0x12F40] =	vst v63  }
0x19e: {  	_ =	swait.ge [sflag:s15], $0x8000  }
0x19f: {  	s29 =	rddreg [dreg:$0x5];
	[sflag:s15] =	ssyncset.done $0x0  }
0x1a0: {  	p3 =	sgt.u32 s23, $0x18E;
	[sflag:s15] =	ssyncadd.s32 $0xFFFF8000;
	s29 =	sadd.s32 s28, s29  }
0x1a1: {  	[hbm4b:s29+s3] =	stream.linear.scatter [tilespmem:s11], [sflag:$0x5], $0x8000, $0x38;
	[tilespmem:$0x12F40] =	vst v63  }
0x1a2: {  	s29 =	simm.s32 @!p3 $0x5  }
0x1a3: {  	_ =	swait.ge @!p3 [sflag:s29], $0x8000  }
0x1a4: {  	[sflag:s29] =	ssyncset.done @!p3 $0x0  }
0x1a5: {  	s30 =	simm.s32 @!p3 $0x1;
	[sflag:s29] =	ssyncadd.s32 @!p3 $0xFFFF8000  }
0x1a6: {  	s22 =	smov.u32 s26;
	s26 =	sadd.s32 $0x10000, s26;
	_ =	swait.ge @!p3 [sflag:s30], $0x800  }
0x1a7: {  	p2 =	sne.s32 s26, $0x190000;
	s1 =	simm.s32 @!p3 $0x0;
	[sflag:s30] =	ssyncset.done @!p3 $0x0  }
0x1a8: {  	s31 =	simm.s32 @!p3 $0x80;
	s29 =	simm.s32 @!p3 $0x1000;
	[sflag:s30] =	ssyncadd.s32 @!p3 $0xFFFFF800  }
0x1a9: {  	[tilespmem:s29], [sflag:$0x3] =	stream.indirect.gather @!p3 [spmem:s2], $0x80, s1, s31, $0xb8;
	[tilespmem:$0x12F40] =	vst v63  }
.Ltmp0:
0x1aa: {  	s30 =	simm.s32 @!p3 $0x5000;
	(pc) =	sbr.rel @p2 .LBB2_2-.Ltmp0, $4  }
0x1ab: {  	[tilespmem:s30], [sflag:$0x3] =	stream.indirect.gather @!p3 [spmem:s2], $0x80, s31, s31, $0xb8;
	[tilespmem:$0x12F40] =	vst v63  }
0x1ac: {  	_ =	swait.ge [sflag:s18], $0x8000  }
0x1ad: {  	s25 =	sadd.s32 $0x200, s25;
	s23 =	sadd.s32 $0x10, s23;
	[sflag:s18] =	ssyncset.done $0x0  }
0x1ae: {  	s24 =	sadd.s32 $0x200, s24;
	s29 =	rddreg [dreg:$0x13];
	[sflag:s18] =	ssyncadd.s32 $0xFFFF8000  }
0x1af: {  	s1 =	simm.s32 @!p1 $0x6;
	s26 =	sadd.s32 s28, s29  }
0x1b0: {  	[hbm4b:s26+s3] =	stream.linear.scatter [tilespmem:s13], [sflag:$0x6], $0x8000, $0x38;
	[tilespmem:$0x12F40] =	vst v63  }
0x1b1: {  	_ =	swait.ge @!p1 [sflag:s1], $0x8000  }
0x1b2: {  	[sflag:s1] =	ssyncset.done @!p1 $0x0  }
0x1b3: {  	s29 =	rddreg [dreg:$0x15];
	[sflag:s1] =	ssyncadd.s32 @!p1 $0xFFFF8000  }
0x1b4: {  	[tilespmem:s13], [sflag:$0x4] =	stream.indirect.gather [spmem:s2], $0x80, s29, s10, $0xb8;
	[tilespmem:$0x12F40] =	vst v63  }
0x1b5: {  	s30 =	rddreg [dreg:$0x16]  }
0x1b6: {  	[tilespmem:s14], [sflag:$0x4] =	stream.indirect.gather [spmem:s2], $0x80, s30, s10, $0xb8;
	[tilespmem:$0x12F40] =	vst v63  }
0x1b7: {  	_ =	swait.ge [sflag:s15], $0x8000  }
0x1b8: {  	[sflag:s15] =	ssyncset.done $0x0  }
0x1b9: {  	s31 =	rddreg [dreg:$0x12];
	[sflag:s15] =	ssyncadd.s32 $0xFFFF8000  }
0x1ba: {  	[tilespmem:s16], [sflag:$0x2] =	stream.linear.gather [hbm4b:s25+s3], $0x800, $0x38;
	[tilespmem:$0x12F40] =	vst v63  }
0x1bb: {  	s1 =	sadd.s32 s22, s31  }
0x1bc: {  	[hbm4b:s1+s3] =	stream.linear.scatter [tilespmem:s11], [sflag:$0x5], $0x8000, $0x38;
	[tilespmem:$0x12F40] =	vst v63  }
0x1bd: {  	_ =	swait.ge [sflag:s17], $0x8000  }
0x1be: {  	[sflag:s17] =	ssyncset.done $0x0  }
0x1bf: {  	s25 =	rddreg [dreg:$0x17];
	[sflag:s17] =	ssyncadd.s32 $0xFFFF8000  }
0x1c0: {  	[tilespmem:s11], [sflag:$0x3] =	stream.indirect.gather [spmem:s2], $0x80, s25, s10, $0xb8;
	[tilespmem:$0x12F40] =	vst v63  }
0x1c1: {  	s26 =	rddreg [dreg:$0x18]  }
0x1c2: {  	[tilespmem:s12], [sflag:$0x3] =	stream.indirect.gather [spmem:s2], $0x80, s26, s10, $0xb8;
	[tilespmem:$0x12F40] =	vst v63  }
0x1c3: {  	_ =	swait.ge [sflag:s18], $0x8000  }
0x1c4: {  	s28 =	rddreg [dreg:$0x11];
	[sflag:s18] =	ssyncset.done $0x0  }
0x1c5: {  	[sflag:s18] =	ssyncadd.s32 $0xFFFF8000;
	s1 =	sadd.s32 s22, s28  }
0x1c6: {  	[hbm4b:s1+s3] =	stream.linear.scatter [tilespmem:s13], [sflag:$0x6], $0x8000, $0x38;
	[tilespmem:$0x12F40] =	vst v63  }
0x1c7: {  	_ =	swait.ge [sflag:s19], $0x8000  }
0x1c8: {  	[sflag:s19] =	ssyncset.done $0x0  }
0x1c9: {  	s29 =	rddreg [dreg:$0x19];
	[sflag:s19] =	ssyncadd.s32 $0xFFFF8000  }
0x1ca: {  	[tilespmem:s13], [sflag:$0x4] =	stream.indirect.gather [spmem:s2], $0x80, s29, s10, $0xb8;
	[tilespmem:$0x12F40] =	vst v63  }
0x1cb: {  	s30 =	rddreg [dreg:$0x1a]  }
0x1cc: {  	[tilespmem:s14], [sflag:$0x4] =	stream.indirect.gather [spmem:s2], $0x80, s30, s10, $0xb8;
	[tilespmem:$0x12F40] =	vst v63  }
0x1cd: {  	_ =	swait.ge [sflag:s15], $0x8000  }
0x1ce: {  	s31 =	rddreg [dreg:$0x10];
	[sflag:s15] =	ssyncset.done $0x0  }
0x1cf: {  	[sflag:s15] =	ssyncadd.s32 $0xFFFF8000;
	s1 =	sadd.s32 s22, s31  }
0x1d0: {  	[hbm4b:s1+s3] =	stream.linear.scatter [tilespmem:s11], [sflag:$0x5], $0x8000, $0x38;
	[tilespmem:$0x12F40] =	vst v63  }
0x1d1: {  	_ =	swait.ge [sflag:s17], $0x8000  }
0x1d2: {  	[sflag:s17] =	ssyncset.done $0x0  }
0x1d3: {  	s25 =	rddreg [dreg:$0x1b];
	[sflag:s17] =	ssyncadd.s32 $0xFFFF8000  }
0x1d4: {  	[tilespmem:s11], [sflag:$0x3] =	stream.indirect.gather [spmem:s2], $0x80, s25, s10, $0xb8;
	[tilespmem:$0x12F40] =	vst v63  }
0x1d5: {  	s26 =	rddreg [dreg:$0x1c]  }
0x1d6: {  	[tilespmem:s12], [sflag:$0x3] =	stream.indirect.gather [spmem:s2], $0x80, s26, s10, $0xb8;
	[tilespmem:$0x12F40] =	vst v63  }
0x1d7: {  	_ =	swait.ge [sflag:s18], $0x8000  }
0x1d8: {  	s28 =	rddreg [dreg:$0xf];
	[sflag:s18] =	ssyncset.done $0x0  }
0x1d9: {  	[sflag:s18] =	ssyncadd.s32 $0xFFFF8000;
	s1 =	sadd.s32 s22, s28  }
0x1da: {  	[hbm4b:s1+s3] =	stream.linear.scatter [tilespmem:s13], [sflag:$0x6], $0x8000, $0x38;
	[tilespmem:$0x12F40] =	vst v63  }
0x1db: {  	_ =	swait.ge [sflag:s19], $0x8000  }
0x1dc: {  	[sflag:s19] =	ssyncset.done $0x0  }
0x1dd: {  	s29 =	rddreg [dreg:$0x1d];
	[sflag:s19] =	ssyncadd.s32 $0xFFFF8000  }
0x1de: {  	[tilespmem:s13], [sflag:$0x4] =	stream.indirect.gather [spmem:s2], $0x80, s29, s10, $0xb8;
	[tilespmem:$0x12F40] =	vst v63  }
0x1df: {  	s30 =	rddreg [dreg:$0x1e]  }
0x1e0: {  	[tilespmem:s14], [sflag:$0x4] =	stream.indirect.gather [spmem:s2], $0x80, s30, s10, $0xb8;
	[tilespmem:$0x12F40] =	vst v63  }
0x1e1: {  	_ =	swait.ge [sflag:s15], $0x8000  }
0x1e2: {  	s31 =	rddreg [dreg:$0xe];
	[sflag:s15] =	ssyncset.done $0x0  }
0x1e3: {  	[sflag:s15] =	ssyncadd.s32 $0xFFFF8000;
	s1 =	sadd.s32 s22, s31  }
0x1e4: {  	[hbm4b:s1+s3] =	stream.linear.scatter [tilespmem:s11], [sflag:$0x5], $0x8000, $0x38;
	[tilespmem:$0x12F40] =	vst v63  }
0x1e5: {  	_ =	swait.ge [sflag:s17], $0x8000  }
0x1e6: {  	s25 =	rddreg [dreg:$0x1f];
	[sflag:s17] =	ssyncset.done $0x0  }
0x1e7: {  	s26 =	sld [smem:$0x7EC];
	[sflag:s17] =	ssyncadd.s32 $0xFFFF8000  }
0x1e8: {  	[tilespmem:s11], [sflag:$0x3] =	stream.indirect.gather [spmem:s2], $0x80, s25, s10, $0xb8;
	[tilespmem:$0x12F40] =	vst v63  }
0x1e9: {  	_ = 	snop  }
0x1ea: {  	[tilespmem:s12], [sflag:$0x3] =	stream.indirect.gather [spmem:s2], $0x80, s26, s10, $0xb8;
	[tilespmem:$0x12F40] =	vst v63  }
0x1eb: {  	_ =	swait.ge [sflag:s18], $0x8000  }
0x1ec: {  	s28 =	rddreg [dreg:$0xd];
	[sflag:s18] =	ssyncset.done $0x0  }
0x1ed: {  	[sflag:s18] =	ssyncadd.s32 $0xFFFF8000;
	s1 =	sadd.s32 s22, s28  }
0x1ee: {  	[hbm4b:s1+s3] =	stream.linear.scatter [tilespmem:s13], [sflag:$0x6], $0x8000, $0x38;
	[tilespmem:$0x12F40] =	vst v63  }
0x1ef: {  	_ =	swait.ge [sflag:s19], $0x8000  }
0x1f0: {  	s29 =	sld [smem:$0x7ED]  }
0x1f1: {  	[sflag:s19] =	ssyncset.done $0x0  }
0x1f2: {  	s30 =	sld [smem:$0x7EE];
	[sflag:s19] =	ssyncadd.s32 $0xFFFF8000  }
0x1f3: {  	[tilespmem:s13], [sflag:$0x4] =	stream.indirect.gather [spmem:s2], $0x80, s29, s10, $0xb8;
	[tilespmem:$0x12F40] =	vst v63  }
0x1f4: {  	_ = 	snop  }
0x1f5: {  	[tilespmem:s14], [sflag:$0x4] =	stream.indirect.gather [spmem:s2], $0x80, s30, s10, $0xb8;
	[tilespmem:$0x12F40] =	vst v63  }
0x1f6: {  	_ =	swait.ge [sflag:s15], $0x8000  }
0x1f7: {  	s31 =	rddreg [dreg:$0xc];
	[sflag:s15] =	ssyncset.done $0x0  }
0x1f8: {  	[sflag:s15] =	ssyncadd.s32 $0xFFFF8000;
	s1 =	sadd.s32 s22, s31  }
0x1f9: {  	[hbm4b:s1+s3] =	stream.linear.scatter [tilespmem:s11], [sflag:$0x5], $0x8000, $0x38;
	[tilespmem:$0x12F40] =	vst v63  }
0x1fa: {  	_ =	swait.ge [sflag:s17], $0x8000  }
0x1fb: {  	[sflag:s17] =	ssyncset.done $0x0  }
0x1fc: {  	[sflag:s17] =	ssyncadd.s32 $0xFFFF8000  }
0x1fd: {  	_ =	swait.ge [sflag:s20], $0x800  }
0x1fe: {  	[sflag:s20] =	ssyncset.done $0x0  }
0x1ff: {  	s25 =	sld [smem:$0x7EF];
	[sflag:s20] =	ssyncadd.s32 $0xFFFFF800  }
0x200: {  	[tilespmem:s11], [sflag:$0x3] =	stream.indirect.gather [spmem:s2], $0x80, s16, s10, $0xb8;
	[tilespmem:$0x12F40] =	vst v63  }
0x201: {  	_ = 	snop  }
0x202: {  	[tilespmem:s12], [sflag:$0x3] =	stream.indirect.gather [spmem:s2], $0x80, s25, s10, $0xb8;
	[tilespmem:$0x12F40] =	vst v63  }
0x203: {  	_ =	swait.ge [sflag:s18], $0x8000  }
0x204: {  	s26 =	rddreg [dreg:$0xb];
	[sflag:s18] =	ssyncset.done $0x0  }
0x205: {  	[sflag:s18] =	ssyncadd.s32 $0xFFFF8000;
	s1 =	sadd.s32 s22, s26  }
0x206: {  	[hbm4b:s1+s3] =	stream.linear.scatter [tilespmem:s13], [sflag:$0x6], $0x8000, $0x38;
	[tilespmem:$0x12F40] =	vst v63  }
0x207: {  	_ =	swait.ge [sflag:s19], $0x8000  }
0x208: {  	s28 =	sld [smem:$0x7F0]  }
0x209: {  	[sflag:s19] =	ssyncset.done $0x0  }
0x20a: {  	s29 =	sld [smem:$0x7F1];
	[sflag:s19] =	ssyncadd.s32 $0xFFFF8000  }
0x20b: {  	[tilespmem:s13], [sflag:$0x4] =	stream.indirect.gather [spmem:s2], $0x80, s28, s10, $0xb8;
	[tilespmem:$0x12F40] =	vst v63  }
0x20c: {  	_ = 	snop  }
0x20d: {  	[tilespmem:s14], [sflag:$0x4] =	stream.indirect.gather [spmem:s2], $0x80, s29, s10, $0xb8;
	[tilespmem:$0x12F40] =	vst v63  }
0x20e: {  	s30 =	sadd.s32 $0xFFFFFFF9, s23;
	_ =	swait.ge [sflag:s15], $0x8000  }
0x20f: {  	p1 =	sgt.u32 s30, $0x187;
	[sflag:s15] =	ssyncset.done $0x0  }
0x210: {  	s25 =	simm.s32 @!p1 $0x0;
	s31 =	rddreg [dreg:$0x14];
	[sflag:s15] =	ssyncadd.s32 $0xFFFF8000  }
0x211: {  	[tilespmem:s25], [sflag:$0x1] =	stream.linear.gather @!p1 [hbm4b:s24+s25], $0x800, $0x38;
	[tilespmem:$0x12F40] =	vst v63  }
0x212: {  	s1 =	sadd.s32 s22, s31  }
0x213: {  	[hbm4b:s1+s3] =	stream.linear.scatter [tilespmem:s11], [sflag:$0x5], $0x8000, $0x38;
	[tilespmem:$0x12F40] =	vst v63  }
0x214: {  	_ =	swait.ge [sflag:s17], $0x8000  }
0x215: {  	s26 =	sld [smem:$0x7F2]  }
0x216: {  	[sflag:s17] =	ssyncset.done $0x0  }
0x217: {  	s28 =	sld [smem:$0x7F3];
	[sflag:s17] =	ssyncadd.s32 $0xFFFF8000  }
0x218: {  	[tilespmem:s11], [sflag:$0x3] =	stream.indirect.gather [spmem:s2], $0x80, s26, s10, $0xb8;
	[tilespmem:$0x12F40] =	vst v63  }
0x219: {  	_ = 	snop  }
0x21a: {  	[tilespmem:s12], [sflag:$0x3] =	stream.indirect.gather [spmem:s2], $0x80, s28, s10, $0xb8;
	[tilespmem:$0x12F40] =	vst v63  }
0x21b: {  	_ =	swait.ge [sflag:s18], $0x8000  }
0x21c: {  	s29 =	rddreg [dreg:$0xa];
	[sflag:s18] =	ssyncset.done $0x0  }
0x21d: {  	[sflag:s18] =	ssyncadd.s32 $0xFFFF8000;
	s1 =	sadd.s32 s22, s29  }
0x21e: {  	[hbm4b:s1+s3] =	stream.linear.scatter [tilespmem:s13], [sflag:$0x6], $0x8000, $0x38;
	[tilespmem:$0x12F40] =	vst v63  }
0x21f: {  	_ =	swait.ge [sflag:s19], $0x8000  }
0x220: {  	s30 =	sld [smem:$0x7F4]  }
0x221: {  	[sflag:s19] =	ssyncset.done $0x0  }
0x222: {  	s31 =	sld [smem:$0x7F5];
	[sflag:s19] =	ssyncadd.s32 $0xFFFF8000  }
0x223: {  	[tilespmem:s13], [sflag:$0x4] =	stream.indirect.gather [spmem:s2], $0x80, s30, s10, $0xb8;
	[tilespmem:$0x12F40] =	vst v63  }
0x224: {  	_ = 	snop  }
0x225: {  	[tilespmem:s14], [sflag:$0x4] =	stream.indirect.gather [spmem:s2], $0x80, s31, s10, $0xb8;
	[tilespmem:$0x12F40] =	vst v63  }
0x226: {  	_ =	swait.ge [sflag:s15], $0x8000  }
0x227: {  	s24 =	rddreg [dreg:$0x9];
	[sflag:s15] =	ssyncset.done $0x0  }
0x228: {  	[sflag:s15] =	ssyncadd.s32 $0xFFFF8000;
	s1 =	sadd.s32 s22, s24  }
0x229: {  	[hbm4b:s1+s3] =	stream.linear.scatter [tilespmem:s11], [sflag:$0x5], $0x8000, $0x38;
	[tilespmem:$0x12F40] =	vst v63  }
0x22a: {  	_ =	swait.ge [sflag:s17], $0x8000  }
0x22b: {  	s25 =	sld [smem:$0x7F6]  }
0x22c: {  	[sflag:s17] =	ssyncset.done $0x0  }
0x22d: {  	s26 =	sld [smem:$0x7F7];
	[sflag:s17] =	ssyncadd.s32 $0xFFFF8000  }
0x22e: {  	[tilespmem:s11], [sflag:$0x3] =	stream.indirect.gather [spmem:s2], $0x80, s25, s10, $0xb8;
	[tilespmem:$0x12F40] =	vst v63  }
0x22f: {  	_ = 	snop  }
0x230: {  	[tilespmem:s12], [sflag:$0x3] =	stream.indirect.gather [spmem:s2], $0x80, s26, s10, $0xb8;
	[tilespmem:$0x12F40] =	vst v63  }
0x231: {  	_ =	swait.ge [sflag:s18], $0x8000  }
0x232: {  	s28 =	rddreg [dreg:$0x8];
	[sflag:s18] =	ssyncset.done $0x0  }
0x233: {  	[sflag:s18] =	ssyncadd.s32 $0xFFFF8000;
	s1 =	sadd.s32 s22, s28  }
0x234: {  	[hbm4b:s1+s3] =	stream.linear.scatter [tilespmem:s13], [sflag:$0x6], $0x8000, $0x38;
	[tilespmem:$0x12F40] =	vst v63  }
0x235: {  	_ =	swait.ge [sflag:s19], $0x8000  }
0x236: {  	s29 =	sld [smem:$0x7F8]  }
0x237: {  	[sflag:s19] =	ssyncset.done $0x0  }
0x238: {  	s30 =	sld [smem:$0x7F9];
	[sflag:s19] =	ssyncadd.s32 $0xFFFF8000  }
0x239: {  	[tilespmem:s13], [sflag:$0x4] =	stream.indirect.gather [spmem:s2], $0x80, s29, s10, $0xb8;
	[tilespmem:$0x12F40] =	vst v63  }
0x23a: {  	_ = 	snop  }
0x23b: {  	[tilespmem:s14], [sflag:$0x4] =	stream.indirect.gather [spmem:s2], $0x80, s30, s10, $0xb8;
	[tilespmem:$0x12F40] =	vst v63  }
0x23c: {  	_ =	swait.ge [sflag:s15], $0x8000  }
0x23d: {  	s31 =	rddreg [dreg:$0x7];
	[sflag:s15] =	ssyncset.done $0x0  }
0x23e: {  	[sflag:s15] =	ssyncadd.s32 $0xFFFF8000;
	s1 =	sadd.s32 s22, s31  }
0x23f: {  	[hbm4b:s1+s3] =	stream.linear.scatter [tilespmem:s11], [sflag:$0x5], $0x8000, $0x38;
	[tilespmem:$0x12F40] =	vst v63  }
0x240: {  	_ =	swait.ge [sflag:s17], $0x8000  }
0x241: {  	s24 =	sld [smem:$0x7FA]  }
0x242: {  	[sflag:s17] =	ssyncset.done $0x0  }
0x243: {  	s25 =	sld [smem:$0x7FB];
	[sflag:s17] =	ssyncadd.s32 $0xFFFF8000  }
0x244: {  	[tilespmem:s11], [sflag:$0x3] =	stream.indirect.gather [spmem:s2], $0x80, s24, s10, $0xb8;
	[tilespmem:$0x12F40] =	vst v63  }
0x245: {  	_ = 	snop  }
0x246: {  	[tilespmem:s12], [sflag:$0x3] =	stream.indirect.gather [spmem:s2], $0x80, s25, s10, $0xb8;
	[tilespmem:$0x12F40] =	vst v63  }
0x247: {  	_ =	swait.ge [sflag:s18], $0x8000  }
0x248: {  	s26 =	rddreg [dreg:$0x6];
	[sflag:s18] =	ssyncset.done $0x0  }
0x249: {  	[sflag:s18] =	ssyncadd.s32 $0xFFFF8000;
	s1 =	sadd.s32 s22, s26  }
0x24a: {  	[hbm4b:s1+s3] =	stream.linear.scatter [tilespmem:s13], [sflag:$0x6], $0x8000, $0x38;
	[tilespmem:$0x12F40] =	vst v63  }
0x24b: {  	_ =	swait.ge [sflag:s19], $0x8000  }
0x24c: {  	s28 =	sld [smem:$0x7FC]  }
0x24d: {  	[sflag:s19] =	ssyncset.done $0x0  }
0x24e: {  	s29 =	sld [smem:$0x7FD];
	[sflag:s19] =	ssyncadd.s32 $0xFFFF8000  }
0x24f: {  	[tilespmem:s13], [sflag:$0x4] =	stream.indirect.gather [spmem:s2], $0x80, s28, s10, $0xb8;
	[tilespmem:$0x12F40] =	vst v63  }
0x250: {  	_ = 	snop  }
0x251: {  	[tilespmem:s14], [sflag:$0x4] =	stream.indirect.gather [spmem:s2], $0x80, s29, s10, $0xb8;
	[tilespmem:$0x12F40] =	vst v63  }
0x252: {  	_ =	swait.ge [sflag:s15], $0x8000  }
0x253: {  	s30 =	rddreg [dreg:$0x5];
	[sflag:s15] =	ssyncset.done $0x0  }
0x254: {  	p1 =	sgt.u32 s23, $0x18E;
	[sflag:s15] =	ssyncadd.s32 $0xFFFF8000;
	s1 =	sadd.s32 s22, s30  }
0x255: {  	[hbm4b:s1+s3] =	stream.linear.scatter [tilespmem:s11], [sflag:$0x5], $0x8000, $0x38;
	[tilespmem:$0x12F40] =	vst v63  }
0x256: {  	s1 =	simm.s32 @!p1 $0x5  }
0x257: {  	_ =	swait.ge @!p1 [sflag:s1], $0x8000  }
0x258: {  	[sflag:s1] =	ssyncset.done @!p1 $0x0  }
0x259: {  	s23 =	simm.s32 @!p1 $0x1;
	[sflag:s1] =	ssyncadd.s32 @!p1 $0xFFFF8000  }
0x25a: {  	_ =	swait.ge @!p1 [sflag:s23], $0x800  }
0x25b: {  	s24 =	simm.s32 @!p1 $0x80;
	[sflag:s23] =	ssyncset.done @!p1 $0x0  }
0x25c: {  	s25 =	simm.s32 @!p1 $0x0;
	s1 =	simm.s32 @!p1 $0x1000;
	[sflag:s23] =	ssyncadd.s32 @!p1 $0xFFFFF800  }
0x25d: {  	[tilespmem:s1], [sflag:$0x3] =	stream.indirect.gather @!p1 [spmem:s2], $0x80, s25, s24, $0xb8;
	[tilespmem:$0x12F40] =	vst v63  }
0x25e: {  	s1 =	simm.s32 @!p1 $0x5000  }
0x25f: {  	[tilespmem:s1], [sflag:$0x3] =	stream.indirect.gather @!p1 [spmem:s2], $0x80, s24, s24, $0xb8;
	[tilespmem:$0x12F40] =	vst v63  }
0x260: {  	_ =	swait.ge [sflag:s18], $0x8000  }
0x261: {  	s31 =	rddreg [dreg:$0x13];
	[sflag:s18] =	ssyncset.done $0x0  }
0x262: {  	s21 =	sadd.s32 $0x1, s21;
	[sflag:s18] =	ssyncadd.s32 $0xFFFF8000;
	s1 =	sadd.s32 s22, s31  }
0x263: {  	[hbm4b:s1+s3] =	stream.linear.scatter [tilespmem:s13], [sflag:$0x6], $0x8000, $0x38;
	[tilespmem:$0x12F40] =	vst v63  }
0x264: {  	p1 =	sne.s32 s21, s5;
	_ =	swait.ge [sflag:s17], $0x8000  }
.Ltmp1:
0x265: {  	[sflag:s17] =	ssyncset.done $0x0;
	(pc) =	sbr.rel @p1 .LBB2_1-.Ltmp1, $4  }
0x266: {  	[sflag:s17] =	ssyncadd.s32 $0xFFFF8000  }
0x267: {  	_ =	swait.ge [sflag:s19], $0x8000  }
0x268: {  	[sflag:s19] =	ssyncset.done $0x0  }
0x269: {  	[sflag:s19] =	ssyncadd.s32 $0xFFFF8000  }
0x26a: {  	_ =	sfence.sel $0x180000  }
0x26b: {  	[bflag:$0x0] =	sbarrier.arrive $0xFFFF  }
0x26c: {  	_ =	strace $0x90000047  }
0x26d: {  	[bflag:$0x2] =	sbarrier.arrive $0xFFFF  }
0x26e: {  	s0 =	rddreg [dreg:$0x4]  }
0x26f: {  	s0 =	sadd.s32 @!p0 $0x100000, s0  }
0x270: {  	[sflag:s0] =	ssyncadd.tile.s32 @!p0 $0x1;
	_ =	shalt  }
.Lfunc_end2:
_tile_overlayer_lowered:
.L_overlay_start_2:
0x271: {  	(tag) =	ssettag $0x2  }
0x272: {  	s0 =	rddreg [dreg:$0x0];
	s2 =	stileid.u32  }
0x273: {  	s1 =	rddreg [dreg:$0x1];
	p0 =	sne.s32 s2, $0x0  }
0x274: {  	s3 =	rddreg [dreg:$0x2];
	[bflag:$0x3] =	sbarrier.arrive $0xFFFF;
	s2 =	simm.s32 @!p0 $0x1C07  }
0x275: {  	[timem:s3], [sflag:s2] =	dma.local @!p0 [hbm:s0], s1  }
0x276: {  	s0 =	simm.s32 @!p0 $0x7  }
0x277: {  	_ =	swait.ge @!p0 [sflag:s0], s1  }
0x278: {  	s1 =	ssub.s32 @!p0 $0x0, s1;
	[sflag:s0] =	ssyncset.done @!p0 $0x0  }
0x279: {  	[sflag:s0] =	ssyncadd.s32 @!p0 s1  }
0x27a: {  	[bflag:$0x3] =	sbarrier.arrive $0xFFFF  }
0x27b: {  	_ =	shalt  }

</sc_bundles>
